<compile_context>
chip_gen: v7x
topology: tpu7x:2x2x1
jax: 0.10.2.dev20260603
libtpu: 0.0.44.dev20260713+nightly
codegen_flags: <defaults>
</compile_context>

<pallas_src>
import jax
import jax.numpy as jnp
from jax import lax
from jax.experimental import pallas as pl
from jax.experimental.pallas import tpu as pltpu
from jax.experimental.pallas import tpu_sc as plsc

NUM_BUCKETS = 32
HEADS = 16
SEQ = 2048
SCALE = 0.125
WLEN = 2 * SEQ
LANES = 16

THRESH = (16, 19, 21, 24, 27, 31, 35, 40, 46, 52, 59, 67, 77, 87, 99, 113)

R = 8
NBUF = 4
ROWS_PER_WORKER = SEQ // 2
NCHUNK = ROWS_PER_WORKER // R


def _sc_body(qk_hbm, tab_hbm, out_hbm,
             tab_v, w_v, b0, b1, b2, b3,
             si0, si1, si2, si3, so0, so1, so2, so3):
    core = lax.axis_index("c")
    head = lax.axis_index("s")

    pltpu.sync_copy(tab_hbm.at[head], tab_v)
    t_lo = tab_v[pl.ds(0, LANES)]
    t_hi = tab_v[pl.ds(LANES, LANES)]
    tvals = [t_lo[b] for b in range(LANES)] + [t_hi[b] for b in range(LANES)]

    lanes = lax.iota(jnp.int32, LANES)
    one = jnp.ones((LANES,), jnp.int32)
    zero = jnp.zeros((LANES,), jnp.int32)

    row_base = core * ROWS_PER_WORKER
    bufs = (b0, b1, b2, b3)
    sis = (si0, si1, si2, si3)
    sos = (so0, so1, so2, so3)

    def in_slice(g):
        return qk_hbm.at[0, head, pl.ds(row_base + g * R, R), :]

    def out_slice(g):
        return out_hbm.at[0, head, pl.ds(row_base + g * R, R), :]

    pltpu.async_copy(in_slice(0), bufs[0], sis[0])
    pltpu.async_copy(in_slice(1), bufs[1], sis[1])

    @plsc.parallel_loop(0, WLEN // LANES, unroll=2)
    def wbody(mb):
        m = mb * LANES + lanes
        n = jnp.maximum(SEQ - 1 - m, 0)
        big = jnp.zeros((LANES,), jnp.int32) + 15
        for t in THRESH:
            big = big + jnp.where(n >= t, one, zero)
        bucket = jnp.where(n < 16, n, big)
        val = jnp.zeros((LANES,), jnp.float32) + tvals[0]
        for b in range(1, NUM_BUCKETS):
            val = jnp.where(bucket == b, tvals[b], val)
        w_v[pl.ds(mb * LANES, LANES)] = val * SCALE

    def chunk_body(t, carry):
        for b in range(NBUF):
            g = t * NBUF + b
            bn = (b + 2) % NBUF
            ib, si, so = bufs[b], sis[b], sos[b]

            @pl.when(g + 2 < NCHUNK)
            def _prefetch():
                @pl.when(g + 2 >= NBUF)
                def _wait_prev_out():
                    pltpu.make_async_copy(
                        bufs[bn], out_slice(g + 2), sos[bn]).wait()
                pltpu.async_copy(in_slice(g + 2), bufs[bn], sis[bn])

            pltpu.make_async_copy(in_slice(g), ib, si).wait()

            off0 = SEQ - 1 - (row_base + g * R)

            @plsc.parallel_loop(0, SEQ // LANES, unroll=4)
            def cbody(ci):
                base = ci * LANES
                for r in range(R):
                    wv = w_v[pl.ds(off0 - r + base, LANES)]
                    plsc.addupdate(ib.at[r, pl.ds(base, LANES)], wv)

            pltpu.async_copy(ib, out_slice(g), so)

        return carry

    lax.fori_loop(0, NCHUNK // NBUF, chunk_body, 0)

    for b in range(NBUF):
        pltpu.make_async_copy(bufs[b], out_slice(NCHUNK - NBUF + b), sos[b]).wait()


def kernel(qk_dots, rel_bias_table):
    mesh = plsc.VectorSubcoreMesh(core_axis_name="c", subcore_axis_name="s")
    f = pl.kernel(
        _sc_body,
        out_type=jax.ShapeDtypeStruct(qk_dots.shape, qk_dots.dtype),
        mesh=mesh,
        scratch_types=[
            pltpu.VMEM((NUM_BUCKETS,), jnp.float32),
            pltpu.VMEM((WLEN,), jnp.float32),
            pltpu.VMEM((R, SEQ), jnp.float32),
            pltpu.VMEM((R, SEQ), jnp.float32),
            pltpu.VMEM((R, SEQ), jnp.float32),
            pltpu.VMEM((R, SEQ), jnp.float32),
            pltpu.SemaphoreType.DMA,
            pltpu.SemaphoreType.DMA,
            pltpu.SemaphoreType.DMA,
            pltpu.SemaphoreType.DMA,
            pltpu.SemaphoreType.DMA,
            pltpu.SemaphoreType.DMA,
            pltpu.SemaphoreType.DMA,
            pltpu.SemaphoreType.DMA,
        ],
    )
    return f(qk_dots, rel_bias_table.T)

# --- scband reference (transcript-rebuilt; emitter-appended) ---
"""Pipeline reference for scband-t5-relative-position-bias-9629316677884 (READ-ONLY COPY).

The authoritative reference and input builder live on the scoring server;
editing this copy changes nothing except your own understanding.
"""

import jax, jax.numpy as jnp
import numpy as np
import math

NUM_BUCKETS = 32
MAX_DISTANCE = 128
HEADS = 16
SCALE = 0.125


def _relative_position_bucket(relative_position, num_buckets=NUM_BUCKETS, max_distance=MAX_DISTANCE):
    n = -relative_position
    n = jnp.maximum(n, jnp.zeros_like(n))
    max_exact = num_buckets // 2
    is_small = n < max_exact
    val_if_large = max_exact + (
        jnp.log(n.astype(jnp.float32) / max_exact)
        / math.log(max_distance / max_exact)
        * (num_buckets - max_exact)
    ).astype(jnp.int32)
    val_if_large = jnp.minimum(val_if_large, jnp.full_like(val_if_large, num_buckets - 1))
    return jnp.where(is_small, n, val_if_large)


def setup_inputs(seed: int = 0) -> dict:
    key = jax.random.key(seed)
    k1, k2 = jax.random.split(key)
    qk_dots = jax.random.normal(k1, (1, HEADS, 2048, 2048), dtype=jnp.float32)
    # learned embedding table: nn.Embedding(num_buckets, heads)
    rel_bias_table = jax.random.normal(k2, (NUM_BUCKETS, HEADS), dtype=jnp.float32)
    return {"qk_dots": qk_dots, "rel_bias_table": rel_bias_table}


def reference(qk_dots, rel_bias_table):
    i = qk_dots.shape[-2]
    j = qk_dots.shape[-1]
    q_pos = jnp.arange(i, dtype=jnp.int32)
    k_pos = jnp.arange(j, dtype=jnp.int32)
    rel_pos = k_pos[None, :] - q_pos[:, None]
    rp_bucket = _relative_position_bucket(rel_pos, NUM_BUCKETS, MAX_DISTANCE)
    # embedding lookup: gather rows of the table
    values = jnp.take(rel_bias_table, rp_bucket, axis=0)  # [i, j, h]
    bias = jnp.transpose(values, (2, 0, 1))[None, ...]  # [1, h, i, j]
    return qk_dots + bias * SCALE

if __name__ == "__main__":
    import jax
    _d = setup_inputs()
    print(jax.jit(kernel)(*tuple(_d.values())))

</pallas_src>

<mosaic_0001>
#map = affine_map<(d0, d1) -> (0, 0, 0, 0)>
#map1 = affine_map<(d0, d1) -> (0, 0)>
module attributes {stable_mosaic.version = 14 : i64} {
  func.func @_sc_body(%arg0: i32, %arg1: i32, %arg2: memref<1x16x2048x2048xf32, #tpu.memory_space<hbm>>, %arg3: memref<16x32xf32, #tpu.memory_space<hbm>>, %arg4: memref<1x16x2048x2048xf32, #tpu.memory_space<hbm>>, %arg5: memref<32xf32, #tpu.memory_space<vmem>>, %arg6: memref<4096xf32, #tpu.memory_space<vmem>>, %arg7: memref<8x2048xf32, #tpu.memory_space<vmem>>, %arg8: memref<8x2048xf32, #tpu.memory_space<vmem>>, %arg9: memref<8x2048xf32, #tpu.memory_space<vmem>>, %arg10: memref<8x2048xf32, #tpu.memory_space<vmem>>, %arg11: memref<!tpu.dma_semaphore, #tpu.memory_space<semaphore_mem>>, %arg12: memref<!tpu.dma_semaphore, #tpu.memory_space<semaphore_mem>>, %arg13: memref<!tpu.dma_semaphore, #tpu.memory_space<semaphore_mem>>, %arg14: memref<!tpu.dma_semaphore, #tpu.memory_space<semaphore_mem>>, %arg15: memref<!tpu.dma_semaphore, #tpu.memory_space<semaphore_mem>>, %arg16: memref<!tpu.dma_semaphore, #tpu.memory_space<semaphore_mem>>, %arg17: memref<!tpu.dma_semaphore, #tpu.memory_space<semaphore_mem>>, %arg18: memref<!tpu.dma_semaphore, #tpu.memory_space<semaphore_mem>>) attributes {dimension_semantics = [#tpu.dimension_semantics<core_parallel>, #tpu.dimension_semantics<subcore_parallel>], iteration_bounds = array<i64: 2, 16>, scalar_prefetch = 0 : i64, scratch_operands = 14 : i64, tpu.core_type = #tpu.core_type<sc_vector_subcore>, window_params = [{transform_indices = #map}, {transform_indices = #map1}, {transform_indices = #map}]} {
    "tpu.region"() ({
      %run_scoped3A = tpu.sem_alloc : memref<!tpu.dma_semaphore, #tpu.memory_space<semaphore_mem>>
      %dma_start3A_129 = arith.constant 0 : i32
      %dma_start3A_130 = tpu.memref_slice %arg3[%arg1, %dma_start3A_129] : memref<16x32xf32, #tpu.memory_space<hbm>> -> memref<1x32xf32, #tpu.memory_space<hbm>>
      %dma_start3A_131 = tpu.memref_squeeze %dma_start3A_130 : memref<1x32xf32, #tpu.memory_space<hbm>> -> memref<32xf32, #tpu.memory_space<hbm>>
      %dma_start3A_132 = arith.constant 0 : i32
      %dma_start3A_133 = tpu.memref_slice %arg3[%arg1, %dma_start3A_132] : memref<16x32xf32, #tpu.memory_space<hbm>> -> memref<1x32xf32, #tpu.memory_space<hbm>>
      %dma_start3A_134 = tpu.memref_squeeze %dma_start3A_133 : memref<1x32xf32, #tpu.memory_space<hbm>> -> memref<32xf32, #tpu.memory_space<hbm>>
      tpu.enqueue_dma source(%dma_start3A_134 : memref<32xf32, #tpu.memory_space<hbm>>) target(%arg5 : memref<32xf32, #tpu.memory_space<vmem>>) target_semaphore(%run_scoped3A : memref<!tpu.dma_semaphore, #tpu.memory_space<semaphore_mem>>)
      %dma_wait3A_135 = arith.constant 0 : i32
      %dma_wait3A_136 = tpu.memref_slice %arg3[%arg1, %dma_wait3A_135] : memref<16x32xf32, #tpu.memory_space<hbm>> -> memref<1x32xf32, #tpu.memory_space<hbm>>
      %dma_wait3A_137 = tpu.memref_squeeze %dma_wait3A_136 : memref<1x32xf32, #tpu.memory_space<hbm>> -> memref<32xf32, #tpu.memory_space<hbm>>
      %dma_wait3A_138 = arith.constant 0 : i32
      %dma_wait3A_139 = tpu.memref_slice %arg3[%arg1, %dma_wait3A_138] : memref<16x32xf32, #tpu.memory_space<hbm>> -> memref<1x32xf32, #tpu.memory_space<hbm>>
      %dma_wait3A_140 = tpu.memref_squeeze %dma_wait3A_139 : memref<1x32xf32, #tpu.memory_space<hbm>> -> memref<32xf32, #tpu.memory_space<hbm>>
      tpu.wait_dma2 semaphore(%run_scoped3A : memref<!tpu.dma_semaphore, #tpu.memory_space<semaphore_mem>>) src(%dma_wait3A_140 : memref<32xf32, #tpu.memory_space<hbm>>) dst(%arg5 : memref<32xf32, #tpu.memory_space<vmem>>)
      tpu.yield
    }) : () -> ()
    %get3A = arith.constant 0 : index
    %get3A_0 = tpu.vector_load %arg5[%get3A] {strides = array<i32>} : memref<32xf32, #tpu.memory_space<vmem>>, vector<16xf32>,
    %get3A_1 = vector.shape_cast %get3A_0 : vector<16xf32> to vector<16xf32>
    %get3A_2 = arith.constant 16 : index
    %get3A_3 = tpu.vector_load %arg5[%get3A_2] {strides = array<i32>} : memref<32xf32, #tpu.memory_space<vmem>>, vector<16xf32>,
    %get3A_4 = vector.shape_cast %get3A_3 : vector<16xf32> to vector<16xf32>
    %slice3A = vector.extract_strided_slice %get3A_1 {offsets = [0], sizes = [1], strides = [1]} : vector<16xf32> to vector<1xf32>
    %squeeze3A = vector.extract %slice3A[0] : f32 from vector<1xf32>
    %slice3A_5 = vector.extract_strided_slice %get3A_1 {offsets = [1], sizes = [1], strides = [1]} : vector<16xf32> to vector<1xf32>
    %squeeze3A_6 = vector.extract %slice3A_5[0] : f32 from vector<1xf32>
    %slice3A_7 = vector.extract_strided_slice %get3A_1 {offsets = [2], sizes = [1], strides = [1]} : vector<16xf32> to vector<1xf32>
    %squeeze3A_8 = vector.extract %slice3A_7[0] : f32 from vector<1xf32>
    %slice3A_9 = vector.extract_strided_slice %get3A_1 {offsets = [3], sizes = [1], strides = [1]} : vector<16xf32> to vector<1xf32>
    %squeeze3A_10 = vector.extract %slice3A_9[0] : f32 from vector<1xf32>
    %slice3A_11 = vector.extract_strided_slice %get3A_1 {offsets = [4], sizes = [1], strides = [1]} : vector<16xf32> to vector<1xf32>
    %squeeze3A_12 = vector.extract %slice3A_11[0] : f32 from vector<1xf32>
    %slice3A_13 = vector.extract_strided_slice %get3A_1 {offsets = [5], sizes = [1], strides = [1]} : vector<16xf32> to vector<1xf32>
    %squeeze3A_14 = vector.extract %slice3A_13[0] : f32 from vector<1xf32>
    %slice3A_15 = vector.extract_strided_slice %get3A_1 {offsets = [6], sizes = [1], strides = [1]} : vector<16xf32> to vector<1xf32>
    %squeeze3A_16 = vector.extract %slice3A_15[0] : f32 from vector<1xf32>
    %slice3A_17 = vector.extract_strided_slice %get3A_1 {offsets = [7], sizes = [1], strides = [1]} : vector<16xf32> to vector<1xf32>
    %squeeze3A_18 = vector.extract %slice3A_17[0] : f32 from vector<1xf32>
    %slice3A_19 = vector.extract_strided_slice %get3A_1 {offsets = [8], sizes = [1], strides = [1]} : vector<16xf32> to vector<1xf32>
    %squeeze3A_20 = vector.extract %slice3A_19[0] : f32 from vector<1xf32>
    %slice3A_21 = vector.extract_strided_slice %get3A_1 {offsets = [9], sizes = [1], strides = [1]} : vector<16xf32> to vector<1xf32>
    %squeeze3A_22 = vector.extract %slice3A_21[0] : f32 from vector<1xf32>
    %slice3A_23 = vector.extract_strided_slice %get3A_1 {offsets = [10], sizes = [1], strides = [1]} : vector<16xf32> to vector<1xf32>
    %squeeze3A_24 = vector.extract %slice3A_23[0] : f32 from vector<1xf32>
    %slice3A_25 = vector.extract_strided_slice %get3A_1 {offsets = [11], sizes = [1], strides = [1]} : vector<16xf32> to vector<1xf32>
    %squeeze3A_26 = vector.extract %slice3A_25[0] : f32 from vector<1xf32>
    %slice3A_27 = vector.extract_strided_slice %get3A_1 {offsets = [12], sizes = [1], strides = [1]} : vector<16xf32> to vector<1xf32>
    %squeeze3A_28 = vector.extract %slice3A_27[0] : f32 from vector<1xf32>
    %slice3A_29 = vector.extract_strided_slice %get3A_1 {offsets = [13], sizes = [1], strides = [1]} : vector<16xf32> to vector<1xf32>
    %squeeze3A_30 = vector.extract %slice3A_29[0] : f32 from vector<1xf32>
    %slice3A_31 = vector.extract_strided_slice %get3A_1 {offsets = [14], sizes = [1], strides = [1]} : vector<16xf32> to vector<1xf32>
    %squeeze3A_32 = vector.extract %slice3A_31[0] : f32 from vector<1xf32>
    %slice3A_33 = vector.extract_strided_slice %get3A_1 {offsets = [15], sizes = [1], strides = [1]} : vector<16xf32> to vector<1xf32>
    %squeeze3A_34 = vector.extract %slice3A_33[0] : f32 from vector<1xf32>
    %slice3A_35 = vector.extract_strided_slice %get3A_4 {offsets = [0], sizes = [1], strides = [1]} : vector<16xf32> to vector<1xf32>
    %squeeze3A_36 = vector.extract %slice3A_35[0] : f32 from vector<1xf32>
    %slice3A_37 = vector.extract_strided_slice %get3A_4 {offsets = [1], sizes = [1], strides = [1]} : vector<16xf32> to vector<1xf32>
    %squeeze3A_38 = vector.extract %slice3A_37[0] : f32 from vector<1xf32>
    %slice3A_39 = vector.extract_strided_slice %get3A_4 {offsets = [2], sizes = [1], strides = [1]} : vector<16xf32> to vector<1xf32>
    %squeeze3A_40 = vector.extract %slice3A_39[0] : f32 from vector<1xf32>
    %slice3A_41 = vector.extract_strided_slice %get3A_4 {offsets = [3], sizes = [1], strides = [1]} : vector<16xf32> to vector<1xf32>
    %squeeze3A_42 = vector.extract %slice3A_41[0] : f32 from vector<1xf32>
    %slice3A_43 = vector.extract_strided_slice %get3A_4 {offsets = [4], sizes = [1], strides = [1]} : vector<16xf32> to vector<1xf32>
    %squeeze3A_44 = vector.extract %slice3A_43[0] : f32 from vector<1xf32>
    %slice3A_45 = vector.extract_strided_slice %get3A_4 {offsets = [5], sizes = [1], strides = [1]} : vector<16xf32> to vector<1xf32>
    %squeeze3A_46 = vector.extract %slice3A_45[0] : f32 from vector<1xf32>
    %slice3A_47 = vector.extract_strided_slice %get3A_4 {offsets = [6], sizes = [1], strides = [1]} : vector<16xf32> to vector<1xf32>
    %squeeze3A_48 = vector.extract %slice3A_47[0] : f32 from vector<1xf32>
    %slice3A_49 = vector.extract_strided_slice %get3A_4 {offsets = [7], sizes = [1], strides = [1]} : vector<16xf32> to vector<1xf32>
    %squeeze3A_50 = vector.extract %slice3A_49[0] : f32 from vector<1xf32>
    %slice3A_51 = vector.extract_strided_slice %get3A_4 {offsets = [8], sizes = [1], strides = [1]} : vector<16xf32> to vector<1xf32>
    %squeeze3A_52 = vector.extract %slice3A_51[0] : f32 from vector<1xf32>
    %slice3A_53 = vector.extract_strided_slice %get3A_4 {offsets = [9], sizes = [1], strides = [1]} : vector<16xf32> to vector<1xf32>
    %squeeze3A_54 = vector.extract %slice3A_53[0] : f32 from vector<1xf32>
    %slice3A_55 = vector.extract_strided_slice %get3A_4 {offsets = [10], sizes = [1], strides = [1]} : vector<16xf32> to vector<1xf32>
    %squeeze3A_56 = vector.extract %slice3A_55[0] : f32 from vector<1xf32>
    %slice3A_57 = vector.extract_strided_slice %get3A_4 {offsets = [11], sizes = [1], strides = [1]} : vector<16xf32> to vector<1xf32>
    %squeeze3A_58 = vector.extract %slice3A_57[0] : f32 from vector<1xf32>
    %slice3A_59 = vector.extract_strided_slice %get3A_4 {offsets = [12], sizes = [1], strides = [1]} : vector<16xf32> to vector<1xf32>
    %squeeze3A_60 = vector.extract %slice3A_59[0] : f32 from vector<1xf32>
    %slice3A_61 = vector.extract_strided_slice %get3A_4 {offsets = [13], sizes = [1], strides = [1]} : vector<16xf32> to vector<1xf32>
    %squeeze3A_62 = vector.extract %slice3A_61[0] : f32 from vector<1xf32>
    %slice3A_63 = vector.extract_strided_slice %get3A_4 {offsets = [14], sizes = [1], strides = [1]} : vector<16xf32> to vector<1xf32>
    %squeeze3A_64 = vector.extract %slice3A_63[0] : f32 from vector<1xf32>
    %slice3A_65 = vector.extract_strided_slice %get3A_4 {offsets = [15], sizes = [1], strides = [1]} : vector<16xf32> to vector<1xf32>
    %squeeze3A_66 = vector.extract %slice3A_65[0] : f32 from vector<1xf32>
    %iota3A = tpu.iota {dimensions = array<i32: 0>} : vector<16xi32>
    %broadcast_in_dim3A = arith.constant 1 : i32
    %broadcast_in_dim3A_67 = vector.broadcast %broadcast_in_dim3A : i32 to vector<16xi32>
    %broadcast_in_dim3A_68 = arith.constant 0 : i32
    %broadcast_in_dim3A_69 = vector.broadcast %broadcast_in_dim3A_68 : i32 to vector<16xi32>
    %mul3A = arith.constant 1024 : i32
    %mul3A_70 = arith.muli %arg0, %mul3A : i32
    %add3A = arith.constant 0 : i32
    %add3A_71 = arith.addi %mul3A_70, %add3A : i32
    %dma_start3A = arith.constant 0 : i32
    %dma_start3A_72 = arith.constant 0 : i32
    %dma_start3A_73 = tpu.memref_slice %arg2[%dma_start3A, %arg1, %add3A_71, %dma_start3A_72] : memref<1x16x2048x2048xf32, #tpu.memory_space<hbm>> -> memref<1x1x8x2048xf32, #tpu.memory_space<hbm>>
    %dma_start3A_74 = tpu.memref_squeeze %dma_start3A_73 : memref<1x1x8x2048xf32, #tpu.memory_space<hbm>> -> memref<8x2048xf32, #tpu.memory_space<hbm>>
    %dma_start3A_75 = arith.constant 0 : i32
    %dma_start3A_76 = tpu.memref_slice %arg2[%dma_start3A, %arg1, %add3A_71, %dma_start3A_75] : memref<1x16x2048x2048xf32, #tpu.memory_space<hbm>> -> memref<1x1x8x2048xf32, #tpu.memory_space<hbm>>
    %dma_start3A_77 = tpu.memref_squeeze %dma_start3A_76 : memref<1x1x8x2048xf32, #tpu.memory_space<hbm>> -> memref<8x2048xf32, #tpu.memory_space<hbm>>
    tpu.enqueue_dma source(%dma_start3A_77 : memref<8x2048xf32, #tpu.memory_space<hbm>>) target(%arg7 : memref<8x2048xf32, #tpu.memory_space<vmem>>) target_semaphore(%arg11 : memref<!tpu.dma_semaphore, #tpu.memory_space<semaphore_mem>>)
    %add3A_78 = arith.constant 8 : i32
    %add3A_79 = arith.addi %mul3A_70, %add3A_78 : i32
    %dma_start3A_80 = arith.constant 0 : i32
    %dma_start3A_81 = arith.constant 0 : i32
    %dma_start3A_82 = tpu.memref_slice %arg2[%dma_start3A_80, %arg1, %add3A_79, %dma_start3A_81] : memref<1x16x2048x2048xf32, #tpu.memory_space<hbm>> -> memref<1x1x8x2048xf32, #tpu.memory_space<hbm>>
    %dma_start3A_83 = tpu.memref_squeeze %dma_start3A_82 : memref<1x1x8x2048xf32, #tpu.memory_space<hbm>> -> memref<8x2048xf32, #tpu.memory_space<hbm>>
    %dma_start3A_84 = arith.constant 0 : i32
    %dma_start3A_85 = tpu.memref_slice %arg2[%dma_start3A_80, %arg1, %add3A_79, %dma_start3A_84] : memref<1x16x2048x2048xf32, #tpu.memory_space<hbm>> -> memref<1x1x8x2048xf32, #tpu.memory_space<hbm>>
    %dma_start3A_86 = tpu.memref_squeeze %dma_start3A_85 : memref<1x1x8x2048xf32, #tpu.memory_space<hbm>> -> memref<8x2048xf32, #tpu.memory_space<hbm>>
    tpu.enqueue_dma source(%dma_start3A_86 : memref<8x2048xf32, #tpu.memory_space<hbm>>) target(%arg8 : memref<8x2048xf32, #tpu.memory_space<vmem>>) target_semaphore(%arg12 : memref<!tpu.dma_semaphore, #tpu.memory_space<semaphore_mem>>)
    %parallel_loop3A = arith.constant 0 : i32
    %parallel_loop3A_87 = arith.constant 256 : i32
    %parallel_loop3A_88 = arith.constant 1 : i32
    scf.for %parallel_loop3A_129 = %parallel_loop3A to %parallel_loop3A_87 step %parallel_loop3A_88  : i32 {
      %parallel_loop3A_130 = arith.constant 16 : i32
      %parallel_loop3A_131 = arith.muli %parallel_loop3A_129, %parallel_loop3A_130 : i32
      %parallel_loop3A_132 = vector.broadcast %parallel_loop3A_131 : i32 to vector<16xi32>
      %parallel_loop3A_133 = arith.addi %parallel_loop3A_132, %iota3A : vector<16xi32>
      %parallel_loop3A_134 = arith.constant 2047 : i32
      %parallel_loop3A_135 = vector.broadcast %parallel_loop3A_134 : i32 to vector<16xi32>
      %parallel_loop3A_136 = arith.subi %parallel_loop3A_135, %parallel_loop3A_133 : vector<16xi32>
      %parallel_loop3A_137 = arith.constant 0 : i32
      %parallel_loop3A_138 = vector.broadcast %parallel_loop3A_137 : i32 to vector<16xi32>
      %parallel_loop3A_139 = arith.maxsi %parallel_loop3A_136, %parallel_loop3A_138 : vector<16xi32>
      %parallel_loop3A_140 = arith.constant 0 : i32
      %parallel_loop3A_141 = vector.broadcast %parallel_loop3A_140 : i32 to vector<16xi32>
      %parallel_loop3A_142 = arith.constant 15 : i32
      %parallel_loop3A_143 = vector.broadcast %parallel_loop3A_142 : i32 to vector<16xi32>
      %parallel_loop3A_144 = arith.addi %parallel_loop3A_141, %parallel_loop3A_143 : vector<16xi32>
      %parallel_loop3A_145 = arith.constant 16 : i32
      %parallel_loop3A_146 = vector.broadcast %parallel_loop3A_145 : i32 to vector<16xi32>
      %parallel_loop3A_147 = arith.cmpi sge, %parallel_loop3A_139, %parallel_loop3A_146 : vector<16xi32>
      %parallel_loop3A_148 = arith.select %parallel_loop3A_147, %broadcast_in_dim3A_67, %broadcast_in_dim3A_69 : vector<16xi1>, vector<16xi32>
      %parallel_loop3A_149 = arith.addi %parallel_loop3A_144, %parallel_loop3A_148 : vector<16xi32>
      %parallel_loop3A_150 = arith.constant 19 : i32
      %parallel_loop3A_151 = vector.broadcast %parallel_loop3A_150 : i32 to vector<16xi32>
      %parallel_loop3A_152 = arith.cmpi sge, %parallel_loop3A_139, %parallel_loop3A_151 : vector<16xi32>
      %parallel_loop3A_153 = arith.select %parallel_loop3A_152, %broadcast_in_dim3A_67, %broadcast_in_dim3A_69 : vector<16xi1>, vector<16xi32>
      %parallel_loop3A_154 = arith.addi %parallel_loop3A_149, %parallel_loop3A_153 : vector<16xi32>
      %parallel_loop3A_155 = arith.constant 21 : i32
      %parallel_loop3A_156 = vector.broadcast %parallel_loop3A_155 : i32 to vector<16xi32>
      %parallel_loop3A_157 = arith.cmpi sge, %parallel_loop3A_139, %parallel_loop3A_156 : vector<16xi32>
      %parallel_loop3A_158 = arith.select %parallel_loop3A_157, %broadcast_in_dim3A_67, %broadcast_in_dim3A_69 : vector<16xi1>, vector<16xi32>
      %parallel_loop3A_159 = arith.addi %parallel_loop3A_154, %parallel_loop3A_158 : vector<16xi32>
      %parallel_loop3A_160 = arith.constant 24 : i32
      %parallel_loop3A_161 = vector.broadcast %parallel_loop3A_160 : i32 to vector<16xi32>
      %parallel_loop3A_162 = arith.cmpi sge, %parallel_loop3A_139, %parallel_loop3A_161 : vector<16xi32>
      %parallel_loop3A_163 = arith.select %parallel_loop3A_162, %broadcast_in_dim3A_67, %broadcast_in_dim3A_69 : vector<16xi1>, vector<16xi32>
      %parallel_loop3A_164 = arith.addi %parallel_loop3A_159, %parallel_loop3A_163 : vector<16xi32>
      %parallel_loop3A_165 = arith.constant 27 : i32
      %parallel_loop3A_166 = vector.broadcast %parallel_loop3A_165 : i32 to vector<16xi32>
      %parallel_loop3A_167 = arith.cmpi sge, %parallel_loop3A_139, %parallel_loop3A_166 : vector<16xi32>
      %parallel_loop3A_168 = arith.select %parallel_loop3A_167, %broadcast_in_dim3A_67, %broadcast_in_dim3A_69 : vector<16xi1>, vector<16xi32>
      %parallel_loop3A_169 = arith.addi %parallel_loop3A_164, %parallel_loop3A_168 : vector<16xi32>
      %parallel_loop3A_170 = arith.constant 31 : i32
      %parallel_loop3A_171 = vector.broadcast %parallel_loop3A_170 : i32 to vector<16xi32>
      %parallel_loop3A_172 = arith.cmpi sge, %parallel_loop3A_139, %parallel_loop3A_171 : vector<16xi32>
      %parallel_loop3A_173 = arith.select %parallel_loop3A_172, %broadcast_in_dim3A_67, %broadcast_in_dim3A_69 : vector<16xi1>, vector<16xi32>
      %parallel_loop3A_174 = arith.addi %parallel_loop3A_169, %parallel_loop3A_173 : vector<16xi32>
      %parallel_loop3A_175 = arith.constant 35 : i32
      %parallel_loop3A_176 = vector.broadcast %parallel_loop3A_175 : i32 to vector<16xi32>
      %parallel_loop3A_177 = arith.cmpi sge, %parallel_loop3A_139, %parallel_loop3A_176 : vector<16xi32>
      %parallel_loop3A_178 = arith.select %parallel_loop3A_177, %broadcast_in_dim3A_67, %broadcast_in_dim3A_69 : vector<16xi1>, vector<16xi32>
      %parallel_loop3A_179 = arith.addi %parallel_loop3A_174, %parallel_loop3A_178 : vector<16xi32>
      %parallel_loop3A_180 = arith.constant 40 : i32
      %parallel_loop3A_181 = vector.broadcast %parallel_loop3A_180 : i32 to vector<16xi32>
      %parallel_loop3A_182 = arith.cmpi sge, %parallel_loop3A_139, %parallel_loop3A_181 : vector<16xi32>
      %parallel_loop3A_183 = arith.select %parallel_loop3A_182, %broadcast_in_dim3A_67, %broadcast_in_dim3A_69 : vector<16xi1>, vector<16xi32>
      %parallel_loop3A_184 = arith.addi %parallel_loop3A_179, %parallel_loop3A_183 : vector<16xi32>
      %parallel_loop3A_185 = arith.constant 46 : i32
      %parallel_loop3A_186 = vector.broadcast %parallel_loop3A_185 : i32 to vector<16xi32>
      %parallel_loop3A_187 = arith.cmpi sge, %parallel_loop3A_139, %parallel_loop3A_186 : vector<16xi32>
      %parallel_loop3A_188 = arith.select %parallel_loop3A_187, %broadcast_in_dim3A_67, %broadcast_in_dim3A_69 : vector<16xi1>, vector<16xi32>
      %parallel_loop3A_189 = arith.addi %parallel_loop3A_184, %parallel_loop3A_188 : vector<16xi32>
      %parallel_loop3A_190 = arith.constant 52 : i32
      %parallel_loop3A_191 = vector.broadcast %parallel_loop3A_190 : i32 to vector<16xi32>
      %parallel_loop3A_192 = arith.cmpi sge, %parallel_loop3A_139, %parallel_loop3A_191 : vector<16xi32>
      %parallel_loop3A_193 = arith.select %parallel_loop3A_192, %broadcast_in_dim3A_67, %broadcast_in_dim3A_69 : vector<16xi1>, vector<16xi32>
      %parallel_loop3A_194 = arith.addi %parallel_loop3A_189, %parallel_loop3A_193 : vector<16xi32>
      %parallel_loop3A_195 = arith.constant 59 : i32
      %parallel_loop3A_196 = vector.broadcast %parallel_loop3A_195 : i32 to vector<16xi32>
      %parallel_loop3A_197 = arith.cmpi sge, %parallel_loop3A_139, %parallel_loop3A_196 : vector<16xi32>
      %parallel_loop3A_198 = arith.select %parallel_loop3A_197, %broadcast_in_dim3A_67, %broadcast_in_dim3A_69 : vector<16xi1>, vector<16xi32>
      %parallel_loop3A_199 = arith.addi %parallel_loop3A_194, %parallel_loop3A_198 : vector<16xi32>
      %parallel_loop3A_200 = arith.constant 67 : i32
      %parallel_loop3A_201 = vector.broadcast %parallel_loop3A_200 : i32 to vector<16xi32>
      %parallel_loop3A_202 = arith.cmpi sge, %parallel_loop3A_139, %parallel_loop3A_201 : vector<16xi32>
      %parallel_loop3A_203 = arith.select %parallel_loop3A_202, %broadcast_in_dim3A_67, %broadcast_in_dim3A_69 : vector<16xi1>, vector<16xi32>
      %parallel_loop3A_204 = arith.addi %parallel_loop3A_199, %parallel_loop3A_203 : vector<16xi32>
      %parallel_loop3A_205 = arith.constant 77 : i32
      %parallel_loop3A_206 = vector.broadcast %parallel_loop3A_205 : i32 to vector<16xi32>
      %parallel_loop3A_207 = arith.cmpi sge, %parallel_loop3A_139, %parallel_loop3A_206 : vector<16xi32>
      %parallel_loop3A_208 = arith.select %parallel_loop3A_207, %broadcast_in_dim3A_67, %broadcast_in_dim3A_69 : vector<16xi1>, vector<16xi32>
      %parallel_loop3A_209 = arith.addi %parallel_loop3A_204, %parallel_loop3A_208 : vector<16xi32>
      %parallel_loop3A_210 = arith.constant 87 : i32
      %parallel_loop3A_211 = vector.broadcast %parallel_loop3A_210 : i32 to vector<16xi32>
      %parallel_loop3A_212 = arith.cmpi sge, %parallel_loop3A_139, %parallel_loop3A_211 : vector<16xi32>
      %parallel_loop3A_213 = arith.select %parallel_loop3A_212, %broadcast_in_dim3A_67, %broadcast_in_dim3A_69 : vector<16xi1>, vector<16xi32>
      %parallel_loop3A_214 = arith.addi %parallel_loop3A_209, %parallel_loop3A_213 : vector<16xi32>
      %parallel_loop3A_215 = arith.constant 99 : i32
      %parallel_loop3A_216 = vector.broadcast %parallel_loop3A_215 : i32 to vector<16xi32>
      %parallel_loop3A_217 = arith.cmpi sge, %parallel_loop3A_139, %parallel_loop3A_216 : vector<16xi32>
      %parallel_loop3A_218 = arith.select %parallel_loop3A_217, %broadcast_in_dim3A_67, %broadcast_in_dim3A_69 : vector<16xi1>, vector<16xi32>
      %parallel_loop3A_219 = arith.addi %parallel_loop3A_214, %parallel_loop3A_218 : vector<16xi32>
      %parallel_loop3A_220 = arith.constant 113 : i32
      %parallel_loop3A_221 = vector.broadcast %parallel_loop3A_220 : i32 to vector<16xi32>
      %parallel_loop3A_222 = arith.cmpi sge, %parallel_loop3A_139, %parallel_loop3A_221 : vector<16xi32>
      %parallel_loop3A_223 = arith.select %parallel_loop3A_222, %broadcast_in_dim3A_67, %broadcast_in_dim3A_69 : vector<16xi1>, vector<16xi32>
      %parallel_loop3A_224 = arith.addi %parallel_loop3A_219, %parallel_loop3A_223 : vector<16xi32>
      %parallel_loop3A_225 = arith.constant 16 : i32
      %parallel_loop3A_226 = vector.broadcast %parallel_loop3A_225 : i32 to vector<16xi32>
      %parallel_loop3A_227 = arith.cmpi slt, %parallel_loop3A_139, %parallel_loop3A_226 : vector<16xi32>
      %parallel_loop3A_228 = arith.select %parallel_loop3A_227, %parallel_loop3A_139, %parallel_loop3A_224 : vector<16xi1>, vector<16xi32>
      %parallel_loop3A_229 = arith.constant 0.000000e+00 : f32
      %parallel_loop3A_230 = vector.broadcast %parallel_loop3A_229 : f32 to vector<16xf32>
      %parallel_loop3A_231 = vector.broadcast %squeeze3A : f32 to vector<16xf32>
      %parallel_loop3A_232 = arith.addf %parallel_loop3A_230, %parallel_loop3A_231 : vector<16xf32>
      %parallel_loop3A_233 = arith.constant 1 : i32
      %parallel_loop3A_234 = vector.broadcast %parallel_loop3A_233 : i32 to vector<16xi32>
      %parallel_loop3A_235 = arith.cmpi eq, %parallel_loop3A_228, %parallel_loop3A_234 : vector<16xi32>
      %parallel_loop3A_236 = vector.broadcast %squeeze3A_6 : f32 to vector<16xf32>
      %parallel_loop3A_237 = arith.select %parallel_loop3A_235, %parallel_loop3A_236, %parallel_loop3A_232 : vector<16xi1>, vector<16xf32>
      %parallel_loop3A_238 = arith.constant 2 : i32
      %parallel_loop3A_239 = vector.broadcast %parallel_loop3A_238 : i32 to vector<16xi32>
      %parallel_loop3A_240 = arith.cmpi eq, %parallel_loop3A_228, %parallel_loop3A_239 : vector<16xi32>
      %parallel_loop3A_241 = vector.broadcast %squeeze3A_8 : f32 to vector<16xf32>
      %parallel_loop3A_242 = arith.select %parallel_loop3A_240, %parallel_loop3A_241, %parallel_loop3A_237 : vector<16xi1>, vector<16xf32>
      %parallel_loop3A_243 = arith.constant 3 : i32
      %parallel_loop3A_244 = vector.broadcast %parallel_loop3A_243 : i32 to vector<16xi32>
      %parallel_loop3A_245 = arith.cmpi eq, %parallel_loop3A_228, %parallel_loop3A_244 : vector<16xi32>
      %parallel_loop3A_246 = vector.broadcast %squeeze3A_10 : f32 to vector<16xf32>
      %parallel_loop3A_247 = arith.select %parallel_loop3A_245, %parallel_loop3A_246, %parallel_loop3A_242 : vector<16xi1>, vector<16xf32>
      %parallel_loop3A_248 = arith.constant 4 : i32
      %parallel_loop3A_249 = vector.broadcast %parallel_loop3A_248 : i32 to vector<16xi32>
      %parallel_loop3A_250 = arith.cmpi eq, %parallel_loop3A_228, %parallel_loop3A_249 : vector<16xi32>
      %parallel_loop3A_251 = vector.broadcast %squeeze3A_12 : f32 to vector<16xf32>
      %parallel_loop3A_252 = arith.select %parallel_loop3A_250, %parallel_loop3A_251, %parallel_loop3A_247 : vector<16xi1>, vector<16xf32>
      %parallel_loop3A_253 = arith.constant 5 : i32
      %parallel_loop3A_254 = vector.broadcast %parallel_loop3A_253 : i32 to vector<16xi32>
      %parallel_loop3A_255 = arith.cmpi eq, %parallel_loop3A_228, %parallel_loop3A_254 : vector<16xi32>
      %parallel_loop3A_256 = vector.broadcast %squeeze3A_14 : f32 to vector<16xf32>
      %parallel_loop3A_257 = arith.select %parallel_loop3A_255, %parallel_loop3A_256, %parallel_loop3A_252 : vector<16xi1>, vector<16xf32>
      %parallel_loop3A_258 = arith.constant 6 : i32
      %parallel_loop3A_259 = vector.broadcast %parallel_loop3A_258 : i32 to vector<16xi32>
      %parallel_loop3A_260 = arith.cmpi eq, %parallel_loop3A_228, %parallel_loop3A_259 : vector<16xi32>
      %parallel_loop3A_261 = vector.broadcast %squeeze3A_16 : f32 to vector<16xf32>
      %parallel_loop3A_262 = arith.select %parallel_loop3A_260, %parallel_loop3A_261, %parallel_loop3A_257 : vector<16xi1>, vector<16xf32>
      %parallel_loop3A_263 = arith.constant 7 : i32
      %parallel_loop3A_264 = vector.broadcast %parallel_loop3A_263 : i32 to vector<16xi32>
      %parallel_loop3A_265 = arith.cmpi eq, %parallel_loop3A_228, %parallel_loop3A_264 : vector<16xi32>
      %parallel_loop3A_266 = vector.broadcast %squeeze3A_18 : f32 to vector<16xf32>
      %parallel_loop3A_267 = arith.select %parallel_loop3A_265, %parallel_loop3A_266, %parallel_loop3A_262 : vector<16xi1>, vector<16xf32>
      %parallel_loop3A_268 = arith.constant 8 : i32
      %parallel_loop3A_269 = vector.broadcast %parallel_loop3A_268 : i32 to vector<16xi32>
      %parallel_loop3A_270 = arith.cmpi eq, %parallel_loop3A_228, %parallel_loop3A_269 : vector<16xi32>
      %parallel_loop3A_271 = vector.broadcast %squeeze3A_20 : f32 to vector<16xf32>
      %parallel_loop3A_272 = arith.select %parallel_loop3A_270, %parallel_loop3A_271, %parallel_loop3A_267 : vector<16xi1>, vector<16xf32>
      %parallel_loop3A_273 = arith.constant 9 : i32
      %parallel_loop3A_274 = vector.broadcast %parallel_loop3A_273 : i32 to vector<16xi32>
      %parallel_loop3A_275 = arith.cmpi eq, %parallel_loop3A_228, %parallel_loop3A_274 : vector<16xi32>
      %parallel_loop3A_276 = vector.broadcast %squeeze3A_22 : f32 to vector<16xf32>
      %parallel_loop3A_277 = arith.select %parallel_loop3A_275, %parallel_loop3A_276, %parallel_loop3A_272 : vector<16xi1>, vector<16xf32>
      %parallel_loop3A_278 = arith.constant 10 : i32
      %parallel_loop3A_279 = vector.broadcast %parallel_loop3A_278 : i32 to vector<16xi32>
      %parallel_loop3A_280 = arith.cmpi eq, %parallel_loop3A_228, %parallel_loop3A_279 : vector<16xi32>
      %parallel_loop3A_281 = vector.broadcast %squeeze3A_24 : f32 to vector<16xf32>
      %parallel_loop3A_282 = arith.select %parallel_loop3A_280, %parallel_loop3A_281, %parallel_loop3A_277 : vector<16xi1>, vector<16xf32>
      %parallel_loop3A_283 = arith.constant 11 : i32
      %parallel_loop3A_284 = vector.broadcast %parallel_loop3A_283 : i32 to vector<16xi32>
      %parallel_loop3A_285 = arith.cmpi eq, %parallel_loop3A_228, %parallel_loop3A_284 : vector<16xi32>
      %parallel_loop3A_286 = vector.broadcast %squeeze3A_26 : f32 to vector<16xf32>
      %parallel_loop3A_287 = arith.select %parallel_loop3A_285, %parallel_loop3A_286, %parallel_loop3A_282 : vector<16xi1>, vector<16xf32>
      %parallel_loop3A_288 = arith.constant 12 : i32
      %parallel_loop3A_289 = vector.broadcast %parallel_loop3A_288 : i32 to vector<16xi32>
      %parallel_loop3A_290 = arith.cmpi eq, %parallel_loop3A_228, %parallel_loop3A_289 : vector<16xi32>
      %parallel_loop3A_291 = vector.broadcast %squeeze3A_28 : f32 to vector<16xf32>
      %parallel_loop3A_292 = arith.select %parallel_loop3A_290, %parallel_loop3A_291, %parallel_loop3A_287 : vector<16xi1>, vector<16xf32>
      %parallel_loop3A_293 = arith.constant 13 : i32
      %parallel_loop3A_294 = vector.broadcast %parallel_loop3A_293 : i32 to vector<16xi32>
      %parallel_loop3A_295 = arith.cmpi eq, %parallel_loop3A_228, %parallel_loop3A_294 : vector<16xi32>
      %parallel_loop3A_296 = vector.broadcast %squeeze3A_30 : f32 to vector<16xf32>
      %parallel_loop3A_297 = arith.select %parallel_loop3A_295, %parallel_loop3A_296, %parallel_loop3A_292 : vector<16xi1>, vector<16xf32>
      %parallel_loop3A_298 = arith.constant 14 : i32
      %parallel_loop3A_299 = vector.broadcast %parallel_loop3A_298 : i32 to vector<16xi32>
      %parallel_loop3A_300 = arith.cmpi eq, %parallel_loop3A_228, %parallel_loop3A_299 : vector<16xi32>
      %parallel_loop3A_301 = vector.broadcast %squeeze3A_32 : f32 to vector<16xf32>
      %parallel_loop3A_302 = arith.select %parallel_loop3A_300, %parallel_loop3A_301, %parallel_loop3A_297 : vector<16xi1>, vector<16xf32>
      %parallel_loop3A_303 = arith.constant 15 : i32
      %parallel_loop3A_304 = vector.broadcast %parallel_loop3A_303 : i32 to vector<16xi32>
      %parallel_loop3A_305 = arith.cmpi eq, %parallel_loop3A_228, %parallel_loop3A_304 : vector<16xi32>
      %parallel_loop3A_306 = vector.broadcast %squeeze3A_34 : f32 to vector<16xf32>
      %parallel_loop3A_307 = arith.select %parallel_loop3A_305, %parallel_loop3A_306, %parallel_loop3A_302 : vector<16xi1>, vector<16xf32>
      %parallel_loop3A_308 = arith.constant 16 : i32
      %parallel_loop3A_309 = vector.broadcast %parallel_loop3A_308 : i32 to vector<16xi32>
      %parallel_loop3A_310 = arith.cmpi eq, %parallel_loop3A_228, %parallel_loop3A_309 : vector<16xi32>
      %parallel_loop3A_311 = vector.broadcast %squeeze3A_36 : f32 to vector<16xf32>
      %parallel_loop3A_312 = arith.select %parallel_loop3A_310, %parallel_loop3A_311, %parallel_loop3A_307 : vector<16xi1>, vector<16xf32>
      %parallel_loop3A_313 = arith.constant 17 : i32
      %parallel_loop3A_314 = vector.broadcast %parallel_loop3A_313 : i32 to vector<16xi32>
      %parallel_loop3A_315 = arith.cmpi eq, %parallel_loop3A_228, %parallel_loop3A_314 : vector<16xi32>
      %parallel_loop3A_316 = vector.broadcast %squeeze3A_38 : f32 to vector<16xf32>
      %parallel_loop3A_317 = arith.select %parallel_loop3A_315, %parallel_loop3A_316, %parallel_loop3A_312 : vector<16xi1>, vector<16xf32>
      %parallel_loop3A_318 = arith.constant 18 : i32
      %parallel_loop3A_319 = vector.broadcast %parallel_loop3A_318 : i32 to vector<16xi32>
      %parallel_loop3A_320 = arith.cmpi eq, %parallel_loop3A_228, %parallel_loop3A_319 : vector<16xi32>
      %parallel_loop3A_321 = vector.broadcast %squeeze3A_40 : f32 to vector<16xf32>
      %parallel_loop3A_322 = arith.select %parallel_loop3A_320, %parallel_loop3A_321, %parallel_loop3A_317 : vector<16xi1>, vector<16xf32>
      %parallel_loop3A_323 = arith.constant 19 : i32
      %parallel_loop3A_324 = vector.broadcast %parallel_loop3A_323 : i32 to vector<16xi32>
      %parallel_loop3A_325 = arith.cmpi eq, %parallel_loop3A_228, %parallel_loop3A_324 : vector<16xi32>
      %parallel_loop3A_326 = vector.broadcast %squeeze3A_42 : f32 to vector<16xf32>
      %parallel_loop3A_327 = arith.select %parallel_loop3A_325, %parallel_loop3A_326, %parallel_loop3A_322 : vector<16xi1>, vector<16xf32>
      %parallel_loop3A_328 = arith.constant 20 : i32
      %parallel_loop3A_329 = vector.broadcast %parallel_loop3A_328 : i32 to vector<16xi32>
      %parallel_loop3A_330 = arith.cmpi eq, %parallel_loop3A_228, %parallel_loop3A_329 : vector<16xi32>
      %parallel_loop3A_331 = vector.broadcast %squeeze3A_44 : f32 to vector<16xf32>
      %parallel_loop3A_332 = arith.select %parallel_loop3A_330, %parallel_loop3A_331, %parallel_loop3A_327 : vector<16xi1>, vector<16xf32>
      %parallel_loop3A_333 = arith.constant 21 : i32
      %parallel_loop3A_334 = vector.broadcast %parallel_loop3A_333 : i32 to vector<16xi32>
      %parallel_loop3A_335 = arith.cmpi eq, %parallel_loop3A_228, %parallel_loop3A_334 : vector<16xi32>
      %parallel_loop3A_336 = vector.broadcast %squeeze3A_46 : f32 to vector<16xf32>
      %parallel_loop3A_337 = arith.select %parallel_loop3A_335, %parallel_loop3A_336, %parallel_loop3A_332 : vector<16xi1>, vector<16xf32>
      %parallel_loop3A_338 = arith.constant 22 : i32
      %parallel_loop3A_339 = vector.broadcast %parallel_loop3A_338 : i32 to vector<16xi32>
      %parallel_loop3A_340 = arith.cmpi eq, %parallel_loop3A_228, %parallel_loop3A_339 : vector<16xi32>
      %parallel_loop3A_341 = vector.broadcast %squeeze3A_48 : f32 to vector<16xf32>
      %parallel_loop3A_342 = arith.select %parallel_loop3A_340, %parallel_loop3A_341, %parallel_loop3A_337 : vector<16xi1>, vector<16xf32>
      %parallel_loop3A_343 = arith.constant 23 : i32
      %parallel_loop3A_344 = vector.broadcast %parallel_loop3A_343 : i32 to vector<16xi32>
      %parallel_loop3A_345 = arith.cmpi eq, %parallel_loop3A_228, %parallel_loop3A_344 : vector<16xi32>
      %parallel_loop3A_346 = vector.broadcast %squeeze3A_50 : f32 to vector<16xf32>
      %parallel_loop3A_347 = arith.select %parallel_loop3A_345, %parallel_loop3A_346, %parallel_loop3A_342 : vector<16xi1>, vector<16xf32>
      %parallel_loop3A_348 = arith.constant 24 : i32
      %parallel_loop3A_349 = vector.broadcast %parallel_loop3A_348 : i32 to vector<16xi32>
      %parallel_loop3A_350 = arith.cmpi eq, %parallel_loop3A_228, %parallel_loop3A_349 : vector<16xi32>
      %parallel_loop3A_351 = vector.broadcast %squeeze3A_52 : f32 to vector<16xf32>
      %parallel_loop3A_352 = arith.select %parallel_loop3A_350, %parallel_loop3A_351, %parallel_loop3A_347 : vector<16xi1>, vector<16xf32>
      %parallel_loop3A_353 = arith.constant 25 : i32
      %parallel_loop3A_354 = vector.broadcast %parallel_loop3A_353 : i32 to vector<16xi32>
      %parallel_loop3A_355 = arith.cmpi eq, %parallel_loop3A_228, %parallel_loop3A_354 : vector<16xi32>
      %parallel_loop3A_356 = vector.broadcast %squeeze3A_54 : f32 to vector<16xf32>
      %parallel_loop3A_357 = arith.select %parallel_loop3A_355, %parallel_loop3A_356, %parallel_loop3A_352 : vector<16xi1>, vector<16xf32>
      %parallel_loop3A_358 = arith.constant 26 : i32
      %parallel_loop3A_359 = vector.broadcast %parallel_loop3A_358 : i32 to vector<16xi32>
      %parallel_loop3A_360 = arith.cmpi eq, %parallel_loop3A_228, %parallel_loop3A_359 : vector<16xi32>
      %parallel_loop3A_361 = vector.broadcast %squeeze3A_56 : f32 to vector<16xf32>
      %parallel_loop3A_362 = arith.select %parallel_loop3A_360, %parallel_loop3A_361, %parallel_loop3A_357 : vector<16xi1>, vector<16xf32>
      %parallel_loop3A_363 = arith.constant 27 : i32
      %parallel_loop3A_364 = vector.broadcast %parallel_loop3A_363 : i32 to vector<16xi32>
      %parallel_loop3A_365 = arith.cmpi eq, %parallel_loop3A_228, %parallel_loop3A_364 : vector<16xi32>
      %parallel_loop3A_366 = vector.broadcast %squeeze3A_58 : f32 to vector<16xf32>
      %parallel_loop3A_367 = arith.select %parallel_loop3A_365, %parallel_loop3A_366, %parallel_loop3A_362 : vector<16xi1>, vector<16xf32>
      %parallel_loop3A_368 = arith.constant 28 : i32
      %parallel_loop3A_369 = vector.broadcast %parallel_loop3A_368 : i32 to vector<16xi32>
      %parallel_loop3A_370 = arith.cmpi eq, %parallel_loop3A_228, %parallel_loop3A_369 : vector<16xi32>
      %parallel_loop3A_371 = vector.broadcast %squeeze3A_60 : f32 to vector<16xf32>
      %parallel_loop3A_372 = arith.select %parallel_loop3A_370, %parallel_loop3A_371, %parallel_loop3A_367 : vector<16xi1>, vector<16xf32>
      %parallel_loop3A_373 = arith.constant 29 : i32
      %parallel_loop3A_374 = vector.broadcast %parallel_loop3A_373 : i32 to vector<16xi32>
      %parallel_loop3A_375 = arith.cmpi eq, %parallel_loop3A_228, %parallel_loop3A_374 : vector<16xi32>
      %parallel_loop3A_376 = vector.broadcast %squeeze3A_62 : f32 to vector<16xf32>
      %parallel_loop3A_377 = arith.select %parallel_loop3A_375, %parallel_loop3A_376, %parallel_loop3A_372 : vector<16xi1>, vector<16xf32>
      %parallel_loop3A_378 = arith.constant 30 : i32
      %parallel_loop3A_379 = vector.broadcast %parallel_loop3A_378 : i32 to vector<16xi32>
      %parallel_loop3A_380 = arith.cmpi eq, %parallel_loop3A_228, %parallel_loop3A_379 : vector<16xi32>
      %parallel_loop3A_381 = vector.broadcast %squeeze3A_64 : f32 to vector<16xf32>
      %parallel_loop3A_382 = arith.select %parallel_loop3A_380, %parallel_loop3A_381, %parallel_loop3A_377 : vector<16xi1>, vector<16xf32>
      %parallel_loop3A_383 = arith.constant 31 : i32
      %parallel_loop3A_384 = vector.broadcast %parallel_loop3A_383 : i32 to vector<16xi32>
      %parallel_loop3A_385 = arith.cmpi eq, %parallel_loop3A_228, %parallel_loop3A_384 : vector<16xi32>
      %parallel_loop3A_386 = vector.broadcast %squeeze3A_66 : f32 to vector<16xf32>
      %parallel_loop3A_387 = arith.select %parallel_loop3A_385, %parallel_loop3A_386, %parallel_loop3A_382 : vector<16xi1>, vector<16xf32>
      %parallel_loop3A_388 = arith.constant 1.250000e-01 : f32
      %parallel_loop3A_389 = vector.broadcast %parallel_loop3A_388 : f32 to vector<16xf32>
      %parallel_loop3A_390 = arith.mulf %parallel_loop3A_387, %parallel_loop3A_389 : vector<16xf32>
      %parallel_loop3A_391 = arith.constant 16 : i32
      %parallel_loop3A_392 = arith.muli %parallel_loop3A_129, %parallel_loop3A_391 : i32
      %parallel_loop3A_393 = arith.index_cast %parallel_loop3A_392 : i32 to index
      %parallel_loop3A_394 = tpu.vector_load %arg6[%parallel_loop3A_393] {strides = array<i32>} : memref<4096xf32, #tpu.memory_space<vmem>>, vector<16xf32>,
      %parallel_loop3A_395 = vector.shape_cast %parallel_loop3A_394 : vector<16xf32> to vector<16xf32>
      %parallel_loop3A_396 = vector.shape_cast %parallel_loop3A_390 : vector<16xf32> to vector<16xf32>
      tpu.vector_store %arg6[%parallel_loop3A_393], %parallel_loop3A_396 {strides = array<i32>} : memref<4096xf32, #tpu.memory_space<vmem>>, vector<16xf32>,
    } {sc.loop_unroll_factor = 2 : i64, sc.parallel_access}
    %scan3A = arith.constant 0 : i32
    %scan3A_89 = arith.constant 0 : i32
    %scan3A_90 = arith.constant 32 : i32
    %scan3A_91 = arith.addi %scan3A_89, %scan3A_90 : i32
    %scan3A_92 = arith.constant 1 : i32
    scf.for %scan3A_129 = %scan3A_89 to %scan3A_91 step %scan3A_92  : i32 {
      %mul3A_130 = arith.constant 4 : i32
      %mul3A_131 = arith.muli %scan3A_129, %mul3A_130 : i32
      %add3A_132 = arith.constant 0 : i32
      %add3A_133 = arith.addi %mul3A_131, %add3A_132 : i32
      %add3A_134 = arith.constant 2 : i32
      %add3A_135 = arith.addi %add3A_133, %add3A_134 : i32
      %lt3A = arith.constant 128 : i32
      %lt3A_136 = arith.cmpi slt, %add3A_135, %lt3A : i32
      %convert_element_type3A = arith.extui %lt3A_136 : i1 to i32
      %cond3A = arith.constant 0 : i32
      %cond3A_137 = arith.cmpi ne, %convert_element_type3A, %cond3A : i32
      scf.if %cond3A_137 {
        %add3A_282 = arith.constant 2 : i32
        %add3A_283 = arith.addi %add3A_133, %add3A_282 : i32
        %ge3A = arith.constant 4 : i32
        %ge3A_284 = arith.cmpi sge, %add3A_283, %ge3A : i32
        %convert_element_type3A_285 = arith.extui %ge3A_284 : i1 to i32
        %cond3A_286 = arith.constant 0 : i32
        %cond3A_287 = arith.cmpi ne, %convert_element_type3A_285, %cond3A_286 : i32
        scf.if %cond3A_287 {
          %add3A_300 = arith.constant 2 : i32
          %add3A_301 = arith.addi %add3A_133, %add3A_300 : i32
          %mul3A_302 = arith.constant 8 : i32
          %mul3A_303 = arith.muli %add3A_301, %mul3A_302 : i32
          %add3A_304 = arith.addi %mul3A_70, %mul3A_303 : i32
          %dma_wait3A_305 = arith.constant 0 : i32
          %dma_wait3A_306 = arith.constant 0 : i32
          %dma_wait3A_307 = tpu.memref_slice %arg4[%dma_wait3A_305, %arg1, %add3A_304, %dma_wait3A_306] : memref<1x16x2048x2048xf32, #tpu.memory_space<hbm>> -> memref<1x1x8x2048xf32, #tpu.memory_space<hbm>>
          %dma_wait3A_308 = tpu.memref_squeeze %dma_wait3A_307 : memref<1x1x8x2048xf32, #tpu.memory_space<hbm>> -> memref<8x2048xf32, #tpu.memory_space<hbm>>
          %dma_wait3A_309 = arith.constant 0 : i32
          %dma_wait3A_310 = tpu.memref_slice %arg4[%dma_wait3A_305, %arg1, %add3A_304, %dma_wait3A_309] : memref<1x16x2048x2048xf32, #tpu.memory_space<hbm>> -> memref<1x1x8x2048xf32, #tpu.memory_space<hbm>>
          %dma_wait3A_311 = tpu.memref_squeeze %dma_wait3A_310 : memref<1x1x8x2048xf32, #tpu.memory_space<hbm>> -> memref<8x2048xf32, #tpu.memory_space<hbm>>
          tpu.wait_dma2 semaphore(%arg17 : memref<!tpu.dma_semaphore, #tpu.memory_space<semaphore_mem>>) src(%arg9 : memref<8x2048xf32, #tpu.memory_space<vmem>>) dst(%dma_wait3A_311 : memref<8x2048xf32, #tpu.memory_space<hbm>>)
        } else {
        }
        %add3A_288 = arith.constant 2 : i32
        %add3A_289 = arith.addi %add3A_133, %add3A_288 : i32
        %mul3A_290 = arith.constant 8 : i32
        %mul3A_291 = arith.muli %add3A_289, %mul3A_290 : i32
        %add3A_292 = arith.addi %mul3A_70, %mul3A_291 : i32
        %dma_start3A_293 = arith.constant 0 : i32
        %dma_start3A_294 = arith.constant 0 : i32
        %dma_start3A_295 = tpu.memref_slice %arg2[%dma_start3A_293, %arg1, %add3A_292, %dma_start3A_294] : memref<1x16x2048x2048xf32, #tpu.memory_space<hbm>> -> memref<1x1x8x2048xf32, #tpu.memory_space<hbm>>
        %dma_start3A_296 = tpu.memref_squeeze %dma_start3A_295 : memref<1x1x8x2048xf32, #tpu.memory_space<hbm>> -> memref<8x2048xf32, #tpu.memory_space<hbm>>
        %dma_start3A_297 = arith.constant 0 : i32
        %dma_start3A_298 = tpu.memref_slice %arg2[%dma_start3A_293, %arg1, %add3A_292, %dma_start3A_297] : memref<1x16x2048x2048xf32, #tpu.memory_space<hbm>> -> memref<1x1x8x2048xf32, #tpu.memory_space<hbm>>
        %dma_start3A_299 = tpu.memref_squeeze %dma_start3A_298 : memref<1x1x8x2048xf32, #tpu.memory_space<hbm>> -> memref<8x2048xf32, #tpu.memory_space<hbm>>
        tpu.enqueue_dma source(%dma_start3A_299 : memref<8x2048xf32, #tpu.memory_space<hbm>>) target(%arg9 : memref<8x2048xf32, #tpu.memory_space<vmem>>) target_semaphore(%arg13 : memref<!tpu.dma_semaphore, #tpu.memory_space<semaphore_mem>>)
      } else {
      }
      %mul3A_138 = arith.constant 8 : i32
      %mul3A_139 = arith.muli %add3A_133, %mul3A_138 : i32
      %add3A_140 = arith.addi %mul3A_70, %mul3A_139 : i32
      %dma_wait3A_141 = arith.constant 0 : i32
      %dma_wait3A_142 = arith.constant 0 : i32
      %dma_wait3A_143 = tpu.memref_slice %arg2[%dma_wait3A_141, %arg1, %add3A_140, %dma_wait3A_142] : memref<1x16x2048x2048xf32, #tpu.memory_space<hbm>> -> memref<1x1x8x2048xf32, #tpu.memory_space<hbm>>
      %dma_wait3A_144 = tpu.memref_squeeze %dma_wait3A_143 : memref<1x1x8x2048xf32, #tpu.memory_space<hbm>> -> memref<8x2048xf32, #tpu.memory_space<hbm>>
      %dma_wait3A_145 = arith.constant 0 : i32
      %dma_wait3A_146 = tpu.memref_slice %arg2[%dma_wait3A_141, %arg1, %add3A_140, %dma_wait3A_145] : memref<1x16x2048x2048xf32, #tpu.memory_space<hbm>> -> memref<1x1x8x2048xf32, #tpu.memory_space<hbm>>
      %dma_wait3A_147 = tpu.memref_squeeze %dma_wait3A_146 : memref<1x1x8x2048xf32, #tpu.memory_space<hbm>> -> memref<8x2048xf32, #tpu.memory_space<hbm>>
      tpu.wait_dma2 semaphore(%arg11 : memref<!tpu.dma_semaphore, #tpu.memory_space<semaphore_mem>>) src(%dma_wait3A_147 : memref<8x2048xf32, #tpu.memory_space<hbm>>) dst(%arg7 : memref<8x2048xf32, #tpu.memory_space<vmem>>)
      %mul3A_148 = arith.constant 8 : i32
      %mul3A_149 = arith.muli %add3A_133, %mul3A_148 : i32
      %add3A_150 = arith.addi %mul3A_70, %mul3A_149 : i32
      %sub3A = arith.constant 2047 : i32
      %sub3A_151 = arith.subi %sub3A, %add3A_150 : i32
      %parallel_loop3A_152 = arith.constant 0 : i32
      %parallel_loop3A_153 = arith.constant 128 : i32
      %parallel_loop3A_154 = arith.constant 1 : i32
      scf.for %parallel_loop3A_282 = %parallel_loop3A_152 to %parallel_loop3A_153 step %parallel_loop3A_154  : i32 {
        %parallel_loop3A_283 = arith.constant 16 : i32
        %parallel_loop3A_284 = arith.muli %parallel_loop3A_282, %parallel_loop3A_283 : i32
        %parallel_loop3A_285 = arith.constant 0 : i32
        %parallel_loop3A_286 = arith.subi %sub3A_151, %parallel_loop3A_285 : i32
        %parallel_loop3A_287 = arith.addi %parallel_loop3A_286, %parallel_loop3A_284 : i32
        %parallel_loop3A_288 = arith.index_cast %parallel_loop3A_287 : i32 to index
        %parallel_loop3A_289 = tpu.vector_load %arg6[%parallel_loop3A_288] {strides = array<i32>} : memref<4096xf32, #tpu.memory_space<vmem>>, vector<16xf32>,
        %parallel_loop3A_290 = vector.shape_cast %parallel_loop3A_289 : vector<16xf32> to vector<16xf32>
        %parallel_loop3A_291 = arith.constant 0 : i32
        %parallel_loop3A_292 = arith.index_cast %parallel_loop3A_291 : i32 to index
        %parallel_loop3A_293 = arith.index_cast %parallel_loop3A_284 : i32 to index
        %parallel_loop3A_294 = tpu.vector_load %arg7[%parallel_loop3A_292, %parallel_loop3A_293] {strides = array<i32>} : memref<8x2048xf32, #tpu.memory_space<vmem>>, vector<1x16xf32>,
        %parallel_loop3A_295 = vector.shape_cast %parallel_loop3A_294 : vector<1x16xf32> to vector<16xf32>
        %parallel_loop3A_296 = vector.shape_cast %parallel_loop3A_290 : vector<16xf32> to vector<1x16xf32>
        tpu.vector_store %arg7[%parallel_loop3A_292, %parallel_loop3A_293], %parallel_loop3A_296 {add = true, strides = array<i32>} : memref<8x2048xf32, #tpu.memory_space<vmem>>, vector<1x16xf32>,
        %parallel_loop3A_297 = arith.constant 1 : i32
        %parallel_loop3A_298 = arith.subi %sub3A_151, %parallel_loop3A_297 : i32
        %parallel_loop3A_299 = arith.addi %parallel_loop3A_298, %parallel_loop3A_284 : i32
        %parallel_loop3A_300 = arith.index_cast %parallel_loop3A_299 : i32 to index
        %parallel_loop3A_301 = tpu.vector_load %arg6[%parallel_loop3A_300] {strides = array<i32>} : memref<4096xf32, #tpu.memory_space<vmem>>, vector<16xf32>,
        %parallel_loop3A_302 = vector.shape_cast %parallel_loop3A_301 : vector<16xf32> to vector<16xf32>
        %parallel_loop3A_303 = arith.constant 1 : i32
        %parallel_loop3A_304 = arith.index_cast %parallel_loop3A_303 : i32 to index
        %parallel_loop3A_305 = arith.index_cast %parallel_loop3A_284 : i32 to index
        %parallel_loop3A_306 = tpu.vector_load %arg7[%parallel_loop3A_304, %parallel_loop3A_305] {strides = array<i32>} : memref<8x2048xf32, #tpu.memory_space<vmem>>, vector<1x16xf32>,
        %parallel_loop3A_307 = vector.shape_cast %parallel_loop3A_306 : vector<1x16xf32> to vector<16xf32>
        %parallel_loop3A_308 = vector.shape_cast %parallel_loop3A_302 : vector<16xf32> to vector<1x16xf32>
        tpu.vector_store %arg7[%parallel_loop3A_304, %parallel_loop3A_305], %parallel_loop3A_308 {add = true, strides = array<i32>} : memref<8x2048xf32, #tpu.memory_space<vmem>>, vector<1x16xf32>,
        %parallel_loop3A_309 = arith.constant 2 : i32
        %parallel_loop3A_310 = arith.subi %sub3A_151, %parallel_loop3A_309 : i32
        %parallel_loop3A_311 = arith.addi %parallel_loop3A_310, %parallel_loop3A_284 : i32
        %parallel_loop3A_312 = arith.index_cast %parallel_loop3A_311 : i32 to index
        %parallel_loop3A_313 = tpu.vector_load %arg6[%parallel_loop3A_312] {strides = array<i32>} : memref<4096xf32, #tpu.memory_space<vmem>>, vector<16xf32>,
        %parallel_loop3A_314 = vector.shape_cast %parallel_loop3A_313 : vector<16xf32> to vector<16xf32>
        %parallel_loop3A_315 = arith.constant 2 : i32
        %parallel_loop3A_316 = arith.index_cast %parallel_loop3A_315 : i32 to index
        %parallel_loop3A_317 = arith.index_cast %parallel_loop3A_284 : i32 to index
        %parallel_loop3A_318 = tpu.vector_load %arg7[%parallel_loop3A_316, %parallel_loop3A_317] {strides = array<i32>} : memref<8x2048xf32, #tpu.memory_space<vmem>>, vector<1x16xf32>,
        %parallel_loop3A_319 = vector.shape_cast %parallel_loop3A_318 : vector<1x16xf32> to vector<16xf32>
        %parallel_loop3A_320 = vector.shape_cast %parallel_loop3A_314 : vector<16xf32> to vector<1x16xf32>
        tpu.vector_store %arg7[%parallel_loop3A_316, %parallel_loop3A_317], %parallel_loop3A_320 {add = true, strides = array<i32>} : memref<8x2048xf32, #tpu.memory_space<vmem>>, vector<1x16xf32>,
        %parallel_loop3A_321 = arith.constant 3 : i32
        %parallel_loop3A_322 = arith.subi %sub3A_151, %parallel_loop3A_321 : i32
        %parallel_loop3A_323 = arith.addi %parallel_loop3A_322, %parallel_loop3A_284 : i32
        %parallel_loop3A_324 = arith.index_cast %parallel_loop3A_323 : i32 to index
        %parallel_loop3A_325 = tpu.vector_load %arg6[%parallel_loop3A_324] {strides = array<i32>} : memref<4096xf32, #tpu.memory_space<vmem>>, vector<16xf32>,
        %parallel_loop3A_326 = vector.shape_cast %parallel_loop3A_325 : vector<16xf32> to vector<16xf32>
        %parallel_loop3A_327 = arith.constant 3 : i32
        %parallel_loop3A_328 = arith.index_cast %parallel_loop3A_327 : i32 to index
        %parallel_loop3A_329 = arith.index_cast %parallel_loop3A_284 : i32 to index
        %parallel_loop3A_330 = tpu.vector_load %arg7[%parallel_loop3A_328, %parallel_loop3A_329] {strides = array<i32>} : memref<8x2048xf32, #tpu.memory_space<vmem>>, vector<1x16xf32>,
        %parallel_loop3A_331 = vector.shape_cast %parallel_loop3A_330 : vector<1x16xf32> to vector<16xf32>
        %parallel_loop3A_332 = vector.shape_cast %parallel_loop3A_326 : vector<16xf32> to vector<1x16xf32>
        tpu.vector_store %arg7[%parallel_loop3A_328, %parallel_loop3A_329], %parallel_loop3A_332 {add = true, strides = array<i32>} : memref<8x2048xf32, #tpu.memory_space<vmem>>, vector<1x16xf32>,
        %parallel_loop3A_333 = arith.constant 4 : i32
        %parallel_loop3A_334 = arith.subi %sub3A_151, %parallel_loop3A_333 : i32
        %parallel_loop3A_335 = arith.addi %parallel_loop3A_334, %parallel_loop3A_284 : i32
        %parallel_loop3A_336 = arith.index_cast %parallel_loop3A_335 : i32 to index
        %parallel_loop3A_337 = tpu.vector_load %arg6[%parallel_loop3A_336] {strides = array<i32>} : memref<4096xf32, #tpu.memory_space<vmem>>, vector<16xf32>,
        %parallel_loop3A_338 = vector.shape_cast %parallel_loop3A_337 : vector<16xf32> to vector<16xf32>
        %parallel_loop3A_339 = arith.constant 4 : i32
        %parallel_loop3A_340 = arith.index_cast %parallel_loop3A_339 : i32 to index
        %parallel_loop3A_341 = arith.index_cast %parallel_loop3A_284 : i32 to index
        %parallel_loop3A_342 = tpu.vector_load %arg7[%parallel_loop3A_340, %parallel_loop3A_341] {strides = array<i32>} : memref<8x2048xf32, #tpu.memory_space<vmem>>, vector<1x16xf32>,
        %parallel_loop3A_343 = vector.shape_cast %parallel_loop3A_342 : vector<1x16xf32> to vector<16xf32>
        %parallel_loop3A_344 = vector.shape_cast %parallel_loop3A_338 : vector<16xf32> to vector<1x16xf32>
        tpu.vector_store %arg7[%parallel_loop3A_340, %parallel_loop3A_341], %parallel_loop3A_344 {add = true, strides = array<i32>} : memref<8x2048xf32, #tpu.memory_space<vmem>>, vector<1x16xf32>,
        %parallel_loop3A_345 = arith.constant 5 : i32
        %parallel_loop3A_346 = arith.subi %sub3A_151, %parallel_loop3A_345 : i32
        %parallel_loop3A_347 = arith.addi %parallel_loop3A_346, %parallel_loop3A_284 : i32
        %parallel_loop3A_348 = arith.index_cast %parallel_loop3A_347 : i32 to index
        %parallel_loop3A_349 = tpu.vector_load %arg6[%parallel_loop3A_348] {strides = array<i32>} : memref<4096xf32, #tpu.memory_space<vmem>>, vector<16xf32>,
        %parallel_loop3A_350 = vector.shape_cast %parallel_loop3A_349 : vector<16xf32> to vector<16xf32>
        %parallel_loop3A_351 = arith.constant 5 : i32
        %parallel_loop3A_352 = arith.index_cast %parallel_loop3A_351 : i32 to index
        %parallel_loop3A_353 = arith.index_cast %parallel_loop3A_284 : i32 to index
        %parallel_loop3A_354 = tpu.vector_load %arg7[%parallel_loop3A_352, %parallel_loop3A_353] {strides = array<i32>} : memref<8x2048xf32, #tpu.memory_space<vmem>>, vector<1x16xf32>,
        %parallel_loop3A_355 = vector.shape_cast %parallel_loop3A_354 : vector<1x16xf32> to vector<16xf32>
        %parallel_loop3A_356 = vector.shape_cast %parallel_loop3A_350 : vector<16xf32> to vector<1x16xf32>
        tpu.vector_store %arg7[%parallel_loop3A_352, %parallel_loop3A_353], %parallel_loop3A_356 {add = true, strides = array<i32>} : memref<8x2048xf32, #tpu.memory_space<vmem>>, vector<1x16xf32>,
        %parallel_loop3A_357 = arith.constant 6 : i32
        %parallel_loop3A_358 = arith.subi %sub3A_151, %parallel_loop3A_357 : i32
        %parallel_loop3A_359 = arith.addi %parallel_loop3A_358, %parallel_loop3A_284 : i32
        %parallel_loop3A_360 = arith.index_cast %parallel_loop3A_359 : i32 to index
        %parallel_loop3A_361 = tpu.vector_load %arg6[%parallel_loop3A_360] {strides = array<i32>} : memref<4096xf32, #tpu.memory_space<vmem>>, vector<16xf32>,
        %parallel_loop3A_362 = vector.shape_cast %parallel_loop3A_361 : vector<16xf32> to vector<16xf32>
        %parallel_loop3A_363 = arith.constant 6 : i32
        %parallel_loop3A_364 = arith.index_cast %parallel_loop3A_363 : i32 to index
        %parallel_loop3A_365 = arith.index_cast %parallel_loop3A_284 : i32 to index
        %parallel_loop3A_366 = tpu.vector_load %arg7[%parallel_loop3A_364, %parallel_loop3A_365] {strides = array<i32>} : memref<8x2048xf32, #tpu.memory_space<vmem>>, vector<1x16xf32>,
        %parallel_loop3A_367 = vector.shape_cast %parallel_loop3A_366 : vector<1x16xf32> to vector<16xf32>
        %parallel_loop3A_368 = vector.shape_cast %parallel_loop3A_362 : vector<16xf32> to vector<1x16xf32>
        tpu.vector_store %arg7[%parallel_loop3A_364, %parallel_loop3A_365], %parallel_loop3A_368 {add = true, strides = array<i32>} : memref<8x2048xf32, #tpu.memory_space<vmem>>, vector<1x16xf32>,
        %parallel_loop3A_369 = arith.constant 7 : i32
        %parallel_loop3A_370 = arith.subi %sub3A_151, %parallel_loop3A_369 : i32
        %parallel_loop3A_371 = arith.addi %parallel_loop3A_370, %parallel_loop3A_284 : i32
        %parallel_loop3A_372 = arith.index_cast %parallel_loop3A_371 : i32 to index
        %parallel_loop3A_373 = tpu.vector_load %arg6[%parallel_loop3A_372] {strides = array<i32>} : memref<4096xf32, #tpu.memory_space<vmem>>, vector<16xf32>,
        %parallel_loop3A_374 = vector.shape_cast %parallel_loop3A_373 : vector<16xf32> to vector<16xf32>
        %parallel_loop3A_375 = arith.constant 7 : i32
        %parallel_loop3A_376 = arith.index_cast %parallel_loop3A_375 : i32 to index
        %parallel_loop3A_377 = arith.index_cast %parallel_loop3A_284 : i32 to index
        %parallel_loop3A_378 = tpu.vector_load %arg7[%parallel_loop3A_376, %parallel_loop3A_377] {strides = array<i32>} : memref<8x2048xf32, #tpu.memory_space<vmem>>, vector<1x16xf32>,
        %parallel_loop3A_379 = vector.shape_cast %parallel_loop3A_378 : vector<1x16xf32> to vector<16xf32>
        %parallel_loop3A_380 = vector.shape_cast %parallel_loop3A_374 : vector<16xf32> to vector<1x16xf32>
        tpu.vector_store %arg7[%parallel_loop3A_376, %parallel_loop3A_377], %parallel_loop3A_380 {add = true, strides = array<i32>} : memref<8x2048xf32, #tpu.memory_space<vmem>>, vector<1x16xf32>,
      } {sc.loop_unroll_factor = 4 : i64, sc.parallel_access}
      %mul3A_155 = arith.constant 8 : i32
      %mul3A_156 = arith.muli %add3A_133, %mul3A_155 : i32
      %add3A_157 = arith.addi %mul3A_70, %mul3A_156 : i32
      %dma_start3A_158 = arith.constant 0 : i32
      %dma_start3A_159 = arith.constant 0 : i32
      %dma_start3A_160 = tpu.memref_slice %arg4[%dma_start3A_158, %arg1, %add3A_157, %dma_start3A_159] : memref<1x16x2048x2048xf32, #tpu.memory_space<hbm>> -> memref<1x1x8x2048xf32, #tpu.memory_space<hbm>>
      %dma_start3A_161 = tpu.memref_squeeze %dma_start3A_160 : memref<1x1x8x2048xf32, #tpu.memory_space<hbm>> -> memref<8x2048xf32, #tpu.memory_space<hbm>>
      %dma_start3A_162 = arith.constant 0 : i32
      %dma_start3A_163 = tpu.memref_slice %arg4[%dma_start3A_158, %arg1, %add3A_157, %dma_start3A_162] : memref<1x16x2048x2048xf32, #tpu.memory_space<hbm>> -> memref<1x1x8x2048xf32, #tpu.memory_space<hbm>>
      %dma_start3A_164 = tpu.memref_squeeze %dma_start3A_163 : memref<1x1x8x2048xf32, #tpu.memory_space<hbm>> -> memref<8x2048xf32, #tpu.memory_space<hbm>>
      tpu.enqueue_dma source(%arg7 : memref<8x2048xf32, #tpu.memory_space<vmem>>) target(%dma_start3A_164 : memref<8x2048xf32, #tpu.memory_space<hbm>>) target_semaphore(%arg15 : memref<!tpu.dma_semaphore, #tpu.memory_space<semaphore_mem>>)
      %mul3A_165 = arith.constant 4 : i32
      %mul3A_166 = arith.muli %scan3A_129, %mul3A_165 : i32
      %add3A_167 = arith.constant 1 : i32
      %add3A_168 = arith.addi %mul3A_166, %add3A_167 : i32
      %add3A_169 = arith.constant 2 : i32
      %add3A_170 = arith.addi %add3A_168, %add3A_169 : i32
      %lt3A_171 = arith.constant 128 : i32
      %lt3A_172 = arith.cmpi slt, %add3A_170, %lt3A_171 : i32
      %convert_element_type3A_173 = arith.extui %lt3A_172 : i1 to i32
      %cond3A_174 = arith.constant 0 : i32
      %cond3A_175 = arith.cmpi ne, %convert_element_type3A_173, %cond3A_174 : i32
      scf.if %cond3A_175 {
        %add3A_282 = arith.constant 2 : i32
        %add3A_283 = arith.addi %add3A_168, %add3A_282 : i32
        %ge3A = arith.constant 4 : i32
        %ge3A_284 = arith.cmpi sge, %add3A_283, %ge3A : i32
        %convert_element_type3A_285 = arith.extui %ge3A_284 : i1 to i32
        %cond3A_286 = arith.constant 0 : i32
        %cond3A_287 = arith.cmpi ne, %convert_element_type3A_285, %cond3A_286 : i32
        scf.if %cond3A_287 {
          %add3A_300 = arith.constant 2 : i32
          %add3A_301 = arith.addi %add3A_168, %add3A_300 : i32
          %mul3A_302 = arith.constant 8 : i32
          %mul3A_303 = arith.muli %add3A_301, %mul3A_302 : i32
          %add3A_304 = arith.addi %mul3A_70, %mul3A_303 : i32
          %dma_wait3A_305 = arith.constant 0 : i32
          %dma_wait3A_306 = arith.constant 0 : i32
          %dma_wait3A_307 = tpu.memref_slice %arg4[%dma_wait3A_305, %arg1, %add3A_304, %dma_wait3A_306] : memref<1x16x2048x2048xf32, #tpu.memory_space<hbm>> -> memref<1x1x8x2048xf32, #tpu.memory_space<hbm>>
          %dma_wait3A_308 = tpu.memref_squeeze %dma_wait3A_307 : memref<1x1x8x2048xf32, #tpu.memory_space<hbm>> -> memref<8x2048xf32, #tpu.memory_space<hbm>>
          %dma_wait3A_309 = arith.constant 0 : i32
          %dma_wait3A_310 = tpu.memref_slice %arg4[%dma_wait3A_305, %arg1, %add3A_304, %dma_wait3A_309] : memref<1x16x2048x2048xf32, #tpu.memory_space<hbm>> -> memref<1x1x8x2048xf32, #tpu.memory_space<hbm>>
          %dma_wait3A_311 = tpu.memref_squeeze %dma_wait3A_310 : memref<1x1x8x2048xf32, #tpu.memory_space<hbm>> -> memref<8x2048xf32, #tpu.memory_space<hbm>>
          tpu.wait_dma2 semaphore(%arg18 : memref<!tpu.dma_semaphore, #tpu.memory_space<semaphore_mem>>) src(%arg10 : memref<8x2048xf32, #tpu.memory_space<vmem>>) dst(%dma_wait3A_311 : memref<8x2048xf32, #tpu.memory_space<hbm>>)
        } else {
        }
        %add3A_288 = arith.constant 2 : i32
        %add3A_289 = arith.addi %add3A_168, %add3A_288 : i32
        %mul3A_290 = arith.constant 8 : i32
        %mul3A_291 = arith.muli %add3A_289, %mul3A_290 : i32
        %add3A_292 = arith.addi %mul3A_70, %mul3A_291 : i32
        %dma_start3A_293 = arith.constant 0 : i32
        %dma_start3A_294 = arith.constant 0 : i32
        %dma_start3A_295 = tpu.memref_slice %arg2[%dma_start3A_293, %arg1, %add3A_292, %dma_start3A_294] : memref<1x16x2048x2048xf32, #tpu.memory_space<hbm>> -> memref<1x1x8x2048xf32, #tpu.memory_space<hbm>>
        %dma_start3A_296 = tpu.memref_squeeze %dma_start3A_295 : memref<1x1x8x2048xf32, #tpu.memory_space<hbm>> -> memref<8x2048xf32, #tpu.memory_space<hbm>>
        %dma_start3A_297 = arith.constant 0 : i32
        %dma_start3A_298 = tpu.memref_slice %arg2[%dma_start3A_293, %arg1, %add3A_292, %dma_start3A_297] : memref<1x16x2048x2048xf32, #tpu.memory_space<hbm>> -> memref<1x1x8x2048xf32, #tpu.memory_space<hbm>>
        %dma_start3A_299 = tpu.memref_squeeze %dma_start3A_298 : memref<1x1x8x2048xf32, #tpu.memory_space<hbm>> -> memref<8x2048xf32, #tpu.memory_space<hbm>>
        tpu.enqueue_dma source(%dma_start3A_299 : memref<8x2048xf32, #tpu.memory_space<hbm>>) target(%arg10 : memref<8x2048xf32, #tpu.memory_space<vmem>>) target_semaphore(%arg14 : memref<!tpu.dma_semaphore, #tpu.memory_space<semaphore_mem>>)
      } else {
      }
      %mul3A_176 = arith.constant 8 : i32
      %mul3A_177 = arith.muli %add3A_168, %mul3A_176 : i32
      %add3A_178 = arith.addi %mul3A_70, %mul3A_177 : i32
      %dma_wait3A_179 = arith.constant 0 : i32
      %dma_wait3A_180 = arith.constant 0 : i32
      %dma_wait3A_181 = tpu.memref_slice %arg2[%dma_wait3A_179, %arg1, %add3A_178, %dma_wait3A_180] : memref<1x16x2048x2048xf32, #tpu.memory_space<hbm>> -> memref<1x1x8x2048xf32, #tpu.memory_space<hbm>>
      %dma_wait3A_182 = tpu.memref_squeeze %dma_wait3A_181 : memref<1x1x8x2048xf32, #tpu.memory_space<hbm>> -> memref<8x2048xf32, #tpu.memory_space<hbm>>
      %dma_wait3A_183 = arith.constant 0 : i32
      %dma_wait3A_184 = tpu.memref_slice %arg2[%dma_wait3A_179, %arg1, %add3A_178, %dma_wait3A_183] : memref<1x16x2048x2048xf32, #tpu.memory_space<hbm>> -> memref<1x1x8x2048xf32, #tpu.memory_space<hbm>>
      %dma_wait3A_185 = tpu.memref_squeeze %dma_wait3A_184 : memref<1x1x8x2048xf32, #tpu.memory_space<hbm>> -> memref<8x2048xf32, #tpu.memory_space<hbm>>
      tpu.wait_dma2 semaphore(%arg12 : memref<!tpu.dma_semaphore, #tpu.memory_space<semaphore_mem>>) src(%dma_wait3A_185 : memref<8x2048xf32, #tpu.memory_space<hbm>>) dst(%arg8 : memref<8x2048xf32, #tpu.memory_space<vmem>>)
      %mul3A_186 = arith.constant 8 : i32
      %mul3A_187 = arith.muli %add3A_168, %mul3A_186 : i32
      %add3A_188 = arith.addi %mul3A_70, %mul3A_187 : i32
      %sub3A_189 = arith.constant 2047 : i32
      %sub3A_190 = arith.subi %sub3A_189, %add3A_188 : i32
      %parallel_loop3A_191 = arith.constant 0 : i32
      %parallel_loop3A_192 = arith.constant 128 : i32
      %parallel_loop3A_193 = arith.constant 1 : i32
      scf.for %parallel_loop3A_282 = %parallel_loop3A_191 to %parallel_loop3A_192 step %parallel_loop3A_193  : i32 {
        %parallel_loop3A_283 = arith.constant 16 : i32
        %parallel_loop3A_284 = arith.muli %parallel_loop3A_282, %parallel_loop3A_283 : i32
        %parallel_loop3A_285 = arith.constant 0 : i32
        %parallel_loop3A_286 = arith.subi %sub3A_190, %parallel_loop3A_285 : i32
        %parallel_loop3A_287 = arith.addi %parallel_loop3A_286, %parallel_loop3A_284 : i32
        %parallel_loop3A_288 = arith.index_cast %parallel_loop3A_287 : i32 to index
        %parallel_loop3A_289 = tpu.vector_load %arg6[%parallel_loop3A_288] {strides = array<i32>} : memref<4096xf32, #tpu.memory_space<vmem>>, vector<16xf32>,
        %parallel_loop3A_290 = vector.shape_cast %parallel_loop3A_289 : vector<16xf32> to vector<16xf32>
        %parallel_loop3A_291 = arith.constant 0 : i32
        %parallel_loop3A_292 = arith.index_cast %parallel_loop3A_291 : i32 to index
        %parallel_loop3A_293 = arith.index_cast %parallel_loop3A_284 : i32 to index
        %parallel_loop3A_294 = tpu.vector_load %arg8[%parallel_loop3A_292, %parallel_loop3A_293] {strides = array<i32>} : memref<8x2048xf32, #tpu.memory_space<vmem>>, vector<1x16xf32>,
        %parallel_loop3A_295 = vector.shape_cast %parallel_loop3A_294 : vector<1x16xf32> to vector<16xf32>
        %parallel_loop3A_296 = vector.shape_cast %parallel_loop3A_290 : vector<16xf32> to vector<1x16xf32>
        tpu.vector_store %arg8[%parallel_loop3A_292, %parallel_loop3A_293], %parallel_loop3A_296 {add = true, strides = array<i32>} : memref<8x2048xf32, #tpu.memory_space<vmem>>, vector<1x16xf32>,
        %parallel_loop3A_297 = arith.constant 1 : i32
        %parallel_loop3A_298 = arith.subi %sub3A_190, %parallel_loop3A_297 : i32
        %parallel_loop3A_299 = arith.addi %parallel_loop3A_298, %parallel_loop3A_284 : i32
        %parallel_loop3A_300 = arith.index_cast %parallel_loop3A_299 : i32 to index
        %parallel_loop3A_301 = tpu.vector_load %arg6[%parallel_loop3A_300] {strides = array<i32>} : memref<4096xf32, #tpu.memory_space<vmem>>, vector<16xf32>,
        %parallel_loop3A_302 = vector.shape_cast %parallel_loop3A_301 : vector<16xf32> to vector<16xf32>
        %parallel_loop3A_303 = arith.constant 1 : i32
        %parallel_loop3A_304 = arith.index_cast %parallel_loop3A_303 : i32 to index
        %parallel_loop3A_305 = arith.index_cast %parallel_loop3A_284 : i32 to index
        %parallel_loop3A_306 = tpu.vector_load %arg8[%parallel_loop3A_304, %parallel_loop3A_305] {strides = array<i32>} : memref<8x2048xf32, #tpu.memory_space<vmem>>, vector<1x16xf32>,
        %parallel_loop3A_307 = vector.shape_cast %parallel_loop3A_306 : vector<1x16xf32> to vector<16xf32>
        %parallel_loop3A_308 = vector.shape_cast %parallel_loop3A_302 : vector<16xf32> to vector<1x16xf32>
        tpu.vector_store %arg8[%parallel_loop3A_304, %parallel_loop3A_305], %parallel_loop3A_308 {add = true, strides = array<i32>} : memref<8x2048xf32, #tpu.memory_space<vmem>>, vector<1x16xf32>,
        %parallel_loop3A_309 = arith.constant 2 : i32
        %parallel_loop3A_310 = arith.subi %sub3A_190, %parallel_loop3A_309 : i32
        %parallel_loop3A_311 = arith.addi %parallel_loop3A_310, %parallel_loop3A_284 : i32
        %parallel_loop3A_312 = arith.index_cast %parallel_loop3A_311 : i32 to index
        %parallel_loop3A_313 = tpu.vector_load %arg6[%parallel_loop3A_312] {strides = array<i32>} : memref<4096xf32, #tpu.memory_space<vmem>>, vector<16xf32>,
        %parallel_loop3A_314 = vector.shape_cast %parallel_loop3A_313 : vector<16xf32> to vector<16xf32>
        %parallel_loop3A_315 = arith.constant 2 : i32
        %parallel_loop3A_316 = arith.index_cast %parallel_loop3A_315 : i32 to index
        %parallel_loop3A_317 = arith.index_cast %parallel_loop3A_284 : i32 to index
        %parallel_loop3A_318 = tpu.vector_load %arg8[%parallel_loop3A_316, %parallel_loop3A_317] {strides = array<i32>} : memref<8x2048xf32, #tpu.memory_space<vmem>>, vector<1x16xf32>,
        %parallel_loop3A_319 = vector.shape_cast %parallel_loop3A_318 : vector<1x16xf32> to vector<16xf32>
        %parallel_loop3A_320 = vector.shape_cast %parallel_loop3A_314 : vector<16xf32> to vector<1x16xf32>
        tpu.vector_store %arg8[%parallel_loop3A_316, %parallel_loop3A_317], %parallel_loop3A_320 {add = true, strides = array<i32>} : memref<8x2048xf32, #tpu.memory_space<vmem>>, vector<1x16xf32>,
        %parallel_loop3A_321 = arith.constant 3 : i32
        %parallel_loop3A_322 = arith.subi %sub3A_190, %parallel_loop3A_321 : i32
        %parallel_loop3A_323 = arith.addi %parallel_loop3A_322, %parallel_loop3A_284 : i32
        %parallel_loop3A_324 = arith.index_cast %parallel_loop3A_323 : i32 to index
        %parallel_loop3A_325 = tpu.vector_load %arg6[%parallel_loop3A_324] {strides = array<i32>} : memref<4096xf32, #tpu.memory_space<vmem>>, vector<16xf32>,
        %parallel_loop3A_326 = vector.shape_cast %parallel_loop3A_325 : vector<16xf32> to vector<16xf32>
        %parallel_loop3A_327 = arith.constant 3 : i32
        %parallel_loop3A_328 = arith.index_cast %parallel_loop3A_327 : i32 to index
        %parallel_loop3A_329 = arith.index_cast %parallel_loop3A_284 : i32 to index
        %parallel_loop3A_330 = tpu.vector_load %arg8[%parallel_loop3A_328, %parallel_loop3A_329] {strides = array<i32>} : memref<8x2048xf32, #tpu.memory_space<vmem>>, vector<1x16xf32>,
        %parallel_loop3A_331 = vector.shape_cast %parallel_loop3A_330 : vector<1x16xf32> to vector<16xf32>
        %parallel_loop3A_332 = vector.shape_cast %parallel_loop3A_326 : vector<16xf32> to vector<1x16xf32>
        tpu.vector_store %arg8[%parallel_loop3A_328, %parallel_loop3A_329], %parallel_loop3A_332 {add = true, strides = array<i32>} : memref<8x2048xf32, #tpu.memory_space<vmem>>, vector<1x16xf32>,
        %parallel_loop3A_333 = arith.constant 4 : i32
        %parallel_loop3A_334 = arith.subi %sub3A_190, %parallel_loop3A_333 : i32
        %parallel_loop3A_335 = arith.addi %parallel_loop3A_334, %parallel_loop3A_284 : i32
        %parallel_loop3A_336 = arith.index_cast %parallel_loop3A_335 : i32 to index
        %parallel_loop3A_337 = tpu.vector_load %arg6[%parallel_loop3A_336] {strides = array<i32>} : memref<4096xf32, #tpu.memory_space<vmem>>, vector<16xf32>,
        %parallel_loop3A_338 = vector.shape_cast %parallel_loop3A_337 : vector<16xf32> to vector<16xf32>
        %parallel_loop3A_339 = arith.constant 4 : i32
        %parallel_loop3A_340 = arith.index_cast %parallel_loop3A_339 : i32 to index
        %parallel_loop3A_341 = arith.index_cast %parallel_loop3A_284 : i32 to index
        %parallel_loop3A_342 = tpu.vector_load %arg8[%parallel_loop3A_340, %parallel_loop3A_341] {strides = array<i32>} : memref<8x2048xf32, #tpu.memory_space<vmem>>, vector<1x16xf32>,
        %parallel_loop3A_343 = vector.shape_cast %parallel_loop3A_342 : vector<1x16xf32> to vector<16xf32>
        %parallel_loop3A_344 = vector.shape_cast %parallel_loop3A_338 : vector<16xf32> to vector<1x16xf32>
        tpu.vector_store %arg8[%parallel_loop3A_340, %parallel_loop3A_341], %parallel_loop3A_344 {add = true, strides = array<i32>} : memref<8x2048xf32, #tpu.memory_space<vmem>>, vector<1x16xf32>,
        %parallel_loop3A_345 = arith.constant 5 : i32
        %parallel_loop3A_346 = arith.subi %sub3A_190, %parallel_loop3A_345 : i32
        %parallel_loop3A_347 = arith.addi %parallel_loop3A_346, %parallel_loop3A_284 : i32
        %parallel_loop3A_348 = arith.index_cast %parallel_loop3A_347 : i32 to index
        %parallel_loop3A_349 = tpu.vector_load %arg6[%parallel_loop3A_348] {strides = array<i32>} : memref<4096xf32, #tpu.memory_space<vmem>>, vector<16xf32>,
        %parallel_loop3A_350 = vector.shape_cast %parallel_loop3A_349 : vector<16xf32> to vector<16xf32>
        %parallel_loop3A_351 = arith.constant 5 : i32
        %parallel_loop3A_352 = arith.index_cast %parallel_loop3A_351 : i32 to index
        %parallel_loop3A_353 = arith.index_cast %parallel_loop3A_284 : i32 to index
        %parallel_loop3A_354 = tpu.vector_load %arg8[%parallel_loop3A_352, %parallel_loop3A_353] {strides = array<i32>} : memref<8x2048xf32, #tpu.memory_space<vmem>>, vector<1x16xf32>,
        %parallel_loop3A_355 = vector.shape_cast %parallel_loop3A_354 : vector<1x16xf32> to vector<16xf32>
        %parallel_loop3A_356 = vector.shape_cast %parallel_loop3A_350 : vector<16xf32> to vector<1x16xf32>
        tpu.vector_store %arg8[%parallel_loop3A_352, %parallel_loop3A_353], %parallel_loop3A_356 {add = true, strides = array<i32>} : memref<8x2048xf32, #tpu.memory_space<vmem>>, vector<1x16xf32>,
        %parallel_loop3A_357 = arith.constant 6 : i32
        %parallel_loop3A_358 = arith.subi %sub3A_190, %parallel_loop3A_357 : i32
        %parallel_loop3A_359 = arith.addi %parallel_loop3A_358, %parallel_loop3A_284 : i32
        %parallel_loop3A_360 = arith.index_cast %parallel_loop3A_359 : i32 to index
        %parallel_loop3A_361 = tpu.vector_load %arg6[%parallel_loop3A_360] {strides = array<i32>} : memref<4096xf32, #tpu.memory_space<vmem>>, vector<16xf32>,
        %parallel_loop3A_362 = vector.shape_cast %parallel_loop3A_361 : vector<16xf32> to vector<16xf32>
        %parallel_loop3A_363 = arith.constant 6 : i32
        %parallel_loop3A_364 = arith.index_cast %parallel_loop3A_363 : i32 to index
        %parallel_loop3A_365 = arith.index_cast %parallel_loop3A_284 : i32 to index
        %parallel_loop3A_366 = tpu.vector_load %arg8[%parallel_loop3A_364, %parallel_loop3A_365] {strides = array<i32>} : memref<8x2048xf32, #tpu.memory_space<vmem>>, vector<1x16xf32>,
        %parallel_loop3A_367 = vector.shape_cast %parallel_loop3A_366 : vector<1x16xf32> to vector<16xf32>
        %parallel_loop3A_368 = vector.shape_cast %parallel_loop3A_362 : vector<16xf32> to vector<1x16xf32>
        tpu.vector_store %arg8[%parallel_loop3A_364, %parallel_loop3A_365], %parallel_loop3A_368 {add = true, strides = array<i32>} : memref<8x2048xf32, #tpu.memory_space<vmem>>, vector<1x16xf32>,
        %parallel_loop3A_369 = arith.constant 7 : i32
        %parallel_loop3A_370 = arith.subi %sub3A_190, %parallel_loop3A_369 : i32
        %parallel_loop3A_371 = arith.addi %parallel_loop3A_370, %parallel_loop3A_284 : i32
        %parallel_loop3A_372 = arith.index_cast %parallel_loop3A_371 : i32 to index
        %parallel_loop3A_373 = tpu.vector_load %arg6[%parallel_loop3A_372] {strides = array<i32>} : memref<4096xf32, #tpu.memory_space<vmem>>, vector<16xf32>,
        %parallel_loop3A_374 = vector.shape_cast %parallel_loop3A_373 : vector<16xf32> to vector<16xf32>
        %parallel_loop3A_375 = arith.constant 7 : i32
        %parallel_loop3A_376 = arith.index_cast %parallel_loop3A_375 : i32 to index
        %parallel_loop3A_377 = arith.index_cast %parallel_loop3A_284 : i32 to index
        %parallel_loop3A_378 = tpu.vector_load %arg8[%parallel_loop3A_376, %parallel_loop3A_377] {strides = array<i32>} : memref<8x2048xf32, #tpu.memory_space<vmem>>, vector<1x16xf32>,
        %parallel_loop3A_379 = vector.shape_cast %parallel_loop3A_378 : vector<1x16xf32> to vector<16xf32>
        %parallel_loop3A_380 = vector.shape_cast %parallel_loop3A_374 : vector<16xf32> to vector<1x16xf32>
        tpu.vector_store %arg8[%parallel_loop3A_376, %parallel_loop3A_377], %parallel_loop3A_380 {add = true, strides = array<i32>} : memref<8x2048xf32, #tpu.memory_space<vmem>>, vector<1x16xf32>,
      } {sc.loop_unroll_factor = 4 : i64, sc.parallel_access}
      %mul3A_194 = arith.constant 8 : i32
      %mul3A_195 = arith.muli %add3A_168, %mul3A_194 : i32
      %add3A_196 = arith.addi %mul3A_70, %mul3A_195 : i32
      %dma_start3A_197 = arith.constant 0 : i32
      %dma_start3A_198 = arith.constant 0 : i32
      %dma_start3A_199 = tpu.memref_slice %arg4[%dma_start3A_197, %arg1, %add3A_196, %dma_start3A_198] : memref<1x16x2048x2048xf32, #tpu.memory_space<hbm>> -> memref<1x1x8x2048xf32, #tpu.memory_space<hbm>>
      %dma_start3A_200 = tpu.memref_squeeze %dma_start3A_199 : memref<1x1x8x2048xf32, #tpu.memory_space<hbm>> -> memref<8x2048xf32, #tpu.memory_space<hbm>>
      %dma_start3A_201 = arith.constant 0 : i32
      %dma_start3A_202 = tpu.memref_slice %arg4[%dma_start3A_197, %arg1, %add3A_196, %dma_start3A_201] : memref<1x16x2048x2048xf32, #tpu.memory_space<hbm>> -> memref<1x1x8x2048xf32, #tpu.memory_space<hbm>>
      %dma_start3A_203 = tpu.memref_squeeze %dma_start3A_202 : memref<1x1x8x2048xf32, #tpu.memory_space<hbm>> -> memref<8x2048xf32, #tpu.memory_space<hbm>>
      tpu.enqueue_dma source(%arg8 : memref<8x2048xf32, #tpu.memory_space<vmem>>) target(%dma_start3A_203 : memref<8x2048xf32, #tpu.memory_space<hbm>>) target_semaphore(%arg16 : memref<!tpu.dma_semaphore, #tpu.memory_space<semaphore_mem>>)
      %mul3A_204 = arith.constant 4 : i32
      %mul3A_205 = arith.muli %scan3A_129, %mul3A_204 : i32
      %add3A_206 = arith.constant 2 : i32
      %add3A_207 = arith.addi %mul3A_205, %add3A_206 : i32
      %add3A_208 = arith.constant 2 : i32
      %add3A_209 = arith.addi %add3A_207, %add3A_208 : i32
      %lt3A_210 = arith.constant 128 : i32
      %lt3A_211 = arith.cmpi slt, %add3A_209, %lt3A_210 : i32
      %convert_element_type3A_212 = arith.extui %lt3A_211 : i1 to i32
      %cond3A_213 = arith.constant 0 : i32
      %cond3A_214 = arith.cmpi ne, %convert_element_type3A_212, %cond3A_213 : i32
      scf.if %cond3A_214 {
        %add3A_282 = arith.constant 2 : i32
        %add3A_283 = arith.addi %add3A_207, %add3A_282 : i32
        %ge3A = arith.constant 4 : i32
        %ge3A_284 = arith.cmpi sge, %add3A_283, %ge3A : i32
        %convert_element_type3A_285 = arith.extui %ge3A_284 : i1 to i32
        %cond3A_286 = arith.constant 0 : i32
        %cond3A_287 = arith.cmpi ne, %convert_element_type3A_285, %cond3A_286 : i32
        scf.if %cond3A_287 {
          %add3A_300 = arith.constant 2 : i32
          %add3A_301 = arith.addi %add3A_207, %add3A_300 : i32
          %mul3A_302 = arith.constant 8 : i32
          %mul3A_303 = arith.muli %add3A_301, %mul3A_302 : i32
          %add3A_304 = arith.addi %mul3A_70, %mul3A_303 : i32
          %dma_wait3A_305 = arith.constant 0 : i32
          %dma_wait3A_306 = arith.constant 0 : i32
          %dma_wait3A_307 = tpu.memref_slice %arg4[%dma_wait3A_305, %arg1, %add3A_304, %dma_wait3A_306] : memref<1x16x2048x2048xf32, #tpu.memory_space<hbm>> -> memref<1x1x8x2048xf32, #tpu.memory_space<hbm>>
          %dma_wait3A_308 = tpu.memref_squeeze %dma_wait3A_307 : memref<1x1x8x2048xf32, #tpu.memory_space<hbm>> -> memref<8x2048xf32, #tpu.memory_space<hbm>>
          %dma_wait3A_309 = arith.constant 0 : i32
          %dma_wait3A_310 = tpu.memref_slice %arg4[%dma_wait3A_305, %arg1, %add3A_304, %dma_wait3A_309] : memref<1x16x2048x2048xf32, #tpu.memory_space<hbm>> -> memref<1x1x8x2048xf32, #tpu.memory_space<hbm>>
          %dma_wait3A_311 = tpu.memref_squeeze %dma_wait3A_310 : memref<1x1x8x2048xf32, #tpu.memory_space<hbm>> -> memref<8x2048xf32, #tpu.memory_space<hbm>>
          tpu.wait_dma2 semaphore(%arg15 : memref<!tpu.dma_semaphore, #tpu.memory_space<semaphore_mem>>) src(%arg7 : memref<8x2048xf32, #tpu.memory_space<vmem>>) dst(%dma_wait3A_311 : memref<8x2048xf32, #tpu.memory_space<hbm>>)
        } else {
        }
        %add3A_288 = arith.constant 2 : i32
        %add3A_289 = arith.addi %add3A_207, %add3A_288 : i32
        %mul3A_290 = arith.constant 8 : i32
        %mul3A_291 = arith.muli %add3A_289, %mul3A_290 : i32
        %add3A_292 = arith.addi %mul3A_70, %mul3A_291 : i32
        %dma_start3A_293 = arith.constant 0 : i32
        %dma_start3A_294 = arith.constant 0 : i32
        %dma_start3A_295 = tpu.memref_slice %arg2[%dma_start3A_293, %arg1, %add3A_292, %dma_start3A_294] : memref<1x16x2048x2048xf32, #tpu.memory_space<hbm>> -> memref<1x1x8x2048xf32, #tpu.memory_space<hbm>>
        %dma_start3A_296 = tpu.memref_squeeze %dma_start3A_295 : memref<1x1x8x2048xf32, #tpu.memory_space<hbm>> -> memref<8x2048xf32, #tpu.memory_space<hbm>>
        %dma_start3A_297 = arith.constant 0 : i32
        %dma_start3A_298 = tpu.memref_slice %arg2[%dma_start3A_293, %arg1, %add3A_292, %dma_start3A_297] : memref<1x16x2048x2048xf32, #tpu.memory_space<hbm>> -> memref<1x1x8x2048xf32, #tpu.memory_space<hbm>>
        %dma_start3A_299 = tpu.memref_squeeze %dma_start3A_298 : memref<1x1x8x2048xf32, #tpu.memory_space<hbm>> -> memref<8x2048xf32, #tpu.memory_space<hbm>>
        tpu.enqueue_dma source(%dma_start3A_299 : memref<8x2048xf32, #tpu.memory_space<hbm>>) target(%arg7 : memref<8x2048xf32, #tpu.memory_space<vmem>>) target_semaphore(%arg11 : memref<!tpu.dma_semaphore, #tpu.memory_space<semaphore_mem>>)
      } else {
      }
      %mul3A_215 = arith.constant 8 : i32
      %mul3A_216 = arith.muli %add3A_207, %mul3A_215 : i32
      %add3A_217 = arith.addi %mul3A_70, %mul3A_216 : i32
      %dma_wait3A_218 = arith.constant 0 : i32
      %dma_wait3A_219 = arith.constant 0 : i32
      %dma_wait3A_220 = tpu.memref_slice %arg2[%dma_wait3A_218, %arg1, %add3A_217, %dma_wait3A_219] : memref<1x16x2048x2048xf32, #tpu.memory_space<hbm>> -> memref<1x1x8x2048xf32, #tpu.memory_space<hbm>>
      %dma_wait3A_221 = tpu.memref_squeeze %dma_wait3A_220 : memref<1x1x8x2048xf32, #tpu.memory_space<hbm>> -> memref<8x2048xf32, #tpu.memory_space<hbm>>
      %dma_wait3A_222 = arith.constant 0 : i32
      %dma_wait3A_223 = tpu.memref_slice %arg2[%dma_wait3A_218, %arg1, %add3A_217, %dma_wait3A_222] : memref<1x16x2048x2048xf32, #tpu.memory_space<hbm>> -> memref<1x1x8x2048xf32, #tpu.memory_space<hbm>>
      %dma_wait3A_224 = tpu.memref_squeeze %dma_wait3A_223 : memref<1x1x8x2048xf32, #tpu.memory_space<hbm>> -> memref<8x2048xf32, #tpu.memory_space<hbm>>
      tpu.wait_dma2 semaphore(%arg13 : memref<!tpu.dma_semaphore, #tpu.memory_space<semaphore_mem>>) src(%dma_wait3A_224 : memref<8x2048xf32, #tpu.memory_space<hbm>>) dst(%arg9 : memref<8x2048xf32, #tpu.memory_space<vmem>>)
      %mul3A_225 = arith.constant 8 : i32
      %mul3A_226 = arith.muli %add3A_207, %mul3A_225 : i32
      %add3A_227 = arith.addi %mul3A_70, %mul3A_226 : i32
      %sub3A_228 = arith.constant 2047 : i32
      %sub3A_229 = arith.subi %sub3A_228, %add3A_227 : i32
      %parallel_loop3A_230 = arith.constant 0 : i32
      %parallel_loop3A_231 = arith.constant 128 : i32
      %parallel_loop3A_232 = arith.constant 1 : i32
      scf.for %parallel_loop3A_282 = %parallel_loop3A_230 to %parallel_loop3A_231 step %parallel_loop3A_232  : i32 {
        %parallel_loop3A_283 = arith.constant 16 : i32
        %parallel_loop3A_284 = arith.muli %parallel_loop3A_282, %parallel_loop3A_283 : i32
        %parallel_loop3A_285 = arith.constant 0 : i32
        %parallel_loop3A_286 = arith.subi %sub3A_229, %parallel_loop3A_285 : i32
        %parallel_loop3A_287 = arith.addi %parallel_loop3A_286, %parallel_loop3A_284 : i32
        %parallel_loop3A_288 = arith.index_cast %parallel_loop3A_287 : i32 to index
        %parallel_loop3A_289 = tpu.vector_load %arg6[%parallel_loop3A_288] {strides = array<i32>} : memref<4096xf32, #tpu.memory_space<vmem>>, vector<16xf32>,
        %parallel_loop3A_290 = vector.shape_cast %parallel_loop3A_289 : vector<16xf32> to vector<16xf32>
        %parallel_loop3A_291 = arith.constant 0 : i32
        %parallel_loop3A_292 = arith.index_cast %parallel_loop3A_291 : i32 to index
        %parallel_loop3A_293 = arith.index_cast %parallel_loop3A_284 : i32 to index
        %parallel_loop3A_294 = tpu.vector_load %arg9[%parallel_loop3A_292, %parallel_loop3A_293] {strides = array<i32>} : memref<8x2048xf32, #tpu.memory_space<vmem>>, vector<1x16xf32>,
        %parallel_loop3A_295 = vector.shape_cast %parallel_loop3A_294 : vector<1x16xf32> to vector<16xf32>
        %parallel_loop3A_296 = vector.shape_cast %parallel_loop3A_290 : vector<16xf32> to vector<1x16xf32>
        tpu.vector_store %arg9[%parallel_loop3A_292, %parallel_loop3A_293], %parallel_loop3A_296 {add = true, strides = array<i32>} : memref<8x2048xf32, #tpu.memory_space<vmem>>, vector<1x16xf32>,
        %parallel_loop3A_297 = arith.constant 1 : i32
        %parallel_loop3A_298 = arith.subi %sub3A_229, %parallel_loop3A_297 : i32
        %parallel_loop3A_299 = arith.addi %parallel_loop3A_298, %parallel_loop3A_284 : i32
        %parallel_loop3A_300 = arith.index_cast %parallel_loop3A_299 : i32 to index
        %parallel_loop3A_301 = tpu.vector_load %arg6[%parallel_loop3A_300] {strides = array<i32>} : memref<4096xf32, #tpu.memory_space<vmem>>, vector<16xf32>,
        %parallel_loop3A_302 = vector.shape_cast %parallel_loop3A_301 : vector<16xf32> to vector<16xf32>
        %parallel_loop3A_303 = arith.constant 1 : i32
        %parallel_loop3A_304 = arith.index_cast %parallel_loop3A_303 : i32 to index
        %parallel_loop3A_305 = arith.index_cast %parallel_loop3A_284 : i32 to index
        %parallel_loop3A_306 = tpu.vector_load %arg9[%parallel_loop3A_304, %parallel_loop3A_305] {strides = array<i32>} : memref<8x2048xf32, #tpu.memory_space<vmem>>, vector<1x16xf32>,
        %parallel_loop3A_307 = vector.shape_cast %parallel_loop3A_306 : vector<1x16xf32> to vector<16xf32>
        %parallel_loop3A_308 = vector.shape_cast %parallel_loop3A_302 : vector<16xf32> to vector<1x16xf32>
        tpu.vector_store %arg9[%parallel_loop3A_304, %parallel_loop3A_305], %parallel_loop3A_308 {add = true, strides = array<i32>} : memref<8x2048xf32, #tpu.memory_space<vmem>>, vector<1x16xf32>,
        %parallel_loop3A_309 = arith.constant 2 : i32
        %parallel_loop3A_310 = arith.subi %sub3A_229, %parallel_loop3A_309 : i32
        %parallel_loop3A_311 = arith.addi %parallel_loop3A_310, %parallel_loop3A_284 : i32
        %parallel_loop3A_312 = arith.index_cast %parallel_loop3A_311 : i32 to index
        %parallel_loop3A_313 = tpu.vector_load %arg6[%parallel_loop3A_312] {strides = array<i32>} : memref<4096xf32, #tpu.memory_space<vmem>>, vector<16xf32>,
        %parallel_loop3A_314 = vector.shape_cast %parallel_loop3A_313 : vector<16xf32> to vector<16xf32>
        %parallel_loop3A_315 = arith.constant 2 : i32
        %parallel_loop3A_316 = arith.index_cast %parallel_loop3A_315 : i32 to index
        %parallel_loop3A_317 = arith.index_cast %parallel_loop3A_284 : i32 to index
        %parallel_loop3A_318 = tpu.vector_load %arg9[%parallel_loop3A_316, %parallel_loop3A_317] {strides = array<i32>} : memref<8x2048xf32, #tpu.memory_space<vmem>>, vector<1x16xf32>,
        %parallel_loop3A_319 = vector.shape_cast %parallel_loop3A_318 : vector<1x16xf32> to vector<16xf32>
        %parallel_loop3A_320 = vector.shape_cast %parallel_loop3A_314 : vector<16xf32> to vector<1x16xf32>
        tpu.vector_store %arg9[%parallel_loop3A_316, %parallel_loop3A_317], %parallel_loop3A_320 {add = true, strides = array<i32>} : memref<8x2048xf32, #tpu.memory_space<vmem>>, vector<1x16xf32>,
        %parallel_loop3A_321 = arith.constant 3 : i32
        %parallel_loop3A_322 = arith.subi %sub3A_229, %parallel_loop3A_321 : i32
        %parallel_loop3A_323 = arith.addi %parallel_loop3A_322, %parallel_loop3A_284 : i32
        %parallel_loop3A_324 = arith.index_cast %parallel_loop3A_323 : i32 to index
        %parallel_loop3A_325 = tpu.vector_load %arg6[%parallel_loop3A_324] {strides = array<i32>} : memref<4096xf32, #tpu.memory_space<vmem>>, vector<16xf32>,
        %parallel_loop3A_326 = vector.shape_cast %parallel_loop3A_325 : vector<16xf32> to vector<16xf32>
        %parallel_loop3A_327 = arith.constant 3 : i32
        %parallel_loop3A_328 = arith.index_cast %parallel_loop3A_327 : i32 to index
        %parallel_loop3A_329 = arith.index_cast %parallel_loop3A_284 : i32 to index
        %parallel_loop3A_330 = tpu.vector_load %arg9[%parallel_loop3A_328, %parallel_loop3A_329] {strides = array<i32>} : memref<8x2048xf32, #tpu.memory_space<vmem>>, vector<1x16xf32>,
        %parallel_loop3A_331 = vector.shape_cast %parallel_loop3A_330 : vector<1x16xf32> to vector<16xf32>
        %parallel_loop3A_332 = vector.shape_cast %parallel_loop3A_326 : vector<16xf32> to vector<1x16xf32>
        tpu.vector_store %arg9[%parallel_loop3A_328, %parallel_loop3A_329], %parallel_loop3A_332 {add = true, strides = array<i32>} : memref<8x2048xf32, #tpu.memory_space<vmem>>, vector<1x16xf32>,
        %parallel_loop3A_333 = arith.constant 4 : i32
        %parallel_loop3A_334 = arith.subi %sub3A_229, %parallel_loop3A_333 : i32
        %parallel_loop3A_335 = arith.addi %parallel_loop3A_334, %parallel_loop3A_284 : i32
        %parallel_loop3A_336 = arith.index_cast %parallel_loop3A_335 : i32 to index
        %parallel_loop3A_337 = tpu.vector_load %arg6[%parallel_loop3A_336] {strides = array<i32>} : memref<4096xf32, #tpu.memory_space<vmem>>, vector<16xf32>,
        %parallel_loop3A_338 = vector.shape_cast %parallel_loop3A_337 : vector<16xf32> to vector<16xf32>
        %parallel_loop3A_339 = arith.constant 4 : i32
        %parallel_loop3A_340 = arith.index_cast %parallel_loop3A_339 : i32 to index
        %parallel_loop3A_341 = arith.index_cast %parallel_loop3A_284 : i32 to index
        %parallel_loop3A_342 = tpu.vector_load %arg9[%parallel_loop3A_340, %parallel_loop3A_341] {strides = array<i32>} : memref<8x2048xf32, #tpu.memory_space<vmem>>, vector<1x16xf32>,
        %parallel_loop3A_343 = vector.shape_cast %parallel_loop3A_342 : vector<1x16xf32> to vector<16xf32>
        %parallel_loop3A_344 = vector.shape_cast %parallel_loop3A_338 : vector<16xf32> to vector<1x16xf32>
        tpu.vector_store %arg9[%parallel_loop3A_340, %parallel_loop3A_341], %parallel_loop3A_344 {add = true, strides = array<i32>} : memref<8x2048xf32, #tpu.memory_space<vmem>>, vector<1x16xf32>,
        %parallel_loop3A_345 = arith.constant 5 : i32
        %parallel_loop3A_346 = arith.subi %sub3A_229, %parallel_loop3A_345 : i32
        %parallel_loop3A_347 = arith.addi %parallel_loop3A_346, %parallel_loop3A_284 : i32
        %parallel_loop3A_348 = arith.index_cast %parallel_loop3A_347 : i32 to index
        %parallel_loop3A_349 = tpu.vector_load %arg6[%parallel_loop3A_348] {strides = array<i32>} : memref<4096xf32, #tpu.memory_space<vmem>>, vector<16xf32>,
        %parallel_loop3A_350 = vector.shape_cast %parallel_loop3A_349 : vector<16xf32> to vector<16xf32>
        %parallel_loop3A_351 = arith.constant 5 : i32
        %parallel_loop3A_352 = arith.index_cast %parallel_loop3A_351 : i32 to index
        %parallel_loop3A_353 = arith.index_cast %parallel_loop3A_284 : i32 to index
        %parallel_loop3A_354 = tpu.vector_load %arg9[%parallel_loop3A_352, %parallel_loop3A_353] {strides = array<i32>} : memref<8x2048xf32, #tpu.memory_space<vmem>>, vector<1x16xf32>,
        %parallel_loop3A_355 = vector.shape_cast %parallel_loop3A_354 : vector<1x16xf32> to vector<16xf32>
        %parallel_loop3A_356 = vector.shape_cast %parallel_loop3A_350 : vector<16xf32> to vector<1x16xf32>
        tpu.vector_store %arg9[%parallel_loop3A_352, %parallel_loop3A_353], %parallel_loop3A_356 {add = true, strides = array<i32>} : memref<8x2048xf32, #tpu.memory_space<vmem>>, vector<1x16xf32>,
        %parallel_loop3A_357 = arith.constant 6 : i32
        %parallel_loop3A_358 = arith.subi %sub3A_229, %parallel_loop3A_357 : i32
        %parallel_loop3A_359 = arith.addi %parallel_loop3A_358, %parallel_loop3A_284 : i32
        %parallel_loop3A_360 = arith.index_cast %parallel_loop3A_359 : i32 to index
        %parallel_loop3A_361 = tpu.vector_load %arg6[%parallel_loop3A_360] {strides = array<i32>} : memref<4096xf32, #tpu.memory_space<vmem>>, vector<16xf32>,
        %parallel_loop3A_362 = vector.shape_cast %parallel_loop3A_361 : vector<16xf32> to vector<16xf32>
        %parallel_loop3A_363 = arith.constant 6 : i32
        %parallel_loop3A_364 = arith.index_cast %parallel_loop3A_363 : i32 to index
        %parallel_loop3A_365 = arith.index_cast %parallel_loop3A_284 : i32 to index
        %parallel_loop3A_366 = tpu.vector_load %arg9[%parallel_loop3A_364, %parallel_loop3A_365] {strides = array<i32>} : memref<8x2048xf32, #tpu.memory_space<vmem>>, vector<1x16xf32>,
        %parallel_loop3A_367 = vector.shape_cast %parallel_loop3A_366 : vector<1x16xf32> to vector<16xf32>
        %parallel_loop3A_368 = vector.shape_cast %parallel_loop3A_362 : vector<16xf32> to vector<1x16xf32>
        tpu.vector_store %arg9[%parallel_loop3A_364, %parallel_loop3A_365], %parallel_loop3A_368 {add = true, strides = array<i32>} : memref<8x2048xf32, #tpu.memory_space<vmem>>, vector<1x16xf32>,
        %parallel_loop3A_369 = arith.constant 7 : i32
        %parallel_loop3A_370 = arith.subi %sub3A_229, %parallel_loop3A_369 : i32
        %parallel_loop3A_371 = arith.addi %parallel_loop3A_370, %parallel_loop3A_284 : i32
        %parallel_loop3A_372 = arith.index_cast %parallel_loop3A_371 : i32 to index
        %parallel_loop3A_373 = tpu.vector_load %arg6[%parallel_loop3A_372] {strides = array<i32>} : memref<4096xf32, #tpu.memory_space<vmem>>, vector<16xf32>,
        %parallel_loop3A_374 = vector.shape_cast %parallel_loop3A_373 : vector<16xf32> to vector<16xf32>
        %parallel_loop3A_375 = arith.constant 7 : i32
        %parallel_loop3A_376 = arith.index_cast %parallel_loop3A_375 : i32 to index
        %parallel_loop3A_377 = arith.index_cast %parallel_loop3A_284 : i32 to index
        %parallel_loop3A_378 = tpu.vector_load %arg9[%parallel_loop3A_376, %parallel_loop3A_377] {strides = array<i32>} : memref<8x2048xf32, #tpu.memory_space<vmem>>, vector<1x16xf32>,
        %parallel_loop3A_379 = vector.shape_cast %parallel_loop3A_378 : vector<1x16xf32> to vector<16xf32>
        %parallel_loop3A_380 = vector.shape_cast %parallel_loop3A_374 : vector<16xf32> to vector<1x16xf32>
        tpu.vector_store %arg9[%parallel_loop3A_376, %parallel_loop3A_377], %parallel_loop3A_380 {add = true, strides = array<i32>} : memref<8x2048xf32, #tpu.memory_space<vmem>>, vector<1x16xf32>,
      } {sc.loop_unroll_factor = 4 : i64, sc.parallel_access}
      %mul3A_233 = arith.constant 8 : i32
      %mul3A_234 = arith.muli %add3A_207, %mul3A_233 : i32
      %add3A_235 = arith.addi %mul3A_70, %mul3A_234 : i32
      %dma_start3A_236 = arith.constant 0 : i32
      %dma_start3A_237 = arith.constant 0 : i32
      %dma_start3A_238 = tpu.memref_slice %arg4[%dma_start3A_236, %arg1, %add3A_235, %dma_start3A_237] : memref<1x16x2048x2048xf32, #tpu.memory_space<hbm>> -> memref<1x1x8x2048xf32, #tpu.memory_space<hbm>>
      %dma_start3A_239 = tpu.memref_squeeze %dma_start3A_238 : memref<1x1x8x2048xf32, #tpu.memory_space<hbm>> -> memref<8x2048xf32, #tpu.memory_space<hbm>>
      %dma_start3A_240 = arith.constant 0 : i32
      %dma_start3A_241 = tpu.memref_slice %arg4[%dma_start3A_236, %arg1, %add3A_235, %dma_start3A_240] : memref<1x16x2048x2048xf32, #tpu.memory_space<hbm>> -> memref<1x1x8x2048xf32, #tpu.memory_space<hbm>>
      %dma_start3A_242 = tpu.memref_squeeze %dma_start3A_241 : memref<1x1x8x2048xf32, #tpu.memory_space<hbm>> -> memref<8x2048xf32, #tpu.memory_space<hbm>>
      tpu.enqueue_dma source(%arg9 : memref<8x2048xf32, #tpu.memory_space<vmem>>) target(%dma_start3A_242 : memref<8x2048xf32, #tpu.memory_space<hbm>>) target_semaphore(%arg17 : memref<!tpu.dma_semaphore, #tpu.memory_space<semaphore_mem>>)
      %mul3A_243 = arith.constant 4 : i32
      %mul3A_244 = arith.muli %scan3A_129, %mul3A_243 : i32
      %add3A_245 = arith.constant 3 : i32
      %add3A_246 = arith.addi %mul3A_244, %add3A_245 : i32
      %add3A_247 = arith.constant 2 : i32
      %add3A_248 = arith.addi %add3A_246, %add3A_247 : i32
      %lt3A_249 = arith.constant 128 : i32
      %lt3A_250 = arith.cmpi slt, %add3A_248, %lt3A_249 : i32
      %convert_element_type3A_251 = arith.extui %lt3A_250 : i1 to i32
      %cond3A_252 = arith.constant 0 : i32
      %cond3A_253 = arith.cmpi ne, %convert_element_type3A_251, %cond3A_252 : i32
      scf.if %cond3A_253 {
        %add3A_282 = arith.constant 2 : i32
        %add3A_283 = arith.addi %add3A_246, %add3A_282 : i32
        %ge3A = arith.constant 4 : i32
        %ge3A_284 = arith.cmpi sge, %add3A_283, %ge3A : i32
        %convert_element_type3A_285 = arith.extui %ge3A_284 : i1 to i32
        %cond3A_286 = arith.constant 0 : i32
        %cond3A_287 = arith.cmpi ne, %convert_element_type3A_285, %cond3A_286 : i32
        scf.if %cond3A_287 {
          %add3A_300 = arith.constant 2 : i32
          %add3A_301 = arith.addi %add3A_246, %add3A_300 : i32
          %mul3A_302 = arith.constant 8 : i32
          %mul3A_303 = arith.muli %add3A_301, %mul3A_302 : i32
          %add3A_304 = arith.addi %mul3A_70, %mul3A_303 : i32
          %dma_wait3A_305 = arith.constant 0 : i32
          %dma_wait3A_306 = arith.constant 0 : i32
          %dma_wait3A_307 = tpu.memref_slice %arg4[%dma_wait3A_305, %arg1, %add3A_304, %dma_wait3A_306] : memref<1x16x2048x2048xf32, #tpu.memory_space<hbm>> -> memref<1x1x8x2048xf32, #tpu.memory_space<hbm>>
          %dma_wait3A_308 = tpu.memref_squeeze %dma_wait3A_307 : memref<1x1x8x2048xf32, #tpu.memory_space<hbm>> -> memref<8x2048xf32, #tpu.memory_space<hbm>>
          %dma_wait3A_309 = arith.constant 0 : i32
          %dma_wait3A_310 = tpu.memref_slice %arg4[%dma_wait3A_305, %arg1, %add3A_304, %dma_wait3A_309] : memref<1x16x2048x2048xf32, #tpu.memory_space<hbm>> -> memref<1x1x8x2048xf32, #tpu.memory_space<hbm>>
          %dma_wait3A_311 = tpu.memref_squeeze %dma_wait3A_310 : memref<1x1x8x2048xf32, #tpu.memory_space<hbm>> -> memref<8x2048xf32, #tpu.memory_space<hbm>>
          tpu.wait_dma2 semaphore(%arg16 : memref<!tpu.dma_semaphore, #tpu.memory_space<semaphore_mem>>) src(%arg8 : memref<8x2048xf32, #tpu.memory_space<vmem>>) dst(%dma_wait3A_311 : memref<8x2048xf32, #tpu.memory_space<hbm>>)
        } else {
        }
        %add3A_288 = arith.constant 2 : i32
        %add3A_289 = arith.addi %add3A_246, %add3A_288 : i32
        %mul3A_290 = arith.constant 8 : i32
        %mul3A_291 = arith.muli %add3A_289, %mul3A_290 : i32
        %add3A_292 = arith.addi %mul3A_70, %mul3A_291 : i32
        %dma_start3A_293 = arith.constant 0 : i32
        %dma_start3A_294 = arith.constant 0 : i32
        %dma_start3A_295 = tpu.memref_slice %arg2[%dma_start3A_293, %arg1, %add3A_292, %dma_start3A_294] : memref<1x16x2048x2048xf32, #tpu.memory_space<hbm>> -> memref<1x1x8x2048xf32, #tpu.memory_space<hbm>>
        %dma_start3A_296 = tpu.memref_squeeze %dma_start3A_295 : memref<1x1x8x2048xf32, #tpu.memory_space<hbm>> -> memref<8x2048xf32, #tpu.memory_space<hbm>>
        %dma_start3A_297 = arith.constant 0 : i32
        %dma_start3A_298 = tpu.memref_slice %arg2[%dma_start3A_293, %arg1, %add3A_292, %dma_start3A_297] : memref<1x16x2048x2048xf32, #tpu.memory_space<hbm>> -> memref<1x1x8x2048xf32, #tpu.memory_space<hbm>>
        %dma_start3A_299 = tpu.memref_squeeze %dma_start3A_298 : memref<1x1x8x2048xf32, #tpu.memory_space<hbm>> -> memref<8x2048xf32, #tpu.memory_space<hbm>>
        tpu.enqueue_dma source(%dma_start3A_299 : memref<8x2048xf32, #tpu.memory_space<hbm>>) target(%arg8 : memref<8x2048xf32, #tpu.memory_space<vmem>>) target_semaphore(%arg12 : memref<!tpu.dma_semaphore, #tpu.memory_space<semaphore_mem>>)
      } else {
      }
      %mul3A_254 = arith.constant 8 : i32
      %mul3A_255 = arith.muli %add3A_246, %mul3A_254 : i32
      %add3A_256 = arith.addi %mul3A_70, %mul3A_255 : i32
      %dma_wait3A_257 = arith.constant 0 : i32
      %dma_wait3A_258 = arith.constant 0 : i32
      %dma_wait3A_259 = tpu.memref_slice %arg2[%dma_wait3A_257, %arg1, %add3A_256, %dma_wait3A_258] : memref<1x16x2048x2048xf32, #tpu.memory_space<hbm>> -> memref<1x1x8x2048xf32, #tpu.memory_space<hbm>>
      %dma_wait3A_260 = tpu.memref_squeeze %dma_wait3A_259 : memref<1x1x8x2048xf32, #tpu.memory_space<hbm>> -> memref<8x2048xf32, #tpu.memory_space<hbm>>
      %dma_wait3A_261 = arith.constant 0 : i32
      %dma_wait3A_262 = tpu.memref_slice %arg2[%dma_wait3A_257, %arg1, %add3A_256, %dma_wait3A_261] : memref<1x16x2048x2048xf32, #tpu.memory_space<hbm>> -> memref<1x1x8x2048xf32, #tpu.memory_space<hbm>>
      %dma_wait3A_263 = tpu.memref_squeeze %dma_wait3A_262 : memref<1x1x8x2048xf32, #tpu.memory_space<hbm>> -> memref<8x2048xf32, #tpu.memory_space<hbm>>
      tpu.wait_dma2 semaphore(%arg14 : memref<!tpu.dma_semaphore, #tpu.memory_space<semaphore_mem>>) src(%dma_wait3A_263 : memref<8x2048xf32, #tpu.memory_space<hbm>>) dst(%arg10 : memref<8x2048xf32, #tpu.memory_space<vmem>>)
      %mul3A_264 = arith.constant 8 : i32
      %mul3A_265 = arith.muli %add3A_246, %mul3A_264 : i32
      %add3A_266 = arith.addi %mul3A_70, %mul3A_265 : i32
      %sub3A_267 = arith.constant 2047 : i32
      %sub3A_268 = arith.subi %sub3A_267, %add3A_266 : i32
      %parallel_loop3A_269 = arith.constant 0 : i32
      %parallel_loop3A_270 = arith.constant 128 : i32
      %parallel_loop3A_271 = arith.constant 1 : i32
      scf.for %parallel_loop3A_282 = %parallel_loop3A_269 to %parallel_loop3A_270 step %parallel_loop3A_271  : i32 {
        %parallel_loop3A_283 = arith.constant 16 : i32
        %parallel_loop3A_284 = arith.muli %parallel_loop3A_282, %parallel_loop3A_283 : i32
        %parallel_loop3A_285 = arith.constant 0 : i32
        %parallel_loop3A_286 = arith.subi %sub3A_268, %parallel_loop3A_285 : i32
        %parallel_loop3A_287 = arith.addi %parallel_loop3A_286, %parallel_loop3A_284 : i32
        %parallel_loop3A_288 = arith.index_cast %parallel_loop3A_287 : i32 to index
        %parallel_loop3A_289 = tpu.vector_load %arg6[%parallel_loop3A_288] {strides = array<i32>} : memref<4096xf32, #tpu.memory_space<vmem>>, vector<16xf32>,
        %parallel_loop3A_290 = vector.shape_cast %parallel_loop3A_289 : vector<16xf32> to vector<16xf32>
        %parallel_loop3A_291 = arith.constant 0 : i32
        %parallel_loop3A_292 = arith.index_cast %parallel_loop3A_291 : i32 to index
        %parallel_loop3A_293 = arith.index_cast %parallel_loop3A_284 : i32 to index
        %parallel_loop3A_294 = tpu.vector_load %arg10[%parallel_loop3A_292, %parallel_loop3A_293] {strides = array<i32>} : memref<8x2048xf32, #tpu.memory_space<vmem>>, vector<1x16xf32>,
        %parallel_loop3A_295 = vector.shape_cast %parallel_loop3A_294 : vector<1x16xf32> to vector<16xf32>
        %parallel_loop3A_296 = vector.shape_cast %parallel_loop3A_290 : vector<16xf32> to vector<1x16xf32>
        tpu.vector_store %arg10[%parallel_loop3A_292, %parallel_loop3A_293], %parallel_loop3A_296 {add = true, strides = array<i32>} : memref<8x2048xf32, #tpu.memory_space<vmem>>, vector<1x16xf32>,
        %parallel_loop3A_297 = arith.constant 1 : i32
        %parallel_loop3A_298 = arith.subi %sub3A_268, %parallel_loop3A_297 : i32
        %parallel_loop3A_299 = arith.addi %parallel_loop3A_298, %parallel_loop3A_284 : i32
        %parallel_loop3A_300 = arith.index_cast %parallel_loop3A_299 : i32 to index
        %parallel_loop3A_301 = tpu.vector_load %arg6[%parallel_loop3A_300] {strides = array<i32>} : memref<4096xf32, #tpu.memory_space<vmem>>, vector<16xf32>,
        %parallel_loop3A_302 = vector.shape_cast %parallel_loop3A_301 : vector<16xf32> to vector<16xf32>
        %parallel_loop3A_303 = arith.constant 1 : i32
        %parallel_loop3A_304 = arith.index_cast %parallel_loop3A_303 : i32 to index
        %parallel_loop3A_305 = arith.index_cast %parallel_loop3A_284 : i32 to index
        %parallel_loop3A_306 = tpu.vector_load %arg10[%parallel_loop3A_304, %parallel_loop3A_305] {strides = array<i32>} : memref<8x2048xf32, #tpu.memory_space<vmem>>, vector<1x16xf32>,
        %parallel_loop3A_307 = vector.shape_cast %parallel_loop3A_306 : vector<1x16xf32> to vector<16xf32>
        %parallel_loop3A_308 = vector.shape_cast %parallel_loop3A_302 : vector<16xf32> to vector<1x16xf32>
        tpu.vector_store %arg10[%parallel_loop3A_304, %parallel_loop3A_305], %parallel_loop3A_308 {add = true, strides = array<i32>} : memref<8x2048xf32, #tpu.memory_space<vmem>>, vector<1x16xf32>,
        %parallel_loop3A_309 = arith.constant 2 : i32
        %parallel_loop3A_310 = arith.subi %sub3A_268, %parallel_loop3A_309 : i32
        %parallel_loop3A_311 = arith.addi %parallel_loop3A_310, %parallel_loop3A_284 : i32
        %parallel_loop3A_312 = arith.index_cast %parallel_loop3A_311 : i32 to index
        %parallel_loop3A_313 = tpu.vector_load %arg6[%parallel_loop3A_312] {strides = array<i32>} : memref<4096xf32, #tpu.memory_space<vmem>>, vector<16xf32>,
        %parallel_loop3A_314 = vector.shape_cast %parallel_loop3A_313 : vector<16xf32> to vector<16xf32>
        %parallel_loop3A_315 = arith.constant 2 : i32
        %parallel_loop3A_316 = arith.index_cast %parallel_loop3A_315 : i32 to index
        %parallel_loop3A_317 = arith.index_cast %parallel_loop3A_284 : i32 to index
        %parallel_loop3A_318 = tpu.vector_load %arg10[%parallel_loop3A_316, %parallel_loop3A_317] {strides = array<i32>} : memref<8x2048xf32, #tpu.memory_space<vmem>>, vector<1x16xf32>,
        %parallel_loop3A_319 = vector.shape_cast %parallel_loop3A_318 : vector<1x16xf32> to vector<16xf32>
        %parallel_loop3A_320 = vector.shape_cast %parallel_loop3A_314 : vector<16xf32> to vector<1x16xf32>
        tpu.vector_store %arg10[%parallel_loop3A_316, %parallel_loop3A_317], %parallel_loop3A_320 {add = true, strides = array<i32>} : memref<8x2048xf32, #tpu.memory_space<vmem>>, vector<1x16xf32>,
        %parallel_loop3A_321 = arith.constant 3 : i32
        %parallel_loop3A_322 = arith.subi %sub3A_268, %parallel_loop3A_321 : i32
        %parallel_loop3A_323 = arith.addi %parallel_loop3A_322, %parallel_loop3A_284 : i32
        %parallel_loop3A_324 = arith.index_cast %parallel_loop3A_323 : i32 to index
        %parallel_loop3A_325 = tpu.vector_load %arg6[%parallel_loop3A_324] {strides = array<i32>} : memref<4096xf32, #tpu.memory_space<vmem>>, vector<16xf32>,
        %parallel_loop3A_326 = vector.shape_cast %parallel_loop3A_325 : vector<16xf32> to vector<16xf32>
        %parallel_loop3A_327 = arith.constant 3 : i32
        %parallel_loop3A_328 = arith.index_cast %parallel_loop3A_327 : i32 to index
        %parallel_loop3A_329 = arith.index_cast %parallel_loop3A_284 : i32 to index
        %parallel_loop3A_330 = tpu.vector_load %arg10[%parallel_loop3A_328, %parallel_loop3A_329] {strides = array<i32>} : memref<8x2048xf32, #tpu.memory_space<vmem>>, vector<1x16xf32>,
        %parallel_loop3A_331 = vector.shape_cast %parallel_loop3A_330 : vector<1x16xf32> to vector<16xf32>
        %parallel_loop3A_332 = vector.shape_cast %parallel_loop3A_326 : vector<16xf32> to vector<1x16xf32>
        tpu.vector_store %arg10[%parallel_loop3A_328, %parallel_loop3A_329], %parallel_loop3A_332 {add = true, strides = array<i32>} : memref<8x2048xf32, #tpu.memory_space<vmem>>, vector<1x16xf32>,
        %parallel_loop3A_333 = arith.constant 4 : i32
        %parallel_loop3A_334 = arith.subi %sub3A_268, %parallel_loop3A_333 : i32
        %parallel_loop3A_335 = arith.addi %parallel_loop3A_334, %parallel_loop3A_284 : i32
        %parallel_loop3A_336 = arith.index_cast %parallel_loop3A_335 : i32 to index
        %parallel_loop3A_337 = tpu.vector_load %arg6[%parallel_loop3A_336] {strides = array<i32>} : memref<4096xf32, #tpu.memory_space<vmem>>, vector<16xf32>,
        %parallel_loop3A_338 = vector.shape_cast %parallel_loop3A_337 : vector<16xf32> to vector<16xf32>
        %parallel_loop3A_339 = arith.constant 4 : i32
        %parallel_loop3A_340 = arith.index_cast %parallel_loop3A_339 : i32 to index
        %parallel_loop3A_341 = arith.index_cast %parallel_loop3A_284 : i32 to index
        %parallel_loop3A_342 = tpu.vector_load %arg10[%parallel_loop3A_340, %parallel_loop3A_341] {strides = array<i32>} : memref<8x2048xf32, #tpu.memory_space<vmem>>, vector<1x16xf32>,
        %parallel_loop3A_343 = vector.shape_cast %parallel_loop3A_342 : vector<1x16xf32> to vector<16xf32>
        %parallel_loop3A_344 = vector.shape_cast %parallel_loop3A_338 : vector<16xf32> to vector<1x16xf32>
        tpu.vector_store %arg10[%parallel_loop3A_340, %parallel_loop3A_341], %parallel_loop3A_344 {add = true, strides = array<i32>} : memref<8x2048xf32, #tpu.memory_space<vmem>>, vector<1x16xf32>,
        %parallel_loop3A_345 = arith.constant 5 : i32
        %parallel_loop3A_346 = arith.subi %sub3A_268, %parallel_loop3A_345 : i32
        %parallel_loop3A_347 = arith.addi %parallel_loop3A_346, %parallel_loop3A_284 : i32
        %parallel_loop3A_348 = arith.index_cast %parallel_loop3A_347 : i32 to index
        %parallel_loop3A_349 = tpu.vector_load %arg6[%parallel_loop3A_348] {strides = array<i32>} : memref<4096xf32, #tpu.memory_space<vmem>>, vector<16xf32>,
        %parallel_loop3A_350 = vector.shape_cast %parallel_loop3A_349 : vector<16xf32> to vector<16xf32>
        %parallel_loop3A_351 = arith.constant 5 : i32
        %parallel_loop3A_352 = arith.index_cast %parallel_loop3A_351 : i32 to index
        %parallel_loop3A_353 = arith.index_cast %parallel_loop3A_284 : i32 to index
        %parallel_loop3A_354 = tpu.vector_load %arg10[%parallel_loop3A_352, %parallel_loop3A_353] {strides = array<i32>} : memref<8x2048xf32, #tpu.memory_space<vmem>>, vector<1x16xf32>,
        %parallel_loop3A_355 = vector.shape_cast %parallel_loop3A_354 : vector<1x16xf32> to vector<16xf32>
        %parallel_loop3A_356 = vector.shape_cast %parallel_loop3A_350 : vector<16xf32> to vector<1x16xf32>
        tpu.vector_store %arg10[%parallel_loop3A_352, %parallel_loop3A_353], %parallel_loop3A_356 {add = true, strides = array<i32>} : memref<8x2048xf32, #tpu.memory_space<vmem>>, vector<1x16xf32>,
        %parallel_loop3A_357 = arith.constant 6 : i32
        %parallel_loop3A_358 = arith.subi %sub3A_268, %parallel_loop3A_357 : i32
        %parallel_loop3A_359 = arith.addi %parallel_loop3A_358, %parallel_loop3A_284 : i32
        %parallel_loop3A_360 = arith.index_cast %parallel_loop3A_359 : i32 to index
        %parallel_loop3A_361 = tpu.vector_load %arg6[%parallel_loop3A_360] {strides = array<i32>} : memref<4096xf32, #tpu.memory_space<vmem>>, vector<16xf32>,
        %parallel_loop3A_362 = vector.shape_cast %parallel_loop3A_361 : vector<16xf32> to vector<16xf32>
        %parallel_loop3A_363 = arith.constant 6 : i32
        %parallel_loop3A_364 = arith.index_cast %parallel_loop3A_363 : i32 to index
        %parallel_loop3A_365 = arith.index_cast %parallel_loop3A_284 : i32 to index
        %parallel_loop3A_366 = tpu.vector_load %arg10[%parallel_loop3A_364, %parallel_loop3A_365] {strides = array<i32>} : memref<8x2048xf32, #tpu.memory_space<vmem>>, vector<1x16xf32>,
        %parallel_loop3A_367 = vector.shape_cast %parallel_loop3A_366 : vector<1x16xf32> to vector<16xf32>
        %parallel_loop3A_368 = vector.shape_cast %parallel_loop3A_362 : vector<16xf32> to vector<1x16xf32>
        tpu.vector_store %arg10[%parallel_loop3A_364, %parallel_loop3A_365], %parallel_loop3A_368 {add = true, strides = array<i32>} : memref<8x2048xf32, #tpu.memory_space<vmem>>, vector<1x16xf32>,
        %parallel_loop3A_369 = arith.constant 7 : i32
        %parallel_loop3A_370 = arith.subi %sub3A_268, %parallel_loop3A_369 : i32
        %parallel_loop3A_371 = arith.addi %parallel_loop3A_370, %parallel_loop3A_284 : i32
        %parallel_loop3A_372 = arith.index_cast %parallel_loop3A_371 : i32 to index
        %parallel_loop3A_373 = tpu.vector_load %arg6[%parallel_loop3A_372] {strides = array<i32>} : memref<4096xf32, #tpu.memory_space<vmem>>, vector<16xf32>,
        %parallel_loop3A_374 = vector.shape_cast %parallel_loop3A_373 : vector<16xf32> to vector<16xf32>
        %parallel_loop3A_375 = arith.constant 7 : i32
        %parallel_loop3A_376 = arith.index_cast %parallel_loop3A_375 : i32 to index
        %parallel_loop3A_377 = arith.index_cast %parallel_loop3A_284 : i32 to index
        %parallel_loop3A_378 = tpu.vector_load %arg10[%parallel_loop3A_376, %parallel_loop3A_377] {strides = array<i32>} : memref<8x2048xf32, #tpu.memory_space<vmem>>, vector<1x16xf32>,
        %parallel_loop3A_379 = vector.shape_cast %parallel_loop3A_378 : vector<1x16xf32> to vector<16xf32>
        %parallel_loop3A_380 = vector.shape_cast %parallel_loop3A_374 : vector<16xf32> to vector<1x16xf32>
        tpu.vector_store %arg10[%parallel_loop3A_376, %parallel_loop3A_377], %parallel_loop3A_380 {add = true, strides = array<i32>} : memref<8x2048xf32, #tpu.memory_space<vmem>>, vector<1x16xf32>,
      } {sc.loop_unroll_factor = 4 : i64, sc.parallel_access}
      %mul3A_272 = arith.constant 8 : i32
      %mul3A_273 = arith.muli %add3A_246, %mul3A_272 : i32
      %add3A_274 = arith.addi %mul3A_70, %mul3A_273 : i32
      %dma_start3A_275 = arith.constant 0 : i32
      %dma_start3A_276 = arith.constant 0 : i32
      %dma_start3A_277 = tpu.memref_slice %arg4[%dma_start3A_275, %arg1, %add3A_274, %dma_start3A_276] : memref<1x16x2048x2048xf32, #tpu.memory_space<hbm>> -> memref<1x1x8x2048xf32, #tpu.memory_space<hbm>>
      %dma_start3A_278 = tpu.memref_squeeze %dma_start3A_277 : memref<1x1x8x2048xf32, #tpu.memory_space<hbm>> -> memref<8x2048xf32, #tpu.memory_space<hbm>>
      %dma_start3A_279 = arith.constant 0 : i32
      %dma_start3A_280 = tpu.memref_slice %arg4[%dma_start3A_275, %arg1, %add3A_274, %dma_start3A_279] : memref<1x16x2048x2048xf32, #tpu.memory_space<hbm>> -> memref<1x1x8x2048xf32, #tpu.memory_space<hbm>>
      %dma_start3A_281 = tpu.memref_squeeze %dma_start3A_280 : memref<1x1x8x2048xf32, #tpu.memory_space<hbm>> -> memref<8x2048xf32, #tpu.memory_space<hbm>>
      tpu.enqueue_dma source(%arg10 : memref<8x2048xf32, #tpu.memory_space<vmem>>) target(%dma_start3A_281 : memref<8x2048xf32, #tpu.memory_space<hbm>>) target_semaphore(%arg18 : memref<!tpu.dma_semaphore, #tpu.memory_space<semaphore_mem>>)
    }
    %scan3A_93 = arith.constant 32 : i32
    %add3A_94 = arith.constant 992 : i32
    %add3A_95 = arith.addi %mul3A_70, %add3A_94 : i32
    %dma_wait3A = arith.constant 0 : i32
    %dma_wait3A_96 = arith.constant 0 : i32
    %dma_wait3A_97 = tpu.memref_slice %arg4[%dma_wait3A, %arg1, %add3A_95, %dma_wait3A_96] : memref<1x16x2048x2048xf32, #tpu.memory_space<hbm>> -> memref<1x1x8x2048xf32, #tpu.memory_space<hbm>>
    %dma_wait3A_98 = tpu.memref_squeeze %dma_wait3A_97 : memref<1x1x8x2048xf32, #tpu.memory_space<hbm>> -> memref<8x2048xf32, #tpu.memory_space<hbm>>
    %dma_wait3A_99 = arith.constant 0 : i32
    %dma_wait3A_100 = tpu.memref_slice %arg4[%dma_wait3A, %arg1, %add3A_95, %dma_wait3A_99] : memref<1x16x2048x2048xf32, #tpu.memory_space<hbm>> -> memref<1x1x8x2048xf32, #tpu.memory_space<hbm>>
    %dma_wait3A_101 = tpu.memref_squeeze %dma_wait3A_100 : memref<1x1x8x2048xf32, #tpu.memory_space<hbm>> -> memref<8x2048xf32, #tpu.memory_space<hbm>>
    tpu.wait_dma2 semaphore(%arg15 : memref<!tpu.dma_semaphore, #tpu.memory_space<semaphore_mem>>) src(%arg7 : memref<8x2048xf32, #tpu.memory_space<vmem>>) dst(%dma_wait3A_101 : memref<8x2048xf32, #tpu.memory_space<hbm>>)
    %add3A_102 = arith.constant 1000 : i32
    %add3A_103 = arith.addi %mul3A_70, %add3A_102 : i32
    %dma_wait3A_104 = arith.constant 0 : i32
    %dma_wait3A_105 = arith.constant 0 : i32
    %dma_wait3A_106 = tpu.memref_slice %arg4[%dma_wait3A_104, %arg1, %add3A_103, %dma_wait3A_105] : memref<1x16x2048x2048xf32, #tpu.memory_space<hbm>> -> memref<1x1x8x2048xf32, #tpu.memory_space<hbm>>
    %dma_wait3A_107 = tpu.memref_squeeze %dma_wait3A_106 : memref<1x1x8x2048xf32, #tpu.memory_space<hbm>> -> memref<8x2048xf32, #tpu.memory_space<hbm>>
    %dma_wait3A_108 = arith.constant 0 : i32
    %dma_wait3A_109 = tpu.memref_slice %arg4[%dma_wait3A_104, %arg1, %add3A_103, %dma_wait3A_108] : memref<1x16x2048x2048xf32, #tpu.memory_space<hbm>> -> memref<1x1x8x2048xf32, #tpu.memory_space<hbm>>
    %dma_wait3A_110 = tpu.memref_squeeze %dma_wait3A_109 : memref<1x1x8x2048xf32, #tpu.memory_space<hbm>> -> memref<8x2048xf32, #tpu.memory_space<hbm>>
    tpu.wait_dma2 semaphore(%arg16 : memref<!tpu.dma_semaphore, #tpu.memory_space<semaphore_mem>>) src(%arg8 : memref<8x2048xf32, #tpu.memory_space<vmem>>) dst(%dma_wait3A_110 : memref<8x2048xf32, #tpu.memory_space<hbm>>)
    %add3A_111 = arith.constant 1008 : i32
    %add3A_112 = arith.addi %mul3A_70, %add3A_111 : i32
    %dma_wait3A_113 = arith.constant 0 : i32
    %dma_wait3A_114 = arith.constant 0 : i32
    %dma_wait3A_115 = tpu.memref_slice %arg4[%dma_wait3A_113, %arg1, %add3A_112, %dma_wait3A_114] : memref<1x16x2048x2048xf32, #tpu.memory_space<hbm>> -> memref<1x1x8x2048xf32, #tpu.memory_space<hbm>>
    %dma_wait3A_116 = tpu.memref_squeeze %dma_wait3A_115 : memref<1x1x8x2048xf32, #tpu.memory_space<hbm>> -> memref<8x2048xf32, #tpu.memory_space<hbm>>
    %dma_wait3A_117 = arith.constant 0 : i32
    %dma_wait3A_118 = tpu.memref_slice %arg4[%dma_wait3A_113, %arg1, %add3A_112, %dma_wait3A_117] : memref<1x16x2048x2048xf32, #tpu.memory_space<hbm>> -> memref<1x1x8x2048xf32, #tpu.memory_space<hbm>>
    %dma_wait3A_119 = tpu.memref_squeeze %dma_wait3A_118 : memref<1x1x8x2048xf32, #tpu.memory_space<hbm>> -> memref<8x2048xf32, #tpu.memory_space<hbm>>
    tpu.wait_dma2 semaphore(%arg17 : memref<!tpu.dma_semaphore, #tpu.memory_space<semaphore_mem>>) src(%arg9 : memref<8x2048xf32, #tpu.memory_space<vmem>>) dst(%dma_wait3A_119 : memref<8x2048xf32, #tpu.memory_space<hbm>>)
    %add3A_120 = arith.constant 1016 : i32
    %add3A_121 = arith.addi %mul3A_70, %add3A_120 : i32
    %dma_wait3A_122 = arith.constant 0 : i32
    %dma_wait3A_123 = arith.constant 0 : i32
    %dma_wait3A_124 = tpu.memref_slice %arg4[%dma_wait3A_122, %arg1, %add3A_121, %dma_wait3A_123] : memref<1x16x2048x2048xf32, #tpu.memory_space<hbm>> -> memref<1x1x8x2048xf32, #tpu.memory_space<hbm>>
    %dma_wait3A_125 = tpu.memref_squeeze %dma_wait3A_124 : memref<1x1x8x2048xf32, #tpu.memory_space<hbm>> -> memref<8x2048xf32, #tpu.memory_space<hbm>>
    %dma_wait3A_126 = arith.constant 0 : i32
    %dma_wait3A_127 = tpu.memref_slice %arg4[%dma_wait3A_122, %arg1, %add3A_121, %dma_wait3A_126] : memref<1x16x2048x2048xf32, #tpu.memory_space<hbm>> -> memref<1x1x8x2048xf32, #tpu.memory_space<hbm>>
    %dma_wait3A_128 = tpu.memref_squeeze %dma_wait3A_127 : memref<1x1x8x2048xf32, #tpu.memory_space<hbm>> -> memref<8x2048xf32, #tpu.memory_space<hbm>>
    tpu.wait_dma2 semaphore(%arg18 : memref<!tpu.dma_semaphore, #tpu.memory_space<semaphore_mem>>) src(%arg10 : memref<8x2048xf32, #tpu.memory_space<vmem>>) dst(%dma_wait3A_128 : memref<8x2048xf32, #tpu.memory_space<hbm>>)
    return
  }
}

</mosaic_0001>

<sc_bundles>
// kernel: kernel.3.cloned.1.call-start
scs
__scs_entry_jumppad:
0x0: {  	(pc) =	sbr.rel $0x88, $3  }
0x1: {  	(tag) =	ssettag $0x0;
	lr =	simm.s32 $0x1  }
0x2: {  	[smem:$0x3F9F] =	sst lr;
	_ =	strace $0xD0000000  }
0x3: {  	_ = 	snop  }
0x4: {  	_ = 	snop  }
0x5: {  	_ = 	snop  }
0x6: {  	_ = 	snop  }
0x7: {  	_ = 	snop  }
__scs_overlays_trampoline_lowered:
0x8: {  	[smem:$0x3FAE] =	sst s0  }
0x9: {  	[smem:$0x3FAF] =	sst s1  }
0xa: {  	[smem:$0x3FB0] =	sst s2  }
0xb: {  	[smem:$0x3FB1] =	sst s3  }
0xc: {  	[smem:$0x3FB2] =	sst s4  }
0xd: {  	[smem:$0x3FB3] =	sst s5  }
0xe: {  	[smem:$0x3FB4] =	sst s6  }
0xf: {  	[smem:$0x3FB5] =	sst s7  }
0x10: {  	[smem:$0x3FB6] =	sst s8  }
0x11: {  	[smem:$0x3FB7] =	sst s9;
	s0 =	simm.s32 @!p0 $0x0  }
0x12: {  	s1 =	sld [smem:$0x3F9D];
	s0 =	simm.s32 @p0 $0x1  }
0x13: {  	[smem:$0x3FB8] =	sst s0;
	s0 =	simm.s32 @!p1 $0x0  }
0x14: {  	s2 =	sld [smem:$0x3F9C];
	s0 =	simm.s32 @p1 $0x1  }
0x15: {  	[smem:$0x3FB9] =	sst s0;
	s0 =	simm.s32 @!p2 $0x0  }
0x16: {  	s3 =	sld [smem:$0x3FDB];
	s0 =	simm.s32 @p2 $0x1  }
0x17: {  	s4 =	simm.s32 $0x1BF5;
	[smem:$0x3FBB] =	sst s0  }
0x18: {  	s0 =	sld [smem:$0x3F9E];
	_ =	swait.ge [sflag:s4], $0x0  }
0x19: {  	s7 =	sld [smem:$0x3F9F]  }
0x1a: {  	s8 =	sadd.s32 $0xFFFFE003, lr  }
0x1b: {  	s9 =	sadd.s32 $0xFFFFFEF7, lr;
	s5 =	simm.s32 $0xFFFFFFFF;
	p2 =	slt.u32 s8, $0xFFFFF086  }
0x1c: {  	p1 =	slt.u32 s9, $0xF7A;
	s5 =	simm.s32 @!p2 $0x0  }
0x1d: {  	s5 =	simm.s32 @p1 $0x1;
	p0 =	seq.s32 s7, s2  }
0x1e: {  	s7 =	smul.u32 @!p0 $0xF7A, s2;
	p2 =	seq.s32 @!p0 s5, $0x0  }
0x1f: {  	s9 =	smul.u32 $0xF7A, s1;
	s8 =	simm.s32 @!p0 $0x1BF5;
	p2 =	por !p2, p0  }
0x20: {  	[sflag:s8] =	ssyncset.s32 @!p0 $0xFFFFF086;
	s6 =	sadd.s32 @!p0 s3, s7;
	s7 =	simm.s32 @!p0 $0x108  }
0x21: {  	s3 =	sadd.s32 s3, s9;
	s6 =	sadd.s32 @!p0 $0x88, s6;
	s7 =	simm.s32 @p2 $0x1082  }
0x22: {  	[simem:s7], [sflag:s8] =	dma.local @!p0 [hbm:s6], $0xF7A  }
0x23: {  	s9 =	sor.u32 $0xD0000000, s2;
	s6 =	simm.s32 $0x108;
	_ =	swait.ge @!p0 [sflag:s8], $0x0  }
0x24: {  	s3 =	sadd.s32 $0x88, s3;
	s6 =	simm.s32 @!p1 $0x1082;
	[sflag:s4] =	ssyncset.s32 $0xFFFFF086  }
0x25: {  	[simem:s6], [sflag:s4] =	dma.local [hbm:s3], $0xF7A  }
0x26: {  	[smem:$0x3F9F] =	sst s1;
	(tag) =	ssettag s2;
	_ =	strace s9  }
0x27: {  	s1 =	sld [smem:$0x3FAF]  }
0x28: {  	s2 =	sld [smem:$0x3FB0]  }
0x29: {  	s4 =	sld [smem:$0x3FB2]  }
0x2a: {  	p0 =	seq.s32 s5, $0x0;
	s5 =	sld [smem:$0x3FB3]  }
0x2b: {  	s6 =	sld [smem:$0x3FB4]  }
0x2c: {  	s7 =	sld [smem:$0x3FB5]  }
0x2d: {  	s3 =	simm.s32 $0x108;
	s8 =	sld [smem:$0x3FB6]  }
0x2e: {  	s3 =	simm.s32 @!p0 $0x1082;
	s9 =	sld [smem:$0x3FB7]  }
0x2f: {  	lr =	sadd.s32 s0, s3;
	s0 =	sld [smem:$0x3FAE]  }
0x30: {  	s3 =	sld [smem:$0x3FB1]  }
0x31: {  	[smem:$0x3FBA] =	sst s10  }
0x32: {  	s10 =	sld [smem:$0x3FB8];
	_ =	sdelay $0x3  }
0x33: {  	p0 =	seq.s32 s10, $0x1;
	s10 =	sld [smem:$0x3FBA];
	_ =	sdelay $0x3  }
0x34: {  	[smem:$0x3FBA] =	sst s10  }
0x35: {  	s10 =	sld [smem:$0x3FB9];
	_ =	sdelay $0x3  }
0x36: {  	p1 =	seq.s32 s10, $0x1;
	s10 =	sld [smem:$0x3FBA];
	_ =	sdelay $0x3  }
0x37: {  	[smem:$0x3FBA] =	sst s10  }
0x38: {  	s10 =	sld [smem:$0x3FBB]  }
0x39: {  	_ = 	snop;
	(pc) =	sbr.ind lr, $3  }
0x3a: {  	_ = 	snop  }
0x3b: {  	_ = 	snop  }
0x3c: {  	p2 =	seq.s32 s10, $0x1;
	s10 =	sld [smem:$0x3FBA]  }
0x3d: {  	_ =	shalt  }
0x3e: {  	_ =	shalt  }
0x3f: {  	_ =	shalt  }
0x40: {  	_ =	shalt  }
0x41: {  	_ =	shalt  }
0x42: {  	_ =	shalt  }
0x43: {  	_ =	shalt  }
0x44: {  	_ =	shalt  }
0x45: {  	_ =	shalt  }
0x46: {  	_ =	shalt  }
0x47: {  	_ =	shalt  }
0x48: {  	_ =	shalt  }
0x49: {  	_ =	shalt  }
0x4a: {  	_ =	shalt  }
0x4b: {  	_ =	shalt  }
0x4c: {  	_ =	shalt  }
0x4d: {  	_ =	shalt  }
0x4e: {  	_ =	shalt  }
0x4f: {  	_ =	shalt  }
0x50: {  	_ =	shalt  }
0x51: {  	_ =	shalt  }
0x52: {  	_ =	shalt  }
0x53: {  	_ =	shalt  }
0x54: {  	_ =	shalt  }
0x55: {  	_ =	shalt  }
0x56: {  	_ =	shalt  }
0x57: {  	_ =	shalt  }
0x58: {  	_ =	shalt  }
0x59: {  	_ =	shalt  }
0x5a: {  	_ =	shalt  }
0x5b: {  	_ =	shalt  }
0x5c: {  	_ =	shalt  }
0x5d: {  	_ =	shalt  }
0x5e: {  	_ =	shalt  }
0x5f: {  	_ =	shalt  }
0x60: {  	_ =	shalt  }
0x61: {  	_ =	shalt  }
0x62: {  	_ =	shalt  }
0x63: {  	_ =	shalt  }
0x64: {  	_ =	shalt  }
0x65: {  	_ =	shalt  }
0x66: {  	_ =	shalt  }
0x67: {  	_ =	shalt  }
0x68: {  	_ =	shalt  }
0x69: {  	_ =	shalt  }
0x6a: {  	_ =	shalt  }
0x6b: {  	_ =	shalt  }
0x6c: {  	_ =	shalt  }
0x6d: {  	_ =	shalt  }
0x6e: {  	_ =	shalt  }
0x6f: {  	_ =	shalt  }
0x70: {  	_ =	shalt  }
0x71: {  	_ =	shalt  }
0x72: {  	_ =	shalt  }
0x73: {  	_ =	shalt  }
0x74: {  	_ =	shalt  }
0x75: {  	_ =	shalt  }
0x76: {  	_ =	shalt  }
0x77: {  	_ =	shalt  }
0x78: {  	_ =	shalt  }
0x79: {  	_ =	shalt  }
0x7a: {  	_ =	shalt  }
0x7b: {  	_ =	shalt  }
0x7c: {  	_ =	shalt  }
0x7d: {  	_ =	shalt  }
0x7e: {  	_ =	shalt  }
0x7f: {  	_ =	shalt  }
0x80: {  	_ =	shalt  }
0x81: {  	_ =	shalt  }
0x82: {  	_ =	shalt  }
0x83: {  	_ =	shalt  }
0x84: {  	_ =	shalt  }
0x85: {  	_ =	shalt  }
0x86: {  	_ =	shalt  }
0x87: {  	_ =	shalt  }
.Lfunc_end0:
.L_simem_size_0:
called_computation_lowered:
.L_overlay_start_0:
0x88: {  	s2 =	sld [smem:$0x3FD9]  }
0x89: {  	s3 =	sld [smem:$0x3FFE];
	_ =	sdelay $0x1  }
0x8a: {  	s1 =	srdreg.scid  }
0x8b: {  	s0 =	sand.u32 $0x1, s1  }
0x8c: {  	s18 =	sshll.u32 s0, $0xA;
	s2 =	sadd.s32 s3, s2  }
0x8d: {  	s2 =	sadd.s32 s2, s18  }
0x8e: {  	[smem:$0x3FC6] =	sst s2  }
0x8f: {  	_ = 	snop  }
0x90: {  	s2 =	sld [smem:$0x3FC9]  }
0x91: {  	s19 =	sld [smem:$0x3FC8]  }
0x92: {  	s4 =	sld [smem:$0x3FD0];
	(tm) =	ssettm $0x1  }
0x93: {  	s5 =	sld [smem:$0x3FFB];
	_ =	sdelay $0x3  }
0x94: {  	_ =	strace s5  }
0x95: {  	s5 =	sld [smem:$0x3FFC];
	_ =	sdelay $0x3  }
0x96: {  	_ =	strace s5  }
0x97: {  	s5 =	sld [smem:$0x3FFD];
	_ =	sdelay $0x3  }
0x98: {  	_ =	strace s5  }
0x99: {  	_ =	strace $0x8FFFFFFF  }
0x9a: {  	s20 =	sld [smem:$0x3FDB];
	_ =	sdelay $0x1  }
0x9b: {  	s6 =	simm.s32 $_scs_section_size  }
0x9c: {  	s7 =	simm.s32 $_size__tile_overlayer_lowered;
	s8 =	simm.s32 $_tile_overlayer_lowered  }
0x9d: {  	s23 =	simm.s32 $0x1BFF;
	s22 =	sshll.u32 s8, $0x1;
	s5 =	sadd.s32 s6, s20  }
0x9e: {  	s9 =	simm.s32 $0x0;
	s21 =	sshll.u32 s7, $0x1;
	s7 =	sadd.s32 s22, s5  }
0x9f: {  	[timem:s9], [sflag:s23] =	dma.local [hbm:s7], s21  }
0xa0: {  	_ =	swait.ge [sflag:s23], s21  }
0xa1: {  	s6 =	ssub.s32 $0x0, s21;
	[sflag:s23] =	ssyncset.done $0x0  }
0xa2: {  	[sflag:s23] =	ssyncadd.s32 s6;
	_ =	sdelay $0x1  }
0xa3: {  	s24 =	simm.s32 $0x1B8B  }
0xa4: {  	_ =	swait.ge [sflag:s24], $0x1  }
0xa5: {  	[sflag:s24] =	ssyncset.done $0x0  }
0xa6: {  	s25 =	simm.s32 $0x1B8E;
	[sflag:s24] =	ssyncadd.s32 $0xFFFFFFFF  }
0xa7: {  	s26 =	simm.s32 $execute0_lowered;
	[smem:$0x3FD2] =	sst s25  }
0xa8: {  	s6 =	sshll.u32 s26, $0x1;
	_ =	strace $0x80000046;
	[dreg:$0x1] =	wrdreg $0xFFFFFFFF  }
0xa9: {  	s28 =	simm.s32 $_size_execute0_lowered;
	s5 =	sadd.s32 s5, s6;
	[dreg:$0x0] =	wrdreg $0x0  }
0xaa: {  	s6 =	sshll.u32 s28, $0x1;
	[dreg:$0x2] =	wrdreg s5  }
0xab: {  	[dreg:$0x3] =	wrdreg s6  }
0xac: {  	[dreg:$0x4] =	wrdreg $0xC0  }
0xad: {  	_ =	task [dreg:s9], $0x5FFFF  }
0xae: {  	[dreg:$0x1] =	wrdreg $0xFFFFFFFF  }
0xaf: {  	[dreg:$0x0] =	wrdreg $0x60  }
0xb0: {  	[dreg:$0x2] =	wrdreg s2  }
0xb1: {  	[dreg:$0x3] =	wrdreg s19  }
0xb2: {  	[dreg:$0x4] =	wrdreg s4  }
0xb3: {  	[dreg:$0x5] =	wrdreg $0x9  }
0xb4: {  	_ =	task.clear_ibuf [dreg:s9], $0x6FFFF;
	_ =	strace $0x90000046  }
0xb5: {  	s29 =	simm.s32 $0x9;
	_ =	strace $0x80000048  }
0xb6: {  	_ =	swait.ge [sflag:s29], $0x1  }
0xb7: {  	[sflag:s29] =	ssyncadd.s32 $0xFFFFFFFF  }
0xb8: {  	_ =	strace $0x90000048  }
0xb9: {  	_ =	sfence  }
0xba: {  	s30 =	sld [smem:$0x0];
	_ =	sdelay $0x2  }
0xbb: {  	s31 =	sshll.u32 s1, $0xD;
	s1 =	sshrl.u32 s1, $0x2  }
0xbc: {  	s3 =	sand.u32 $0x4000, s31;
	s1 =	sadd.s32 s1, s30  }
0xbd: {  	s0 =	sor.u32 s3, s0;
	s1 =	sshll.u32 s1, $0x11  }
0xbe: {  	s0 =	sor.u32 s1, s0  }
0xbf: {  	s0 =	sadd.s32 $0x8F2B, s0  }
0xc0: {  	[sflag:s0] =	ssyncadd.remote.s32 $0x1  }
0xc1: {  	_ =	sfence.sel $0xFFFF  }
0xc2: {  	[dreg:$0x0] =	wrdreg $0xFFFFFFFF;
	(pc) =	sbr.abs _section_cstart, $3  }
0xc3: {  	[dreg:$0x1] =	wrdreg $0xFFFFFFFF  }
0xc4: {  	_ =	task.clear_ibuf [dreg:s9], $0x2FFFF;
	_ =	strace $0x9FFFFFFF  }
0xc5: {  	(tm) =	ssettm $0x7FFFFFFF  }
tec
execute0_lowered:
.L_overlay_start_1:
0x0: {  	(tag) =	ssettag $0x1  }
0x1: {  	s5 =	rddreg [dreg:$0x0]  }
0x2: {  	s0 =	rddreg [dreg:$0x1];
	s1 =	simm.s32 $0x0;
	s20 =	srdreg.scid  }
0x3: {  	s6 =	stileid.u32;
	[smem:$0x7FF] =	sst s1;
	s1 =	sand.u32 $0x1, s20  }
0x4: {  	s7 =	sshll.u32 s6, $0x16;
	s6 =	sshll.u32 s6, $0x4;
	_ =	strace $0x80000047  }
0x5: {  	s2 =	ssub.s32 $0x2, s1;
	s3 =	sshll.u32 s1, $0x15;
	[dreg:$0x4] =	wrdreg s7  }
0x6: {  	s0 =	sadd.s32 s0, s6;
	s22 =	sshll.u32 s1, $0xA;
	s24 =	sshll.u32 s1, $0xC  }
0x7: {  	s4 =	sshrl.u32 s2, $0x1;
	s3 =	sor.u32 s3, s7;
	[dreg:$0x6] =	wrdreg s0  }
0x8: {  	[dreg:$0x7] =	wrdreg s22;
	s28 =	ssub.s32 $0x20BC, s24;
	s29 =	ssub.s32 $0x209C, s24  }
0x9: {  	s0 =	ssub.s32 $0x205C, s24;
	s26 =	sor.u32 $0x10000, s3;
	[dreg:$0x5] =	wrdreg s3  }
0xa: {  	s21 =	sshrl.u32 s3, $0x3;
	s3 =	sor.u32 $0x14000, s3;
	[dreg:$0xa] =	wrdreg s26  }
0xb: {  	s2 =	ssub.s32 s2, s4;
	s23 =	sadd.s32 s5, s21;
	[dreg:$0xb] =	wrdreg s3  }
0xc: {  	s1 =	sshrl.u32 s28, $0x2;
	s2 =	smax.u32 s2, $0x1;
	[dreg:$0x8] =	wrdreg s23  }
0xd: {  	s0 =	sshrl.u32 s0, $0x2;
	s1 =	sor.u32 $0x80, s1;
	[dreg:$0xc] =	wrdreg s2  }
0xe: {  	s30 =	ssub.s32 $0x207C, s24;
	s0 =	sor.u32 $0x80, s0;
	[dreg:$0xd] =	wrdreg s1  }
0xf: {  	v0 =	vlaneseq.u32;
	s25 =	sadd.s32 $0x800, s23;
	s1 =	sshrl.u32 s29, $0x2;
	[dreg:$0x10] =	wrdreg s0  }
0x10: {  	v0 =	vmul.u32 $0xFFFFFFFF, v0;
	s2 =	sshrl.u32 s30, $0x2;
	[dreg:$0x9] =	wrdreg s25;
	s1 =	sor.u32 $0x80, s1  }
0x11: {  	s31 =	sor.u32 $0x80, s2;
	[dreg:$0xe] =	wrdreg s1  }
0x12: {  	v1 =	vimm.s32 $0xF;
	v2 =	vimm.s32 $0x0;
	v0 =	vadd.s32 $0x7FF, v0;
	s3 =	simm.s32 $0x0;
	s2 =	simm.s32 $0x0;
	[dreg:$0xf] =	wrdreg s31  }
.LBB2_1:
0x13: {  	s25 =	simm.s32 $0x0;
	s26 =	simm.s32 $0x10;
	v48 =	vimm.s32 $0x0  }
0x14: {  	v51 =	vimm.s32 $0x0;
	v11 =	vmov s25;
	v47 =	vmov s26  }
0x15: {  	v35 =	vsub.s32 v0, v11;
	v60 =	vsub.s32 v0, v47;
	v47 =	vimm.s32 $0x0  }
0x16: {  	vm0 =	vgt.s32 v35, $0xF;
	vm1 =	vgt.s32 v35, $0x12;
	vm2 =	vgt.s32 v35, $0x1E  }
0x17: {  	vm3 =	vgt.s32 v35, $0x1A;
	vm4 =	vgt.s32 v35, $0x27;
	vm5 =	vgt.s32 v60, $0x17  }
0x18: {  	vm6 =	vgt.s32 v60, $0x14;
	v36 =	vsel vm0, $0x10, v1;
	v37 =	vsel vm1, $0x1, v2  }
0x19: {  	vm0 =	vgt.s32 v35, $0x14;
	vm1 =	vgt.s32 v35, $0x17;
	v53 =	vsel vm2, $0x1, v2  }
0x1a: {  	[dreg:$0x11] =	wrdreg s2;
	vm2 =	vgt.s32 v35, $0x22;
	v39 =	vsel vm4, $0x1, v2;
	vm4 =	vgt.s32 v35, $0x33  }
0x1b: {  	s1 =	simm.s32 $0x0;
	s0 =	rddreg [dreg:$0x6];
	s24 =	simm.s32 $0x9;
	v54 =	vsel vm3, $0x1, v2;
	vm3 =	vgt.s32 v60, $0x12;
	v63 =	vsel vm5, $0x1, v2  }
0x1c: {  	[tilespmem:s1], [sflag:$0x9] =	stream.linear.gather [hbm4b:s0+s1], $0x80, $0x38;
	v36 =	vadd.s32 v37, v36;
	v38 =	vsel vm2, $0x1, v2;
	vm2 =	vgt.s32 v35, $0x2D;
	[tilespmem:$0x11080] =	vst v63  }
0x1d: {  	_ =	swait.ge [sflag:s24], $0x80;
	v41 =	vsel vm4, $0x1, v2;
	vm4 =	vgt.s32 v35, $0x42;
	v43 =	vsel vm0, $0x1, v2  }
0x1e: {  	[sflag:s24] =	ssyncset.done $0x0;
	v45 =	vsel vm1, $0x1, v2;
	vm0 =	vgt.s32 v35, $0x56;
	vm1 =	vgt.s32 v35, $0x0  }
0x1f: {  	[sflag:s24] =	ssyncadd.s32 $0xFFFFFF80;
	v62 =	vsel vm3, $0x1, v2;
	vm3 =	vgt.s32 v60, $0x22;
	v40 =	vsel vm2, $0x1, v2  }
0x20: {  	v10 =	vld [tilespmem:$0x0];
	vm2 =	vgt.s32 v35, $0x3A;
	v44 =	vsel vm4, $0x1, v2;
	v36 =	vadd.s32 v43, v36  }
0x21: {  	v55 =	vsel vm0, $0x1, v2;
	vm0 =	vgt.s32 v35, $0x62;
	v58 =	vnsel vm1, $0x0, v35  }
0x22: {  	vm1 =	vlt.s32 v35, $0x10;
	vm4 =	vgt.s32 v60, $0x1A;
	v49 =	vsel vm3, $0x1, v2  }
0x23: {  	v42 =	vsel vm2, $0x1, v2;
	vm2 =	vgt.s32 v35, $0x4C;
	v36 =	vadd.s32 v45, v36  }
0x24: {  	v56 =	vsel vm0, $0x1, v2;
	vm0 =	vgt.s32 v35, $0x70;
	v45 =	vsel vm4, $0x1, v2  }
0x25: {  	v46 =	vsel vm2, $0x1, v2;
	v36 =	vadd.s32 v54, v36;
	v4 =	vbroadcast v10, $0x1  }
0x26: {  	v57 =	vsel vm0, $0x1, v2;
	v5 =	vbroadcast v10, $0x2;
	v6 =	vbroadcast v10, $0x3  }
0x27: {  	vm2 =	vgt.s32 v60, $0xF;
	v7 =	vbroadcast v10, $0x4;
	v8 =	vbroadcast v10, $0x5  }
0x28: {  	v13 =	vld [tilespmem:$0x10];
	vm0 =	vgt.s32 v60, $0x2D;
	v9 =	vbroadcast v10, $0x6;
	v14 =	vbroadcast v10, $0x7  }
0x29: {  	v36 =	vadd.s32 v53, v36;
	v15 =	vbroadcast v10, $0x8;
	v18 =	vbroadcast v10, $0x9  }
0x2a: {  	v61 =	vsel vm2, $0x10, v1;
	v20 =	vbroadcast v10, $0xA;
	v22 =	vbroadcast v10, $0xB  }
0x2b: {  	vm2 =	vgt.s32 v60, $0x1E;
	v23 =	vbroadcast v10, $0xC;
	v24 =	vbroadcast v10, $0xD  }
0x2c: {  	v52 =	vsel vm0, $0x1, v2;
	v25 =	vbroadcast v10, $0xE;
	v27 =	vbroadcast v10, $0xF  }
0x2d: {  	vm0 =	vgt.s32 v60, $0x33;
	v28 =	vbroadcast v13, $0x0;
	v29 =	vbroadcast v13, $0x1  }
0x2e: {  	v3 =	vadd.f32 $0.0e+00, v10;
	v31 =	vbroadcast v13, $0x2;
	v32 =	vbroadcast v13, $0x3  }
0x2f: {  	v33 =	vbroadcast v13, $0x4;
	v34 =	vbroadcast v13, $0x5;
	v36 =	vadd.s32 v38, v36  }
0x30: {  	v30 =	vbroadcast v13, $0x6;
	v26 =	vbroadcast v13, $0x7;
	v36 =	vadd.s32 v39, v36  }
0x31: {  	v21 =	vbroadcast v13, $0x8;
	v19 =	vbroadcast v13, $0x9;
	v59 =	vadd.s32 v40, v36  }
0x32: {  	v16 =	vbroadcast v13, $0xA;
	v17 =	vbroadcast v13, $0xB;
	v35 =	vadd.s32 v41, v59  }
0x33: {  	v10 =	vbroadcast v13, $0xC;
	v11 =	vbroadcast v13, $0xD;
	v35 =	vadd.s32 v42, v35  }
0x34: {  	v12 =	vbroadcast v13, $0xE;
	v13 =	vbroadcast v13, $0xF;
	v35 =	vadd.s32 v44, v35  }
0x35: {  	v53 =	vsel vm0, $0x1, v2;
	vm0 =	vgt.s32 v60, $0x42;
	v35 =	vadd.s32 v46, v35  }
0x36: {  	v39 =	vadd.s32 v62, v61;
	v62 =	vimm.s32 $0x0;
	v35 =	vadd.s32 v55, v35  }
0x37: {  	v3 =	vbroadcast v3, $0x0;
	v44 =	vsel vm6, $0x1, v2;
	v35 =	vadd.s32 v56, v35  }
0x38: {  	v37 =	vadd.s32 v44, v39;
	v46 =	vsel vm2, $0x1, v2;
	v35 =	vadd.s32 v57, v35  }
0x39: {  	v37 =	vadd.s32 v63, v37;
	v55 =	vsel vm0, $0x1, v2;
	v35 =	vsel vm1, v58, v35  }
0x3a: {  	vm0 =	vgt.s32 v60, $0x56;
	v37 =	vadd.s32 v45, v37;
	vm1 =	veq.s32 v35, $0x1B  }
0x3b: {  	v37 =	vadd.s32 v46, v37;
	v39 =	vsel vm1, $0xFFFFFFFF, v47;
	vm1 =	vgt.s32 v60, $0x27  }
0x3c: {  	v57 =	vsel vm0, $0x1, v2;
	v37 =	vadd.s32 v49, v37;
	v50 =	vsel vm1, $0x1, v2  }
0x3d: {  	vm0 =	vgt.s32 v60, $0x70;
	vm1 =	veq.s32 v35, $0x1C;
	v37 =	vadd.s32 v50, v37  }
0x3e: {  	v40 =	vsel vm1, $0xFFFFFFFF, v51;
	vm1 =	vgt.s32 v60, $0x3A;
	v37 =	vadd.s32 v52, v37  }
0x3f: {  	v59 =	vsel vm0, $0x1, v2;
	v54 =	vsel vm1, $0x1, v2;
	v37 =	vadd.s32 v53, v37  }
0x40: {  	vm0 =	vgt.s32 v60, $0x0;
	vm1 =	vgt.s32 v60, $0x4C;
	v37 =	vadd.s32 v54, v37  }
0x41: {  	vm2 =	veq.s32 v35, $0x1A;
	v56 =	vsel vm1, $0x1, v2;
	v37 =	vadd.s32 v55, v37  }
0x42: {  	vm6 =	veq.s32 v35, $0x1D;
	vm1 =	vgt.s32 v60, $0x62;
	v37 =	vadd.s32 v56, v37  }
0x43: {  	vm5 =	veq.s32 v35, $0x17;
	v58 =	vsel vm1, $0x1, v2;
	v37 =	vadd.s32 v57, v37  }
0x44: {  	v36 =	vnsel vm0, $0x0, v60;
	vm3 =	veq.s32 v35, $0x16;
	v37 =	vadd.s32 v58, v37  }
0x45: {  	vm7 =	veq.s32 v35, $0x15;
	vm1 =	vlt.s32 v60, $0x10;
	v37 =	vadd.s32 v59, v37  }
0x46: {  	vm0 =	veq.s32 v35, $0x14;
	v36 =	vsel vm1, v36, v37;
	vm1 =	veq.s32 v35, $0x1  }
0x47: {  	[tilespmem:$0x1FFC0] =	vst v39;
	v39 =	vsel vm2, $0xFFFFFFFF, v48;
	vm2 =	veq.s32 v36, $0x1;
	v60 =	vsel vm1, v4, v3  }
0x48: {  	vm1 =	veq.s32 v35, $0x2;
	vm14 =	veq.s32 v36, $0x17;
	vm15 =	veq.s32 v36, $0x1C  }
0x49: {  	v61 =	vsel vm2, v4, v3;
	v37 =	vsel vm1, v5, v60;
	vm1 =	veq.s32 v36, $0x2  }
0x4a: {  	vm2 =	veq.s32 v35, $0x3;
	v38 =	vsel vm1, v5, v61;
	vm1 =	veq.s32 v36, $0x3  }
0x4b: {  	v37 =	vsel vm2, v6, v37;
	vm2 =	veq.s32 v35, $0x4;
	v38 =	vsel vm1, v6, v38  }
0x4c: {  	vm1 =	veq.s32 v36, $0x4;
	v37 =	vsel vm2, v7, v37;
	vm2 =	veq.s32 v35, $0x5  }
0x4d: {  	v38 =	vsel vm1, v7, v38;
	v37 =	vsel vm2, v8, v37;
	vm2 =	veq.s32 v36, $0x5  }
0x4e: {  	vm1 =	veq.s32 v35, $0x6;
	v38 =	vsel vm2, v8, v38;
	vm2 =	veq.s32 v36, $0x6  }
0x4f: {  	v37 =	vsel vm1, v9, v37;
	vm1 =	veq.s32 v35, $0x7;
	v38 =	vsel vm2, v9, v38  }
0x50: {  	vm2 =	veq.s32 v36, $0x7;
	v37 =	vsel vm1, v14, v37;
	vm1 =	veq.s32 v35, $0x8  }
0x51: {  	v38 =	vsel vm2, v14, v38;
	v37 =	vsel vm1, v15, v37;
	vm1 =	veq.s32 v36, $0x8  }
0x52: {  	vm2 =	veq.s32 v35, $0x9;
	v38 =	vsel vm1, v15, v38;
	vm1 =	veq.s32 v36, $0x9  }
0x53: {  	v37 =	vsel vm2, v18, v37;
	vm2 =	veq.s32 v35, $0xA;
	v38 =	vsel vm1, v18, v38  }
0x54: {  	vm1 =	veq.s32 v36, $0xA;
	v37 =	vsel vm2, v20, v37;
	vm2 =	veq.s32 v35, $0xB  }
0x55: {  	v38 =	vsel vm1, v20, v38;
	v37 =	vsel vm2, v22, v37;
	vm2 =	veq.s32 v36, $0xB  }
0x56: {  	vm1 =	veq.s32 v35, $0xC;
	v38 =	vsel vm2, v22, v38;
	vm2 =	veq.s32 v36, $0xC  }
0x57: {  	v37 =	vsel vm1, v23, v37;
	vm1 =	veq.s32 v35, $0xD;
	v38 =	vsel vm2, v23, v38  }
0x58: {  	vm2 =	veq.s32 v36, $0xD;
	v37 =	vsel vm1, v24, v37;
	vm1 =	veq.s32 v35, $0xE  }
0x59: {  	v38 =	vsel vm2, v24, v38;
	v37 =	vsel vm1, v25, v37;
	vm1 =	veq.s32 v36, $0xE  }
0x5a: {  	vm2 =	veq.s32 v35, $0xF;
	v38 =	vsel vm1, v25, v38;
	vm1 =	veq.s32 v36, $0xF  }
0x5b: {  	v37 =	vsel vm2, v27, v37;
	vm2 =	veq.s32 v35, $0x10;
	v38 =	vsel vm1, v27, v38  }
0x5c: {  	vm1 =	veq.s32 v36, $0x10;
	v37 =	vsel vm2, v28, v37;
	vm2 =	veq.s32 v35, $0x11  }
0x5d: {  	s29 =	simm.s32 $0x1080;
	s28 =	rddreg [dreg:$0x8];
	v38 =	vsel vm1, v28, v38;
	v37 =	vsel vm2, v29, v37;
	vm2 =	veq.s32 v36, $0x11  }
0x5e: {  	[tilespmem:s29], [sflag:$0x1] =	stream.linear.gather [hbm4b:s28+s1], $0x4000, $0x38;
	vm1 =	veq.s32 v35, $0x12;
	v38 =	vsel vm2, v29, v38;
	vm2 =	veq.s32 v36, $0x12;
	[tilespmem:$0x11080] =	vst v63  }
0x5f: {  	s31 =	simm.s32 $0x5080;
	s30 =	rddreg [dreg:$0x9];
	v37 =	vsel vm1, v31, v37;
	vm1 =	veq.s32 v35, $0x13;
	v38 =	vsel vm2, v31, v38  }
0x60: {  	[tilespmem:s31], [sflag:$0x2] =	stream.linear.gather [hbm4b:s30+s1], $0x4000, $0x38;
	vm2 =	veq.s32 v36, $0x13;
	v37 =	vsel vm1, v32, v37;
	vm1 =	veq.s32 v36, $0x1F;
	[tilespmem:$0x11080] =	vst v63  }
0x61: {  	[tilespmem:$0x1FFD0] =	vst v39;
	v38 =	vsel vm2, v32, v38;
	v37 =	vsel vm0, v33, v37;
	vm0 =	veq.s32 v36, $0x14  }
0x62: {  	s10 =	simm.s32 $0x90;
	[tilespmem:$0x1FFE0] =	vst v40;
	v39 =	vsel vm1, $0xFFFFFFFF, v62;
	v63 =	vsel vm0, v33, v38;
	vm0 =	veq.s32 v36, $0x15  }
0x63: {  	s9 =	simm.s32 $0x0;
	s13 =	simm.s32 $0x30;
	s7 =	simm.s32 $0x90;
	[tilespmem:$0x1FFF0] =	vst v39;
	v38 =	vsel vm7, v34, v37;
	v37 =	vsel vm0, v34, v63;
	vm0 =	veq.s32 v36, $0x1D  }
.LBB2_2:
0x64: {  	v38 =	vsel vm3, v30, v38;
	vm4 =	veq.s32 v36, $0x1A  }
0x65: {  	vm3 =	veq.s32 v36, $0x1B;
	vm11 =	veq.s32 v36, $0x18;
	vm12 =	veq.s32 v36, $0x19  }
0x66: {  	s0 =	sadd.s32 $0xFFFFFFF0, s13;
	vm1 =	veq.s32 v36, $0x16;
	vm2 =	veq.s32 v35, $0x19;
	v54 =	vimm.s32 $0x0  }
0x67: {  	v55 =	vimm.s32 $0x0;
	v39 =	vmov s0;
	v37 =	vsel vm1, v30, v37  }
0x68: {  	v38 =	vsel vm5, v26, v38;
	v39 =	vsub.s32 v0, v39;
	v37 =	vsel vm14, v26, v37  }
0x69: {  	vm5 =	vgt.s32 v39, $0xF;
	vm9 =	vgt.s32 v39, $0x12;
	vm10 =	vgt.s32 v39, $0x14  }
0x6a: {  	vm13 =	vgt.s32 v39, $0x1E;
	vm1 =	vgt.s32 v39, $0x1A;
	vm8 =	vgt.s32 v39, $0x27  }
0x6b: {  	v37 =	vsel vm11, v21, v37;
	vm11 =	vgt.s32 v39, $0x22;
	v40 =	vsel vm5, $0x10, v1  }
0x6c: {  	v41 =	vsel vm9, $0x1, v2;
	vm9 =	veq.s32 v36, $0x1E;
	vm5 =	vgt.s32 v39, $0x17  }
0x6d: {  	v63 =	vsel vm13, $0x1, v2;
	v37 =	vsel vm12, v19, v37;
	v56 =	vsel vm11, $0x1, v2  }
0x6e: {  	vm11 =	vgt.s32 v39, $0x2D;
	v42 =	vsel vm8, $0x1, v2;
	v46 =	vsel vm10, $0x1, v2  }
0x6f: {  	v48 =	vld [tilespmem:$0x1FFF0];
	v62 =	vadd.s32 v41, v40;
	v37 =	vsel vm4, v16, v37;
	vm4 =	vgt.s32 v39, $0x33  }
0x70: {  	v43 =	vsel vm11, $0x1, v2;
	v57 =	vsel vm5, $0x1, v2;
	v40 =	vmov s13  }
0x71: {  	v37 =	vsel vm3, v17, v37;
	vm3 =	vgt.s32 v39, $0x3A;
	v44 =	vsel vm4, $0x1, v2  }
0x72: {  	vm4 =	vgt.s32 v39, $0x42;
	v36 =	vadd.s32 v46, v62;
	v62 =	vsel vm1, $0x1, v2  }
0x73: {  	vm1 =	veq.s32 v35, $0x1E;
	v37 =	vsel vm15, v10, v37;
	v45 =	vsel vm3, $0x1, v2  }
0x74: {  	v47 =	vsel vm4, $0x1, v2;
	vm3 =	vnez.u8 v48;
	v36 =	vadd.s32 v57, v36  }
0x75: {  	v48 =	vimm.s32 $0x0;
	v37 =	vsel vm0, v11, v37;
	vm0 =	vgt.s32 v39, $0x4C  }
0x76: {  	v51 =	vld [tilespmem:$0x1FFD0];
	v36 =	vadd.s32 v62, v36;
	v62 =	vimm.s32 $0x0;
	v37 =	vsel vm9, v12, v37  }
0x77: {  	v49 =	vsel vm0, $0x1, v2;
	vm0 =	veq.s32 v35, $0x18;
	v36 =	vadd.s32 v63, v36  }
0x78: {  	v37 =	vsel vm3, v13, v37;
	vm3 =	vgt.s32 v39, $0x56;
	v38 =	vsel vm0, v21, v38  }
0x79: {  	v52 =	vld [tilespmem:$0x1FFC0];
	vm0 =	vgt.s32 v39, $0x62;
	v63 =	vadd.s32 v56, v36;
	v36 =	vsub.s32 v0, v40  }
0x7a: {  	v56 =	vimm.s32 $0x0;
	v58 =	vsel vm3, $0x1, v2;
	v38 =	vsel vm2, v19, v38  }
0x7b: {  	v61 =	vld [tilespmem:$0x1FFE0];
	v50 =	vsel vm0, $0x1, v2;
	vm0 =	vgt.s32 v39, $0x70;
	vm2 =	vnez.u8 v51  }
0x7c: {  	v37 =	vmul.f32 $1.250000000e-01, v37;
	vm3 =	vgt.s32 v36, $0x12;
	vm4 =	vgt.s32 v36, $0x1A  }
0x7d: {  	vm5 =	vgt.s32 v36, $0x17;
	vm7 =	vgt.s32 v36, $0x62;
	v38 =	vsel vm2, v16, v38  }
0x7e: {  	vm2 =	vgt.s32 v39, $0x0;
	v59 =	vsel vm0, $0x1, v2;
	vm0 =	vnez.u8 v52  }
0x7f: {  	v46 =	vsel vm4, $0x1, v2;
	v52 =	vimm.s32 $0x0;
	vm4 =	vgt.s32 v36, $0x4C  }
0x80: {  	v38 =	vsel vm0, v17, v38;
	v60 =	vnsel vm2, $0x0, v39;
	vm2 =	vnez.u8 v61  }
0x81: {  	vm0 =	vlt.s32 v39, $0x10;
	v61 =	vimm.s32 $0x0;
	v38 =	vsel vm2, v10, v38  }
0x82: {  	vm2 =	vgt.s32 v36, $0xF;
	v38 =	vsel vm6, v11, v38;
	vm6 =	vgt.s32 v36, $0x14  }
0x83: {  	v38 =	vsel vm1, v12, v38;
	vm1 =	veq.s32 v35, $0x1F;
	v35 =	vadd.s32 v42, v63  }
0x84: {  	v42 =	vsel vm2, $0x10, v1;
	vm2 =	vgt.s32 v36, $0x1E;
	v41 =	vsel vm1, v13, v38  }
0x85: {  	v35 =	vadd.s32 v43, v35;
	vm1 =	vgt.s32 v36, $0x2D;
	v43 =	vsel vm3, $0x1, v2  }
0x86: {  	[tilespmem:s7+$0x0] =	vst v37;
	vm3 =	vgt.s32 v36, $0x22;
	v37 =	vmul.f32 $1.250000000e-01, v41;
	v35 =	vadd.s32 v44, v35  }
0x87: {  	v44 =	vsel vm5, $0x1, v2;
	v53 =	vsel vm1, $0x1, v2;
	vm5 =	vgt.s32 v36, $0x56  }
0x88: {  	v35 =	vadd.s32 v45, v35;
	v45 =	vsel vm6, $0x1, v2;
	vm6 =	vlt.s32 v36, $0x10  }
0x89: {  	[tilespmem:s7+$0xFFFFFFF0] =	vst v37;
	v35 =	vadd.s32 v47, v35;
	v37 =	vadd.s32 v43, v42;
	v47 =	vsel vm2, $0x1, v2  }
0x8a: {  	v35 =	vadd.s32 v49, v35;
	v37 =	vadd.s32 v45, v37;
	v49 =	vimm.s32 $0x0  }
0x8b: {  	v45 =	vimm.s32 $0x0;
	v35 =	vadd.s32 v58, v35;
	v37 =	vadd.s32 v44, v37  }
0x8c: {  	v58 =	vimm.s32 $0x0;
	v44 =	vimm.s32 $0x0;
	v35 =	vadd.s32 v50, v35  }
0x8d: {  	v37 =	vadd.s32 v46, v37;
	v50 =	vsel vm3, $0x1, v2;
	v35 =	vadd.s32 v59, v35  }
0x8e: {  	v37 =	vadd.s32 v47, v37;
	v59 =	vimm.s32 $0x0;
	v47 =	vimm.s32 $0x0  }
0x8f: {  	v35 =	vsel vm0, v60, v35;
	v37 =	vadd.s32 v50, v37;
	v50 =	vsel vm7, $0x1, v2  }
0x90: {  	vm0 =	veq.s32 v35, $0x1B;
	vm2 =	veq.s32 v35, $0x1A;
	vm13 =	veq.s32 v35, $0x1D  }
0x91: {  	vm1 =	veq.s32 v35, $0x16;
	vm3 =	veq.s32 v35, $0xB;
	vm9 =	veq.s32 v35, $0x9  }
0x92: {  	vm11 =	veq.s32 v35, $0x5;
	vm12 =	veq.s32 v35, $0x6;
	vm10 =	veq.s32 v35, $0x7  }
0x93: {  	vm7 =	veq.s32 v35, $0x1;
	vm8 =	veq.s32 v35, $0x3;
	v41 =	vsel vm0, $0xFFFFFFFF, v48  }
0x94: {  	vm0 =	vgt.s32 v36, $0x27;
	v38 =	vsel vm2, $0xFFFFFFFF, v49;
	v39 =	vsel vm1, $0xFFFFFFFF, v55  }
0x95: {  	vm1 =	vgt.s32 v36, $0x3A;
	vm2 =	veq.s32 v35, $0x15;
	v48 =	vsel vm4, $0x1, v2  }
0x96: {  	vm4 =	veq.s32 v35, $0xA;
	v49 =	vsel vm5, $0x1, v2;
	vm5 =	veq.s32 v35, $0x8  }
0x97: {  	[tilespmem:$0x1FFD0] =	vst v38;
	v51 =	vsel vm0, $0x1, v2;
	vm0 =	veq.s32 v35, $0x1C;
	v38 =	vsel vm2, $0xFFFFFFFF, v56  }
0x98: {  	vm2 =	veq.s32 v35, $0x14;
	v60 =	vsel vm1, $0x1, v2;
	vm1 =	veq.s32 v35, $0x12  }
0x99: {  	v40 =	vsel vm0, $0xFFFFFFFF, v52;
	vm0 =	veq.s32 v35, $0x17;
	v37 =	vadd.s32 v51, v37  }
0x9a: {  	[tilespmem:$0x1FF30] =	vst v39;
	v39 =	vsel vm2, $0xFFFFFFFF, v58;
	vm2 =	veq.s32 v35, $0x13;
	v51 =	vsel vm7, v4, v3  }
0x9b: {  	vm7 =	veq.s32 v35, $0x4;
	v52 =	vimm.s32 $0x0;
	[tilespmem:$0x1FFE0] =	vst v40;
	v40 =	vsel vm0, $0xFFFFFFFF, v54  }
0x9c: {  	[tilespmem:$0x1FFB0] =	vst v38;
	vm0 =	vgt.s32 v36, $0x33;
	v37 =	vadd.s32 v53, v37;
	v38 =	vsel vm2, $0xFFFFFFFF, v59  }
0x9d: {  	[tilespmem:$0x1FFA0] =	vst v39;
	v39 =	vsel vm1, $0xFFFFFFFF, v61;
	vm1 =	vgt.s32 v36, $0x70;
	vm2 =	veq.s32 v35, $0x11  }
0x9e: {  	v57 =	vsel vm0, $0x1, v2;
	vm0 =	vgt.s32 v36, $0x42;
	[tilespmem:$0x1FF80] =	vst v39;
	v39 =	vsel vm2, $0xFFFFFFFF, v62  }
0x9f: {  	v63 =	vsel vm1, $0x1, v2;
	vm1 =	veq.s32 v35, $0x10;
	vm2 =	veq.s32 v35, $0xF  }
0xa0: {  	[tilespmem:$0x1FF20] =	vst v40;
	v37 =	vadd.s32 v57, v37;
	v46 =	vsel vm0, $0x1, v2;
	vm0 =	veq.s32 v35, $0xE  }
0xa1: {  	[tilespmem:$0x1FF90] =	vst v38;
	v37 =	vadd.s32 v60, v37;
	v40 =	vsel vm0, $0xFFFFFFFF, v47;
	vm0 =	veq.s32 v35, $0x2  }
0xa2: {  	[tilespmem:$0x1FF70] =	vst v39;
	v39 =	vsel vm1, $0xFFFFFFFF, v44;
	v37 =	vadd.s32 v46, v37;
	v38 =	vsel vm0, v5, v51  }
0xa3: {  	vm1 =	vgt.s32 v36, $0x0;
	v37 =	vadd.s32 v48, v37;
	v38 =	vsel vm8, v6, v38  }
0xa4: {  	v54 =	vld [tilespmem:$0x1FF20];
	[tilespmem:$0x1FF60] =	vst v39;
	v39 =	vsel vm2, $0xFFFFFFFF, v45;
	v37 =	vadd.s32 v49, v37;
	v38 =	vsel vm7, v7, v38  }
0xa5: {  	v36 =	vnsel vm1, $0x0, v36;
	v37 =	vadd.s32 v50, v37;
	v38 =	vsel vm11, v8, v38  }
0xa6: {  	vm1 =	veq.s32 v35, $0xD;
	v37 =	vadd.s32 v63, v37;
	v38 =	vsel vm12, v9, v38  }
0xa7: {  	vm2 =	veq.s32 v35, $0xC;
	v36 =	vsel vm6, v36, v37;
	v38 =	vsel vm10, v14, v38  }
0xa8: {  	v55 =	vld [tilespmem:$0x1FF30];
	vm15 =	veq.s32 v36, $0x1;
	vm14 =	veq.s32 v36, $0x17;
	vm6 =	veq.s32 v36, $0x1F  }
0xa9: {  	vm0 =	veq.s32 v36, $0x3;
	v38 =	vsel vm5, v15, v38;
	vm5 =	vnez.u8 v54  }
0xaa: {  	[tilespmem:$0x1FF40] =	vst v40;
	v37 =	vsel vm6, $0xFFFFFFFF, v52;
	v53 =	vsel vm15, v4, v3;
	vm6 =	veq.s32 v36, $0x2  }
0xab: {  	v56 =	vld [tilespmem:$0x1FF40];
	vm15 =	veq.s32 v36, $0x1C;
	v38 =	vsel vm9, v18, v38;
	[tilespmem:$0x1FFF0] =	vst v37;
	v37 =	vsel vm6, v5, v53  }
0xac: {  	[tilespmem:$0x1FF50] =	vst v39;
	vm6 =	vmmov vm13;
	v38 =	vsel vm4, v20, v38;
	v37 =	vsel vm0, v6, v37  }
0xad: {  	v57 =	vld [tilespmem:$0x1FF50];
	vm0 =	veq.s32 v36, $0x4;
	v38 =	vsel vm3, v22, v38;
	vm3 =	vnez.u8 v55  }
0xae: {  	v37 =	vsel vm0, v7, v37;
	vm0 =	veq.s32 v36, $0x5;
	v38 =	vsel vm2, v23, v38  }
0xaf: {  	v58 =	vld [tilespmem:$0x1FF60];
	v37 =	vsel vm0, v8, v37;
	vm0 =	veq.s32 v36, $0x6;
	v38 =	vsel vm1, v24, v38  }
0xb0: {  	vm1 =	vnez.u8 v56;
	v37 =	vsel vm0, v9, v37;
	vm0 =	veq.s32 v36, $0x7  }
0xb1: {  	v59 =	vld [tilespmem:$0x1FF70];
	v38 =	vsel vm1, v25, v38;
	v37 =	vsel vm0, v14, v37;
	vm0 =	veq.s32 v36, $0x8  }
0xb2: {  	vm1 =	vnez.u8 v57;
	v37 =	vsel vm0, v15, v37;
	vm0 =	veq.s32 v36, $0x9  }
0xb3: {  	v60 =	vld [tilespmem:$0x1FF80];
	v38 =	vsel vm1, v27, v38;
	v37 =	vsel vm0, v18, v37;
	vm0 =	veq.s32 v36, $0xA  }
0xb4: {  	vm1 =	vnez.u8 v58;
	v37 =	vsel vm0, v20, v37;
	vm0 =	veq.s32 v36, $0xB  }
0xb5: {  	v61 =	vld [tilespmem:$0x1FF90];
	v38 =	vsel vm1, v28, v38;
	v37 =	vsel vm0, v22, v37;
	vm0 =	veq.s32 v36, $0xC  }
0xb6: {  	vm1 =	vnez.u8 v59;
	v37 =	vsel vm0, v23, v37;
	vm0 =	veq.s32 v36, $0xD  }
0xb7: {  	v62 =	vld [tilespmem:$0x1FFA0];
	v38 =	vsel vm1, v29, v38;
	v37 =	vsel vm0, v24, v37;
	vm0 =	veq.s32 v36, $0xE  }
0xb8: {  	vm1 =	vnez.u8 v60;
	v37 =	vsel vm0, v25, v37;
	vm0 =	veq.s32 v36, $0xF  }
0xb9: {  	s9 =	sadd.s32 $0x2, s9;
	v63 =	vld [tilespmem:$0x1FFB0];
	v38 =	vsel vm1, v31, v38;
	v37 =	vsel vm0, v27, v37;
	vm0 =	veq.s32 v36, $0x10  }
0xba: {  	p0 =	slt.u32 s9, $0xFE;
	vm1 =	vnez.u8 v61;
	v37 =	vsel vm0, v28, v37;
	vm0 =	veq.s32 v36, $0x11  }
.Ltmp0:
0xbb: {  	v38 =	vsel vm1, v32, v38;
	v37 =	vsel vm0, v29, v37;
	vm0 =	veq.s32 v36, $0x12;
	(pc) =	sbr.rel @p0 .LBB2_2-.Ltmp0, $4  }
0xbc: {  	vm1 =	vnez.u8 v62;
	v37 =	vsel vm0, v31, v37;
	vm0 =	veq.s32 v36, $0x13  }
0xbd: {  	v38 =	vsel vm1, v33, v38;
	v37 =	vsel vm0, v32, v37;
	vm0 =	veq.s32 v36, $0x14  }
0xbe: {  	s10 =	sadd.s32 $0x20, s10;
	vm1 =	vnez.u8 v63;
	v37 =	vsel vm0, v33, v37;
	vm0 =	veq.s32 v36, $0x15  }
0xbf: {  	s13 =	sadd.s32 $0x20, s13;
	s7 =	smov.u32 s10;
	[tilespmem:$0x1FFC0] =	vst v41;
	v38 =	vsel vm1, v34, v38;
	v37 =	vsel vm0, v34, v37;
	vm0 =	veq.s32 v36, $0x1D  }
0xc0: {  	vm1 =	veq.s32 v36, $0x16;
	v3 =	vsel vm3, v30, v38;
	vm2 =	veq.s32 v36, $0x1A;
	v5 =	vld [tilespmem:$0x1FFD0]  }
0xc1: {  	vm12 =	veq.s32 v36, $0x18;
	vm13 =	veq.s32 v36, $0x19;
	v61 =	vld [tilespmem:$0x1FFC0];
	v4 =	vsel vm1, v30, v37  }
0xc2: {  	vm4 =	veq.s32 v35, $0x19;
	vm8 =	veq.s32 v36, $0x1B;
	v62 =	vld [tilespmem:$0x1FFE0];
	v4 =	vsel vm14, v26, v4  }
0xc3: {  	v3 =	vsel vm5, v26, v3;
	vm14 =	veq.s32 v35, $0x18;
	v4 =	vsel vm12, v21, v4  }
0xc4: {  	vm11 =	veq.s32 v36, $0x1E;
	v63 =	vld [tilespmem:$0x1FFF0];
	v3 =	vsel vm14, v21, v3;
	v4 =	vsel vm13, v19, v4  }
0xc5: {  	v3 =	vsel vm4, v19, v3;
	v4 =	vsel vm2, v16, v4;
	vm9 =	vnez.u8 v5  }
0xc6: {  	vm10 =	vnez.u8 v61;
	v4 =	vsel vm8, v17, v4;
	v3 =	vsel vm9, v16, v3  }
0xc7: {  	vm12 =	vnez.u8 v62;
	v4 =	vsel vm15, v10, v4;
	v3 =	vsel vm10, v17, v3  }
0xc8: {  	vm13 =	veq.s32 v35, $0x1E;
	v4 =	vsel vm0, v11, v4;
	v3 =	vsel vm12, v10, v3  }
0xc9: {  	vm14 =	vnez.u8 v63;
	v4 =	vsel vm11, v12, v4;
	v3 =	vsel vm6, v11, v3  }
0xca: {  	vm15 =	veq.s32 v35, $0x1F;
	v4 =	vsel vm14, v13, v4;
	v3 =	vsel vm13, v12, v3  }
0xcb: {  	v4 =	vmul.f32 $1.250000000e-01, v4;
	v3 =	vsel vm15, v13, v3  }
0xcc: {  	v3 =	vmul.f32 $1.250000000e-01, v3  }
0xcd: {  	[tilespmem:s7+$0x0] =	vst v4  }
0xce: {  	[tilespmem:s7+$0xFFFFFFF0] =	vst v3  }
0xcf: {  	s17 =	rddreg [dreg:$0x10]  }
0xd0: {  	s16 =	rddreg [dreg:$0xf]  }
0xd1: {  	s0 =	rddreg [dreg:$0xe]  }
0xd2: {  	s13 =	simm.s32 $0x0;
	s14 =	rddreg [dreg:$0xd]  }
.LBB2_4:
0xd3: {  	s1 =	sshll.u32 s13, $0x2  }
0xd4: {  	p0 =	seq.s32 s13, $0x0;
	[dreg:$0x14] =	wrdreg s1;
	s2 =	sor.u32 $0x2, s1  }
0xd5: {  	s1 =	simm.s32 @!p0 $0x7;
	[dreg:$0x12] =	wrdreg s2  }
0xd6: {  	_ =	swait.ge @!p0 [sflag:s1], $0x4000  }
0xd7: {  	s2 =	sshll.u32 s2, $0xE;
	s4 =	rddreg [dreg:$0x5];
	[sflag:s1] =	ssyncset.done @!p0 $0x0  }
0xd8: {  	s2 =	sadd.s32 s4, s2;
	[sflag:s1] =	ssyncadd.s32 @!p0 $0xFFFFC000  }
0xd9: {  	s2 =	sshrl.u32 s2, $0x3;
	s1 =	rddreg [dreg:$0x0]  }
0xda: {  	s15 =	simm.s32 $0x9080;
	s18 =	simm.s32 $0x1;
	s1 =	sadd.s32 s1, s2  }
0xdb: {  	[tilespmem:s15], [sflag:$0x3] =	stream.linear.gather [hbm4b:s1+s3], $0x4000, $0x38;
	[tilespmem:$0x11080] =	vst v63  }
0xdc: {  	_ =	swait.ge [sflag:s18], $0x4000  }
0xdd: {  	[sflag:s18] =	ssyncset.done $0x0  }
0xde: {  	[sflag:s18] =	ssyncadd.s32 $0xFFFFC000  }
0xdf: {  	v3 =	vld [tilespmem:s14+$0x0]  }
0xe0: {  	v4 =	vld [tilespmem:s14+$0xFFFFFFD0]  }
0xe1: {  	s19 =	sand.u32 $0x3C00, s3;
	s20 =	simm.s32 $0x30;
	v5 =	vld [tilespmem:s14+$0xFFFFFFE0]  }
0xe2: {  	s2 =	sand.u32 $0x70, s20;
	s1 =	sadd.s32 $0x1080, s19  }
0xe3: {  	s21 =	simm.s32 $0x10;
	s6 =	sand.u32 $0x40, s3;
	s2 =	sor.u32 s2, s1;
	v6 =	vld [tilespmem:s14+$0xFFFFFFF0]  }
0xe4: {  	s4 =	sand.u32 $0x50, s21;
	s6 =	sor.u32 s6, s1;
	[tilespmem:s2+$0x0] =	vst.add.f32.msk $0xffff, v3  }
0xe5: {  	s9 =	simm.s32 $0x20;
	s4 =	sor.u32 s4, s1;
	[tilespmem:s6+$0x0] =	vst.add.f32.msk $0xffff, v4  }
0xe6: {  	s9 =	sand.u32 $0x60, s9;
	[tilespmem:s4+$0x0] =	vst.add.f32.msk $0xffff, v5  }
0xe7: {  	s1 =	sor.u32 s9, s1;
	v3 =	vld [tilespmem:s14+$0xFFFFFFFF]  }
0xe8: {  	[tilespmem:s1+$0x0] =	vst.add.f32.msk $0xffff, v6  }
0xe9: {  	v4 =	vld [tilespmem:s14+$0xFFFFFFCF]  }
0xea: {  	v5 =	vld [tilespmem:s14+$0xFFFFFFDF]  }
0xeb: {  	v6 =	vld [tilespmem:s14+$0xFFFFFFEF]  }
0xec: {  	[tilespmem:s2+$0x80] =	vst.add.f32.msk $0xffff, v3  }
0xed: {  	v3 =	vld [tilespmem:s14+$0xFFFFFFFE]  }
0xee: {  	[tilespmem:s6+$0x80] =	vst.add.f32.msk $0xffff, v4  }
0xef: {  	[tilespmem:s4+$0x80] =	vst.add.f32.msk $0xffff, v5  }
0xf0: {  	v4 =	vld [tilespmem:s14+$0xFFFFFFCE]  }
0xf1: {  	s22 =	sor.u32 $0x100, s2;
	v5 =	vld [tilespmem:s14+$0xFFFFFFDE]  }
0xf2: {  	[tilespmem:s22+$0x0] =	vst.add.f32.msk $0xffff, v3  }
0xf3: {  	v3 =	vld [tilespmem:s14+$0xFFFFFFFD]  }
0xf4: {  	[tilespmem:s1+$0x80] =	vst.add.f32.msk $0xffff, v6  }
0xf5: {  	s23 =	sor.u32 $0x100, s6;
	v6 =	vld [tilespmem:s14+$0xFFFFFFEE]  }
0xf6: {  	s11 =	sor.u32 $0x100, s4;
	[tilespmem:s23+$0x0] =	vst.add.f32.msk $0xffff, v4  }
0xf7: {  	[tilespmem:s11+$0x0] =	vst.add.f32.msk $0xffff, v5  }
0xf8: {  	[tilespmem:s2+$0x180] =	vst.add.f32.msk $0xffff, v3  }
0xf9: {  	s24 =	sand.u32 $0x7, s3;
	s25 =	sor.u32 $0x100, s1;
	v3 =	vld [tilespmem:s14+$0xFFFFFFFC]  }
0xfa: {  	s9 =	sshll.u32 s24, $0x4;
	[tilespmem:s25+$0x0] =	vst.add.f32.msk $0xffff, v6  }
0xfb: {  	s9 =	sadd.s32 $0x0, s9;
	v4 =	vld [tilespmem:s14+$0xFFFFFFCD]  }
0xfc: {  	s26 =	sadd.s32 $0x30, s9;
	v5 =	vld [tilespmem:s14+$0xFFFFFFDD]  }
0xfd: {  	s5 =	sor.u32 $0x200, s26;
	v6 =	vld [tilespmem:s14+$0xFFFFFFED]  }
0xfe: {  	[tilespmem:s5+$0x1080] =	vst.add.f32.msk $0xffff, v3  }
0xff: {  	v3 =	vld [tilespmem:s14+$0xFFFFFFFB]  }
0x100: {  	[tilespmem:s6+$0x180] =	vst.add.f32.msk $0xffff, v4  }
0x101: {  	[tilespmem:s4+$0x180] =	vst.add.f32.msk $0xffff, v5  }
0x102: {  	v4 =	vld [tilespmem:s14+$0xFFFFFFCC]  }
0x103: {  	p1 =	por $0x0, $0x0;
	s7 =	sor.u32 $0x280, s26;
	s6 =	simm.s32 $0x1;
	v5 =	vld [tilespmem:s14+$0xFFFFFFDC]  }
0x104: {  	s6 =	simm.s32 @!p1 $0x0;
	[tilespmem:s7+$0x1080] =	vst.add.f32.msk $0xffff, v3  }
0x105: {  	s8 =	sshll.u32 s6, $0x6;
	v3 =	vld [tilespmem:s14+$0xFFFFFFFA]  }
0x106: {  	[tilespmem:s1+$0x180] =	vst.add.f32.msk $0xffff, v6;
	s4 =	sadd.s32 $0x0, s8  }
0x107: {  	s10 =	sand.u32 $0x3, s3;
	s12 =	sadd.s32 $0x10, s9;
	v6 =	vld [tilespmem:s14+$0xFFFFFFEC];
	s15 =	sor.u32 $0x200, s4  }
0x108: {  	s18 =	sor.u32 $0x200, s12;
	s1 =	sshll.u32 s10, $0x5;
	[tilespmem:s15+$0x1080] =	vst.add.f32.msk $0xffff, v4  }
0x109: {  	s11 =	sor.u32 $0x300, s26;
	s1 =	sadd.s32 $0x0, s1;
	[tilespmem:s18+$0x1080] =	vst.add.f32.msk $0xffff, v5  }
0x10a: {  	s1 =	sadd.s32 $0x20, s1;
	[tilespmem:s11+$0x1080] =	vst.add.f32.msk $0xffff, v3  }
0x10b: {  	s19 =	sor.u32 $0x200, s1;
	v3 =	vld [tilespmem:s14+$0xFFFFFFCB]  }
0x10c: {  	[tilespmem:s19+$0x1080] =	vst.add.f32.msk $0xffff, v6  }
0x10d: {  	v4 =	vld [tilespmem:s14+$0xFFFFFFDB]  }
0x10e: {  	v5 =	vld [tilespmem:s14+$0xFFFFFFEB]  }
0x10f: {  	s20 =	sor.u32 $0x280, s4;
	v6 =	vld [tilespmem:s14+$0xFFFFFFF9]  }
0x110: {  	[tilespmem:s20+$0x1080] =	vst.add.f32.msk $0xffff, v3  }
0x111: {  	s21 =	sor.u32 $0x280, s12;
	v3 =	vld [tilespmem:s14+$0xFFFFFFCA]  }
0x112: {  	s22 =	sor.u32 $0x280, s1;
	[tilespmem:s21+$0x1080] =	vst.add.f32.msk $0xffff, v4  }
0x113: {  	[tilespmem:s22+$0x1080] =	vst.add.f32.msk $0xffff, v5  }
0x114: {  	s2 =	sor.u32 $0x380, s26;
	v4 =	vld [tilespmem:s14+$0xFFFFFFDA]  }
0x115: {  	s23 =	sor.u32 $0x300, s4;
	[tilespmem:s2+$0x1080] =	vst.add.f32.msk $0xffff, v6  }
0x116: {  	[tilespmem:s23+$0x1080] =	vst.add.f32.msk $0xffff, v3  }
0x117: {  	s24 =	sshll.u32 s13, $0x5;
	v7 =	vld [tilespmem:s14+$0xFFFFFFEA];
	s5 =	rddreg [dreg:$0x7]  }
0x118: {  	s2 =	sor.u32 s5, s24  }
0x119: {  	[dreg:$0x17] =	wrdreg s2  }
0x11a: {  	s28 =	simm.s32 $0x0;
	s30 =	simm.s32 $0x2;
	s25 =	sor.u32 $0x300, s12;
	v5 =	vld [tilespmem:s14+$0xFFFFFFC9]  }
0x11b: {  	s31 =	smov.u32 s14;
	s29 =	sor.u32 $0x380, s12;
	s26 =	sor.u32 $0x300, s1;
	[tilespmem:s25+$0x1080] =	vst.add.f32.msk $0xffff, v4  }
0x11c: {  	p1 =	por !p1, !p1;
	s18 =	sor.u32 $0x380, s1;
	s15 =	simm.s32 $0x0;
	[tilespmem:s26+$0x1080] =	vst.add.f32.msk $0xffff, v7  }
0x11d: {  	s19 =	simm.s32 $0x0;
	s11 =	sor.u32 $0x380, s4;
	s20 =	simm.s32 $0x0;
	v3 =	vld [tilespmem:s14+$0xFFFFFFD9]  }
.LBB2_5:
0x11e: {  	s2 =	simm.s32 $0x1  }
0x11f: {  	s1 =	sand.u32 $0x3, s30;
	v4 =	vld [tilespmem:s31+$0xFFFFFFE9];
	s31 =	sadd.s32 $0x40, s31;
	s2 =	simm.s32 @!p1 $0x0  }
0x120: {  	s28 =	sadd.s32 $0x4, s28;
	s1 =	sshll.u32 s1, $0x5;
	s2 =	sshll.u32 s2, $0x6;
	v6 =	vld [tilespmem:s31+$0x0]  }
0x121: {  	s15 =	sadd.s32 $0x200, s15;
	s19 =	sadd.s32 $0x40, s19;
	p2 =	slt.u32 s28, $0x7C;
	v7 =	vld [tilespmem:s31+$0xFFFFFFD0]  }
0x122: {  	s4 =	sand.u32 $0x3C00, s15;
	s6 =	sadd.s32 $0x10, s19;
	s12 =	sadd.s32 $0x30, s19;
	v8 =	vld [tilespmem:s31+$0xFFFFFFE0]  }
0x123: {  	s21 =	sadd.s32 $0x20, s19;
	s4 =	sadd.s32 $0x1080, s4;
	s12 =	sand.u32 $0x70, s12;
	v9 =	vld [tilespmem:s31+$0xFFFFFFF0]  }
0x124: {  	s6 =	sand.u32 $0x50, s6;
	s21 =	sand.u32 $0x60, s21;
	s8 =	sor.u32 s12, s4;
	[tilespmem:s11+$0x1080] =	vst.add.f32.msk $0xffff, v5  }
0x125: {  	s26 =	sor.u32 s6, s4;
	s25 =	sor.u32 s21, s4;
	s11 =	sand.u32 $0x40, s19;
	[tilespmem:s8+$0x0] =	vst.add.f32.msk $0xffff, v6  }
0x126: {  	s5 =	sor.u32 $0x100, s25;
	s6 =	sor.u32 s11, s4;
	s4 =	sor.u32 $0x100, s26;
	v5 =	vld [tilespmem:s31+$0xFFFFFFFF]  }
0x127: {  	s21 =	sadd.s32 s2, s15;
	s11 =	sadd.s32 s15, s1;
	s10 =	sor.u32 $0x100, s6;
	[tilespmem:s6+$0x0] =	vst.add.f32.msk $0xffff, v7  }
0x128: {  	s22 =	sor.u32 $0x280, s21;
	s1 =	sor.u32 $0x200, s21;
	s7 =	sadd.s32 $0x20, s11;
	[tilespmem:s26+$0x0] =	vst.add.f32.msk $0xffff, v8  }
0x129: {  	s2 =	sor.u32 $0x200, s7;
	s24 =	sor.u32 $0x280, s7;
	s12 =	sor.u32 $0x300, s7;
	[tilespmem:s25+$0x0] =	vst.add.f32.msk $0xffff, v9  }
0x12a: {  	s23 =	sor.u32 $0x300, s21;
	s11 =	sor.u32 $0x380, s21;
	s21 =	sor.u32 $0x380, s7;
	v6 =	vld [tilespmem:s31+$0xFFFFFFCF]  }
0x12b: {  	[tilespmem:s8+$0x80] =	vst.add.f32.msk $0xffff, v5  }
0x12c: {  	v5 =	vld [tilespmem:s31+$0xFFFFFFFE]  }
0x12d: {  	v7 =	vld [tilespmem:s31+$0xFFFFFFDF]  }
0x12e: {  	v8 =	vld [tilespmem:s31+$0xFFFFFFEF]  }
0x12f: {  	[tilespmem:s6+$0x80] =	vst.add.f32.msk $0xffff, v6  }
0x130: {  	s7 =	sor.u32 $0x100, s8;
	v6 =	vld [tilespmem:s31+$0xFFFFFFCE]  }
0x131: {  	[tilespmem:s7+$0x0] =	vst.add.f32.msk $0xffff, v5  }
0x132: {  	v5 =	vld [tilespmem:s31+$0xFFFFFFFD]  }
0x133: {  	[tilespmem:s26+$0x80] =	vst.add.f32.msk $0xffff, v7  }
0x134: {  	[tilespmem:s25+$0x80] =	vst.add.f32.msk $0xffff, v8  }
0x135: {  	v7 =	vld [tilespmem:s31+$0xFFFFFFDE]  }
0x136: {  	v8 =	vld [tilespmem:s31+$0xFFFFFFEE]  }
0x137: {  	s20 =	sadd.s32 $0x4, s20;
	[tilespmem:s8+$0x180] =	vst.add.f32.msk $0xffff, v5  }
0x138: {  	s7 =	sand.u32 $0x7, s20;
	v5 =	vld [tilespmem:s31+$0xFFFFFFFC]  }
0x139: {  	s7 =	sshll.u32 s7, $0x4;
	[tilespmem:s10+$0x0] =	vst.add.f32.msk $0xffff, v6  }
0x13a: {  	s7 =	sadd.s32 s15, s7;
	[tilespmem:s4+$0x0] =	vst.add.f32.msk $0xffff, v7  }
0x13b: {  	s8 =	sadd.s32 $0x10, s7;
	[tilespmem:s5+$0x0] =	vst.add.f32.msk $0xffff, v8;
	s5 =	sadd.s32 $0x30, s7  }
0x13c: {  	s10 =	sor.u32 $0x280, s8;
	s7 =	sor.u32 $0x200, s8;
	v6 =	vld [tilespmem:s31+$0xFFFFFFCD];
	s9 =	sor.u32 $0x200, s5  }
0x13d: {  	s4 =	sor.u32 $0x300, s8;
	s8 =	sor.u32 $0x380, s8;
	[tilespmem:s9+$0x1080] =	vst.add.f32.msk $0xffff, v5  }
0x13e: {  	v5 =	vld [tilespmem:s31+$0xFFFFFFFB]  }
0x13f: {  	v7 =	vld [tilespmem:s31+$0xFFFFFFDD]  }
0x140: {  	v8 =	vld [tilespmem:s31+$0xFFFFFFED]  }
0x141: {  	[tilespmem:s6+$0x180] =	vst.add.f32.msk $0xffff, v6  }
0x142: {  	s6 =	sor.u32 $0x280, s5;
	v6 =	vld [tilespmem:s31+$0xFFFFFFCC]  }
0x143: {  	[tilespmem:s6+$0x1080] =	vst.add.f32.msk $0xffff, v5  }
0x144: {  	v5 =	vld [tilespmem:s31+$0xFFFFFFFA]  }
0x145: {  	[tilespmem:s26+$0x180] =	vst.add.f32.msk $0xffff, v7  }
0x146: {  	[tilespmem:s25+$0x180] =	vst.add.f32.msk $0xffff, v8  }
0x147: {  	v7 =	vld [tilespmem:s31+$0xFFFFFFDC]  }
0x148: {  	s6 =	sor.u32 $0x300, s5;
	v8 =	vld [tilespmem:s31+$0xFFFFFFEC]  }
0x149: {  	[tilespmem:s6+$0x1080] =	vst.add.f32.msk $0xffff, v5  }
0x14a: {  	v5 =	vld [tilespmem:s31+$0xFFFFFFF9]  }
0x14b: {  	[tilespmem:s1+$0x1080] =	vst.add.f32.msk $0xffff, v6  }
0x14c: {  	[tilespmem:s7+$0x1080] =	vst.add.f32.msk $0xffff, v7  }
0x14d: {  	[tilespmem:s2+$0x1080] =	vst.add.f32.msk $0xffff, v8  }
0x14e: {  	s1 =	sor.u32 $0x380, s5;
	v6 =	vld [tilespmem:s31+$0xFFFFFFCB]  }
0x14f: {  	[tilespmem:s1+$0x1080] =	vst.add.f32.msk $0xffff, v5  }
0x150: {  	v5 =	vld [tilespmem:s31+$0xFFFFFFDB]  }
0x151: {  	v7 =	vld [tilespmem:s31+$0xFFFFFFEB]  }
0x152: {  	[tilespmem:s29+$0x1080] =	vst.add.f32.msk $0xffff, v3;
	s29 =	smov.u32 s8  }
0x153: {  	[tilespmem:s22+$0x1080] =	vst.add.f32.msk $0xffff, v6  }
0x154: {  	v3 =	vld [tilespmem:s31+$0xFFFFFFCA]  }
0x155: {  	[tilespmem:s10+$0x1080] =	vst.add.f32.msk $0xffff, v5  }
0x156: {  	[tilespmem:s24+$0x1080] =	vst.add.f32.msk $0xffff, v7  }
0x157: {  	v6 =	vld [tilespmem:s31+$0xFFFFFFDA]  }
0x158: {  	v7 =	vld [tilespmem:s31+$0xFFFFFFEA]  }
0x159: {  	[tilespmem:s23+$0x1080] =	vst.add.f32.msk $0xffff, v3  }
.Ltmp1:
0x15a: {  	v5 =	vld [tilespmem:s31+$0xFFFFFFC9];
	(pc) =	sbr.rel @p2 .LBB2_5-.Ltmp1, $4  }
0x15b: {  	[tilespmem:s18+$0x1080] =	vst.add.f32.msk $0xffff, v4;
	s18 =	smov.u32 s21  }
0x15c: {  	[tilespmem:s4+$0x1080] =	vst.add.f32.msk $0xffff, v6  }
0x15d: {  	[tilespmem:s12+$0x1080] =	vst.add.f32.msk $0xffff, v7  }
0x15e: {  	s30 =	sadd.s32 $0x2, s30;
	p1 =	por !p1, !p1;
	v3 =	vld [tilespmem:s31+$0xFFFFFFD9]  }
0x15f: {  	v4 =	vld [tilespmem:s31+$0xFFFFFFE9]  }
0x160: {  	s1 =	rddreg [dreg:$0x17];
	[tilespmem:s11+$0x1080] =	vst.add.f32.msk $0xffff, v5  }
0x161: {  	s2 =	sshll.u32 s1, $0xB;
	s6 =	rddreg [dreg:$0x4]  }
0x162: {  	[dreg:$0x16] =	wrdreg s2;
	s1 =	sadd.s32 s6, s2  }
0x163: {  	s7 =	rddreg [dreg:$0x2];
	s1 =	sshrl.u32 s1, $0x3;
	[tilespmem:s29+$0x1080] =	vst.add.f32.msk $0xffff, v3  }
0x164: {  	s8 =	simm.s32 $0x0;
	s4 =	simm.s32 $0x1080;
	s1 =	sadd.s32 s7, s1;
	[tilespmem:s18+$0x1080] =	vst.add.f32.msk $0xffff, v4  }
0x165: {  	[hbm4b:s1+s8] =	stream.linear.scatter [tilespmem:s4], [sflag:$0x5], $0x4000, $0x38;
	[tilespmem:$0x11080] =	vst v63  }
0x166: {  	s9 =	rddreg [dreg:$0x14]  }
0x167: {  	s10 =	sor.u32 $0x3, s9  }
0x168: {  	s1 =	simm.s32 @!p0 $0x8;
	[dreg:$0x13] =	wrdreg s10  }
0x169: {  	_ =	swait.ge @!p0 [sflag:s1], $0x4000  }
0x16a: {  	s2 =	sshll.u32 s10, $0xE;
	s11 =	rddreg [dreg:$0x5];
	[sflag:s1] =	ssyncset.done @!p0 $0x0  }
0x16b: {  	s2 =	sadd.s32 s11, s2;
	[sflag:s1] =	ssyncadd.s32 @!p0 $0xFFFFC000  }
0x16c: {  	s12 =	simm.s32 $0xD080;
	s2 =	sshrl.u32 s2, $0x3;
	s1 =	rddreg [dreg:$0x0]  }
0x16d: {  	s15 =	simm.s32 $0x2;
	s18 =	simm.s32 $0x0;
	s1 =	sadd.s32 s1, s2  }
0x16e: {  	[tilespmem:s12], [sflag:$0x4] =	stream.linear.gather [hbm4b:s1+s18], $0x4000, $0x38;
	[tilespmem:$0x11080] =	vst v63  }
0x16f: {  	_ =	swait.ge [sflag:s15], $0x4000  }
0x170: {  	[sflag:s15] =	ssyncset.done $0x0  }
0x171: {  	[sflag:s15] =	ssyncadd.s32 $0xFFFFC000  }
0x172: {  	v3 =	vld [tilespmem:s0+$0x0]  }
0x173: {  	v4 =	vld [tilespmem:s0+$0xFFFFFFD0]  }
0x174: {  	s20 =	simm.s32 $0x30;
	s19 =	sand.u32 $0x3C00, s18;
	v5 =	vld [tilespmem:s0+$0xFFFFFFE0]  }
0x175: {  	s2 =	sand.u32 $0x70, s20;
	s1 =	sadd.s32 $0x5080, s19  }
0x176: {  	s21 =	simm.s32 $0x10;
	s5 =	sand.u32 $0x40, s18;
	s2 =	sor.u32 s2, s1;
	v6 =	vld [tilespmem:s0+$0xFFFFFFF0]  }
0x177: {  	s4 =	sand.u32 $0x50, s21;
	s5 =	sor.u32 s5, s1;
	[tilespmem:s2+$0x0] =	vst.add.f32.msk $0xffff, v3  }
0x178: {  	s4 =	sor.u32 s4, s1;
	[tilespmem:s5+$0x0] =	vst.add.f32.msk $0xffff, v4  }
0x179: {  	[tilespmem:s4+$0x0] =	vst.add.f32.msk $0xffff, v5  }
0x17a: {  	s6 =	simm.s32 $0x20;
	v3 =	vld [tilespmem:s0+$0xFFFFFFFF]  }
0x17b: {  	s6 =	sand.u32 $0x60, s6;
	v4 =	vld [tilespmem:s0+$0xFFFFFFCF]  }
0x17c: {  	s1 =	sor.u32 s6, s1;
	v5 =	vld [tilespmem:s0+$0xFFFFFFDF]  }
0x17d: {  	[tilespmem:s1+$0x0] =	vst.add.f32.msk $0xffff, v6  }
0x17e: {  	v6 =	vld [tilespmem:s0+$0xFFFFFFEF]  }
0x17f: {  	[tilespmem:s2+$0x80] =	vst.add.f32.msk $0xffff, v3  }
0x180: {  	[tilespmem:s5+$0x80] =	vst.add.f32.msk $0xffff, v4  }
0x181: {  	[tilespmem:s4+$0x80] =	vst.add.f32.msk $0xffff, v5  }
0x182: {  	v3 =	vld [tilespmem:s0+$0xFFFFFFFE]  }
0x183: {  	v4 =	vld [tilespmem:s0+$0xFFFFFFCE]  }
0x184: {  	v5 =	vld [tilespmem:s0+$0xFFFFFFDE]  }
0x185: {  	[tilespmem:s1+$0x80] =	vst.add.f32.msk $0xffff, v6  }
0x186: {  	s22 =	sor.u32 $0x100, s2;
	v6 =	vld [tilespmem:s0+$0xFFFFFFEE]  }
0x187: {  	s23 =	sor.u32 $0x100, s5;
	[tilespmem:s22+$0x0] =	vst.add.f32.msk $0xffff, v3  }
0x188: {  	s8 =	sor.u32 $0x100, s4;
	[tilespmem:s23+$0x0] =	vst.add.f32.msk $0xffff, v4  }
0x189: {  	[tilespmem:s8+$0x0] =	vst.add.f32.msk $0xffff, v5  }
0x18a: {  	v3 =	vld [tilespmem:s0+$0xFFFFFFFD]  }
0x18b: {  	s25 =	sor.u32 $0x100, s1;
	v4 =	vld [tilespmem:s0+$0xFFFFFFCD]  }
0x18c: {  	[tilespmem:s25+$0x0] =	vst.add.f32.msk $0xffff, v6  }
0x18d: {  	v5 =	vld [tilespmem:s0+$0xFFFFFFDD]  }
0x18e: {  	v6 =	vld [tilespmem:s0+$0xFFFFFFED]  }
0x18f: {  	[tilespmem:s2+$0x180] =	vst.add.f32.msk $0xffff, v3  }
0x190: {  	[tilespmem:s5+$0x180] =	vst.add.f32.msk $0xffff, v4  }
0x191: {  	s24 =	sand.u32 $0x7, s18;
	v3 =	vld [tilespmem:s0+$0xFFFFFFFC]  }
0x192: {  	s6 =	sshll.u32 s24, $0x4;
	[tilespmem:s4+$0x180] =	vst.add.f32.msk $0xffff, v5  }
0x193: {  	s6 =	sadd.s32 $0x0, s6;
	[tilespmem:s1+$0x180] =	vst.add.f32.msk $0xffff, v6  }
0x194: {  	p0 =	por $0x0, $0x0;
	s26 =	sadd.s32 $0x30, s6;
	s5 =	simm.s32 $0x1;
	v4 =	vld [tilespmem:s0+$0xFFFFFFCC]  }
0x195: {  	s7 =	sor.u32 $0x200, s26;
	s5 =	simm.s32 @!p0 $0x0;
	v5 =	vld [tilespmem:s0+$0xFFFFFFDC]  }
0x196: {  	s10 =	sshll.u32 s5, $0x6;
	[tilespmem:s7+$0x5080] =	vst.add.f32.msk $0xffff, v3  }
0x197: {  	s4 =	sadd.s32 $0x0, s10;
	v3 =	vld [tilespmem:s0+$0xFFFFFFFB]  }
0x198: {  	s6 =	sadd.s32 $0x10, s6;
	v6 =	vld [tilespmem:s0+$0xFFFFFFEC];
	s15 =	sor.u32 $0x200, s4  }
0x199: {  	s11 =	sand.u32 $0x3, s18;
	s19 =	sor.u32 $0x200, s6;
	[tilespmem:s15+$0x5080] =	vst.add.f32.msk $0xffff, v4  }
0x19a: {  	s1 =	sshll.u32 s11, $0x5;
	[tilespmem:s19+$0x5080] =	vst.add.f32.msk $0xffff, v5  }
0x19b: {  	s9 =	sor.u32 $0x280, s26;
	s1 =	sadd.s32 $0x0, s1;
	v4 =	vld [tilespmem:s0+$0xFFFFFFDB]  }
0x19c: {  	s1 =	sadd.s32 $0x20, s1;
	[tilespmem:s9+$0x5080] =	vst.add.f32.msk $0xffff, v3  }
0x19d: {  	s20 =	sor.u32 $0x200, s1;
	v3 =	vld [tilespmem:s0+$0xFFFFFFFA]  }
0x19e: {  	[tilespmem:s20+$0x5080] =	vst.add.f32.msk $0xffff, v6  }
0x19f: {  	v5 =	vld [tilespmem:s0+$0xFFFFFFEB]  }
0x1a0: {  	s22 =	sor.u32 $0x280, s6  }
0x1a1: {  	s12 =	sor.u32 $0x300, s26;
	[tilespmem:s22+$0x5080] =	vst.add.f32.msk $0xffff, v4  }
0x1a2: {  	[tilespmem:s12+$0x5080] =	vst.add.f32.msk $0xffff, v3  }
0x1a3: {  	s23 =	sor.u32 $0x280, s1;
	v3 =	vld [tilespmem:s0+$0xFFFFFFCB]  }
0x1a4: {  	[tilespmem:s23+$0x5080] =	vst.add.f32.msk $0xffff, v5  }
0x1a5: {  	v4 =	vld [tilespmem:s0+$0xFFFFFFDA]  }
0x1a6: {  	v7 =	vld [tilespmem:s0+$0xFFFFFFEA]  }
0x1a7: {  	s21 =	sor.u32 $0x280, s4;
	v6 =	vld [tilespmem:s0+$0xFFFFFFF9]  }
0x1a8: {  	[tilespmem:s21+$0x5080] =	vst.add.f32.msk $0xffff, v3  }
0x1a9: {  	v3 =	vld [tilespmem:s0+$0xFFFFFFCA]  }
0x1aa: {  	s25 =	sor.u32 $0x300, s6  }
0x1ab: {  	s2 =	sor.u32 $0x380, s26;
	s26 =	sor.u32 $0x300, s1;
	[tilespmem:s25+$0x5080] =	vst.add.f32.msk $0xffff, v4  }
0x1ac: {  	[tilespmem:s26+$0x5080] =	vst.add.f32.msk $0xffff, v7  }
0x1ad: {  	s24 =	sor.u32 $0x300, s4;
	[tilespmem:s2+$0x5080] =	vst.add.f32.msk $0xffff, v6  }
0x1ae: {  	s31 =	simm.s32 $0x2;
	s29 =	simm.s32 $0x0;
	s30 =	sor.u32 $0x380, s6;
	[tilespmem:s24+$0x5080] =	vst.add.f32.msk $0xffff, v3  }
0x1af: {  	p0 =	por !p0, !p0;
	s28 =	sor.u32 $0x380, s1;
	s11 =	sor.u32 $0x380, s4;
	v3 =	vld [tilespmem:s0+$0xFFFFFFD9]  }
0x1b0: {  	s15 =	smov.u32 s0;
	s19 =	simm.s32 $0x0;
	s20 =	simm.s32 $0x0;
	v5 =	vld [tilespmem:s0+$0xFFFFFFC9]  }
.LBB2_7:
0x1b1: {  	s2 =	simm.s32 $0x1  }
0x1b2: {  	s1 =	sand.u32 $0x3, s31;
	v4 =	vld [tilespmem:s15+$0xFFFFFFE9];
	s15 =	sadd.s32 $0x40, s15;
	s2 =	simm.s32 @!p0 $0x0  }
0x1b3: {  	s29 =	sadd.s32 $0x4, s29;
	s1 =	sshll.u32 s1, $0x5;
	s2 =	sshll.u32 s2, $0x6;
	v6 =	vld [tilespmem:s15+$0x0]  }
0x1b4: {  	s18 =	sadd.s32 $0x200, s18;
	s19 =	sadd.s32 $0x40, s19;
	p1 =	slt.u32 s29, $0x7C;
	v7 =	vld [tilespmem:s15+$0xFFFFFFD0]  }
0x1b5: {  	s4 =	sand.u32 $0x3C00, s18;
	s5 =	sadd.s32 $0x10, s19;
	s6 =	sadd.s32 $0x30, s19;
	v8 =	vld [tilespmem:s15+$0xFFFFFFE0]  }
0x1b6: {  	s8 =	sadd.s32 $0x20, s19;
	s4 =	sadd.s32 $0x5080, s4;
	s6 =	sand.u32 $0x70, s6;
	v9 =	vld [tilespmem:s15+$0xFFFFFFF0]  }
0x1b7: {  	s5 =	sand.u32 $0x50, s5;
	s8 =	sand.u32 $0x60, s8;
	s10 =	sor.u32 s6, s4;
	[tilespmem:s11+$0x5080] =	vst.add.f32.msk $0xffff, v5  }
0x1b8: {  	s6 =	sand.u32 $0x40, s19;
	s26 =	sor.u32 s5, s4;
	s25 =	sor.u32 s8, s4;
	[tilespmem:s10+$0x0] =	vst.add.f32.msk $0xffff, v6  }
0x1b9: {  	s6 =	sor.u32 s6, s4;
	s4 =	sor.u32 $0x100, s26;
	s5 =	sor.u32 $0x100, s25;
	v5 =	vld [tilespmem:s15+$0xFFFFFFFF]  }
0x1ba: {  	s8 =	sadd.s32 s18, s1;
	s7 =	sor.u32 $0x100, s6;
	s11 =	sadd.s32 s2, s18;
	[tilespmem:s6+$0x0] =	vst.add.f32.msk $0xffff, v7  }
0x1bb: {  	s8 =	sadd.s32 $0x20, s8;
	s1 =	sor.u32 $0x200, s11;
	s22 =	sor.u32 $0x280, s11;
	[tilespmem:s26+$0x0] =	vst.add.f32.msk $0xffff, v8  }
0x1bc: {  	s24 =	sor.u32 $0x280, s8;
	s12 =	sor.u32 $0x300, s8;
	s2 =	sor.u32 $0x200, s8;
	[tilespmem:s25+$0x0] =	vst.add.f32.msk $0xffff, v9  }
0x1bd: {  	s21 =	sor.u32 $0x380, s8;
	s23 =	sor.u32 $0x300, s11;
	s11 =	sor.u32 $0x380, s11;
	v6 =	vld [tilespmem:s15+$0xFFFFFFCF]  }
0x1be: {  	[tilespmem:s10+$0x80] =	vst.add.f32.msk $0xffff, v5  }
0x1bf: {  	v5 =	vld [tilespmem:s15+$0xFFFFFFFE]  }
0x1c0: {  	v7 =	vld [tilespmem:s15+$0xFFFFFFDF]  }
0x1c1: {  	v8 =	vld [tilespmem:s15+$0xFFFFFFEF]  }
0x1c2: {  	[tilespmem:s6+$0x80] =	vst.add.f32.msk $0xffff, v6  }
0x1c3: {  	s8 =	sor.u32 $0x100, s10;
	v6 =	vld [tilespmem:s15+$0xFFFFFFCE]  }
0x1c4: {  	[tilespmem:s8+$0x0] =	vst.add.f32.msk $0xffff, v5  }
0x1c5: {  	v5 =	vld [tilespmem:s15+$0xFFFFFFFD]  }
0x1c6: {  	[tilespmem:s26+$0x80] =	vst.add.f32.msk $0xffff, v7  }
0x1c7: {  	[tilespmem:s25+$0x80] =	vst.add.f32.msk $0xffff, v8  }
0x1c8: {  	v7 =	vld [tilespmem:s15+$0xFFFFFFDE]  }
0x1c9: {  	v8 =	vld [tilespmem:s15+$0xFFFFFFEE]  }
0x1ca: {  	s20 =	sadd.s32 $0x4, s20;
	[tilespmem:s10+$0x180] =	vst.add.f32.msk $0xffff, v5  }
0x1cb: {  	s8 =	sand.u32 $0x7, s20;
	v5 =	vld [tilespmem:s15+$0xFFFFFFFC]  }
0x1cc: {  	s8 =	sshll.u32 s8, $0x4;
	[tilespmem:s7+$0x0] =	vst.add.f32.msk $0xffff, v6  }
0x1cd: {  	s7 =	sadd.s32 s18, s8;
	[tilespmem:s4+$0x0] =	vst.add.f32.msk $0xffff, v7  }
0x1ce: {  	s8 =	sadd.s32 $0x10, s7;
	[tilespmem:s5+$0x0] =	vst.add.f32.msk $0xffff, v8;
	s5 =	sadd.s32 $0x30, s7  }
0x1cf: {  	s7 =	sor.u32 $0x200, s8;
	s10 =	sor.u32 $0x280, s8;
	v6 =	vld [tilespmem:s15+$0xFFFFFFCD];
	s9 =	sor.u32 $0x200, s5  }
0x1d0: {  	s4 =	sor.u32 $0x300, s8;
	s8 =	sor.u32 $0x380, s8;
	[tilespmem:s9+$0x5080] =	vst.add.f32.msk $0xffff, v5  }
0x1d1: {  	v5 =	vld [tilespmem:s15+$0xFFFFFFFB]  }
0x1d2: {  	v7 =	vld [tilespmem:s15+$0xFFFFFFDD]  }
0x1d3: {  	v8 =	vld [tilespmem:s15+$0xFFFFFFED]  }
0x1d4: {  	[tilespmem:s6+$0x180] =	vst.add.f32.msk $0xffff, v6  }
0x1d5: {  	s6 =	sor.u32 $0x280, s5;
	v6 =	vld [tilespmem:s15+$0xFFFFFFCC]  }
0x1d6: {  	[tilespmem:s6+$0x5080] =	vst.add.f32.msk $0xffff, v5  }
0x1d7: {  	v5 =	vld [tilespmem:s15+$0xFFFFFFFA]  }
0x1d8: {  	[tilespmem:s26+$0x180] =	vst.add.f32.msk $0xffff, v7  }
0x1d9: {  	[tilespmem:s25+$0x180] =	vst.add.f32.msk $0xffff, v8  }
0x1da: {  	v7 =	vld [tilespmem:s15+$0xFFFFFFDC]  }
0x1db: {  	s6 =	sor.u32 $0x300, s5;
	v8 =	vld [tilespmem:s15+$0xFFFFFFEC]  }
0x1dc: {  	[tilespmem:s6+$0x5080] =	vst.add.f32.msk $0xffff, v5  }
0x1dd: {  	v5 =	vld [tilespmem:s15+$0xFFFFFFF9]  }
0x1de: {  	[tilespmem:s1+$0x5080] =	vst.add.f32.msk $0xffff, v6  }
0x1df: {  	[tilespmem:s7+$0x5080] =	vst.add.f32.msk $0xffff, v7  }
0x1e0: {  	[tilespmem:s2+$0x5080] =	vst.add.f32.msk $0xffff, v8  }
0x1e1: {  	s1 =	sor.u32 $0x380, s5;
	v6 =	vld [tilespmem:s15+$0xFFFFFFCB]  }
0x1e2: {  	[tilespmem:s1+$0x5080] =	vst.add.f32.msk $0xffff, v5  }
0x1e3: {  	v5 =	vld [tilespmem:s15+$0xFFFFFFDB]  }
0x1e4: {  	v7 =	vld [tilespmem:s15+$0xFFFFFFEB]  }
0x1e5: {  	[tilespmem:s30+$0x5080] =	vst.add.f32.msk $0xffff, v3;
	s30 =	smov.u32 s8  }
0x1e6: {  	[tilespmem:s22+$0x5080] =	vst.add.f32.msk $0xffff, v6  }
0x1e7: {  	v3 =	vld [tilespmem:s15+$0xFFFFFFCA]  }
0x1e8: {  	[tilespmem:s10+$0x5080] =	vst.add.f32.msk $0xffff, v5  }
0x1e9: {  	[tilespmem:s24+$0x5080] =	vst.add.f32.msk $0xffff, v7  }
0x1ea: {  	v6 =	vld [tilespmem:s15+$0xFFFFFFDA]  }
0x1eb: {  	v7 =	vld [tilespmem:s15+$0xFFFFFFEA]  }
0x1ec: {  	[tilespmem:s23+$0x5080] =	vst.add.f32.msk $0xffff, v3  }
.Ltmp2:
0x1ed: {  	v5 =	vld [tilespmem:s15+$0xFFFFFFC9];
	(pc) =	sbr.rel @p1 .LBB2_7-.Ltmp2, $4  }
0x1ee: {  	[tilespmem:s28+$0x5080] =	vst.add.f32.msk $0xffff, v4;
	s28 =	smov.u32 s21  }
0x1ef: {  	[tilespmem:s4+$0x5080] =	vst.add.f32.msk $0xffff, v6  }
0x1f0: {  	[tilespmem:s12+$0x5080] =	vst.add.f32.msk $0xffff, v7  }
0x1f1: {  	s31 =	sadd.s32 $0x2, s31;
	p0 =	por !p0, !p0;
	v3 =	vld [tilespmem:s15+$0xFFFFFFD9]  }
0x1f2: {  	v4 =	vld [tilespmem:s15+$0xFFFFFFE9];
	s1 =	rddreg [dreg:$0x4]  }
0x1f3: {  	s2 =	rddreg [dreg:$0x16]  }
0x1f4: {  	s1 =	sadd.s32 s2, s1  }
0x1f5: {  	[tilespmem:s11+$0x5080] =	vst.add.f32.msk $0xffff, v5;
	s1 =	sadd.s32 $0x4000, s1  }
0x1f6: {  	s12 =	rddreg [dreg:$0x2];
	s15 =	simm.s32 $0x0;
	s1 =	sshrl.u32 s1, $0x3;
	[tilespmem:s30+$0x5080] =	vst.add.f32.msk $0xffff, v3  }
0x1f7: {  	s4 =	simm.s32 $0x5080;
	p0 =	seq.s32 s13, $0x1F;
	s1 =	sadd.s32 s12, s1;
	[tilespmem:s28+$0x5080] =	vst.add.f32.msk $0xffff, v4  }
0x1f8: {  	[hbm4b:s1+s15] =	stream.linear.scatter [tilespmem:s4], [sflag:$0x6], $0x4000, $0x38;
	[tilespmem:$0x11080] =	vst v63  }
0x1f9: {  	s1 =	simm.s32 @!p0 $0x5  }
0x1fa: {  	_ =	swait.ge @!p0 [sflag:s1], $0x4000  }
0x1fb: {  	s4 =	sshll.u32 @!p0 s13, $0x10;
	[sflag:s1] =	ssyncset.done @!p0 $0x0;
	s2 =	rddreg [dreg:$0xa]  }
0x1fc: {  	[dreg:$0x15] =	wrdreg s4;
	s2 =	sadd.s32 @!p0 s4, s2;
	[sflag:s1] =	ssyncadd.s32 @!p0 $0xFFFFC000  }
0x1fd: {  	s18 =	simm.s32 $0x3;
	s1 =	sshrl.u32 @!p0 s2, $0x3;
	s2 =	rddreg [dreg:$0x0]  }
0x1fe: {  	s4 =	simm.s32 @!p0 $0x1080;
	s1 =	sadd.s32 @!p0 s2, s1;
	s2 =	simm.s32 @!p0 $0x0  }
0x1ff: {  	[tilespmem:s4], [sflag:$0x1] =	stream.linear.gather @!p0 [hbm4b:s1+s2], $0x4000, $0x38;
	[tilespmem:$0x11080] =	vst v63  }
0x200: {  	_ =	swait.ge [sflag:s18], $0x4000  }
0x201: {  	[sflag:s18] =	ssyncset.done $0x0  }
0x202: {  	[sflag:s18] =	ssyncadd.s32 $0xFFFFC000  }
0x203: {  	v3 =	vld [tilespmem:s16+$0x0]  }
0x204: {  	s18 =	simm.s32 $0x0;
	v4 =	vld [tilespmem:s16+$0xFFFFFFD0]  }
0x205: {  	s20 =	simm.s32 $0x30;
	s19 =	sand.u32 $0x3C00, s18;
	v5 =	vld [tilespmem:s16+$0xFFFFFFE0]  }
0x206: {  	s2 =	sand.u32 $0x70, s20;
	s1 =	sadd.s32 $0x9080, s19  }
0x207: {  	s21 =	simm.s32 $0x10;
	v6 =	vld [tilespmem:s16+$0xFFFFFFF0];
	s5 =	sand.u32 $0x40, s18;
	s2 =	sor.u32 s2, s1  }
0x208: {  	s4 =	sand.u32 $0x50, s21;
	s5 =	sor.u32 s5, s1;
	[tilespmem:s2+$0x0] =	vst.add.f32.msk $0xffff, v3  }
0x209: {  	s6 =	simm.s32 $0x20;
	s4 =	sor.u32 s4, s1;
	[tilespmem:s5+$0x0] =	vst.add.f32.msk $0xffff, v4  }
0x20a: {  	s6 =	sand.u32 $0x60, s6;
	[tilespmem:s4+$0x0] =	vst.add.f32.msk $0xffff, v5  }
0x20b: {  	s1 =	sor.u32 s6, s1;
	v3 =	vld [tilespmem:s16+$0xFFFFFFFF]  }
0x20c: {  	[tilespmem:s1+$0x0] =	vst.add.f32.msk $0xffff, v6  }
0x20d: {  	v4 =	vld [tilespmem:s16+$0xFFFFFFCF]  }
0x20e: {  	v5 =	vld [tilespmem:s16+$0xFFFFFFDF]  }
0x20f: {  	v6 =	vld [tilespmem:s16+$0xFFFFFFEF]  }
0x210: {  	[tilespmem:s2+$0x80] =	vst.add.f32.msk $0xffff, v3  }
0x211: {  	v3 =	vld [tilespmem:s16+$0xFFFFFFFE]  }
0x212: {  	[tilespmem:s5+$0x80] =	vst.add.f32.msk $0xffff, v4  }
0x213: {  	[tilespmem:s4+$0x80] =	vst.add.f32.msk $0xffff, v5  }
0x214: {  	v4 =	vld [tilespmem:s16+$0xFFFFFFCE]  }
0x215: {  	s22 =	sor.u32 $0x100, s2;
	v5 =	vld [tilespmem:s16+$0xFFFFFFDE]  }
0x216: {  	[tilespmem:s22+$0x0] =	vst.add.f32.msk $0xffff, v3  }
0x217: {  	v3 =	vld [tilespmem:s16+$0xFFFFFFFD]  }
0x218: {  	[tilespmem:s1+$0x80] =	vst.add.f32.msk $0xffff, v6  }
0x219: {  	s23 =	sor.u32 $0x100, s5;
	v6 =	vld [tilespmem:s16+$0xFFFFFFEE]  }
0x21a: {  	s7 =	sor.u32 $0x100, s4;
	[tilespmem:s23+$0x0] =	vst.add.f32.msk $0xffff, v4  }
0x21b: {  	[tilespmem:s7+$0x0] =	vst.add.f32.msk $0xffff, v5  }
0x21c: {  	[tilespmem:s2+$0x180] =	vst.add.f32.msk $0xffff, v3  }
0x21d: {  	s24 =	sand.u32 $0x7, s18;
	s25 =	sor.u32 $0x100, s1;
	v3 =	vld [tilespmem:s16+$0xFFFFFFFC]  }
0x21e: {  	s6 =	sshll.u32 s24, $0x4;
	[tilespmem:s25+$0x0] =	vst.add.f32.msk $0xffff, v6  }
0x21f: {  	s6 =	sadd.s32 $0x0, s6;
	v4 =	vld [tilespmem:s16+$0xFFFFFFCD]  }
0x220: {  	s26 =	sadd.s32 $0x30, s6;
	v5 =	vld [tilespmem:s16+$0xFFFFFFDD]  }
0x221: {  	s8 =	sor.u32 $0x200, s26;
	v6 =	vld [tilespmem:s16+$0xFFFFFFED]  }
0x222: {  	[tilespmem:s8+$0x9080] =	vst.add.f32.msk $0xffff, v3  }
0x223: {  	v3 =	vld [tilespmem:s16+$0xFFFFFFFB]  }
0x224: {  	[tilespmem:s5+$0x180] =	vst.add.f32.msk $0xffff, v4  }
0x225: {  	[tilespmem:s4+$0x180] =	vst.add.f32.msk $0xffff, v5  }
0x226: {  	v4 =	vld [tilespmem:s16+$0xFFFFFFCC]  }
0x227: {  	p1 =	por $0x0, $0x0;
	s9 =	sor.u32 $0x280, s26;
	s5 =	simm.s32 $0x1;
	v5 =	vld [tilespmem:s16+$0xFFFFFFDC]  }
0x228: {  	s5 =	simm.s32 @!p1 $0x0;
	[tilespmem:s9+$0x9080] =	vst.add.f32.msk $0xffff, v3  }
0x229: {  	s10 =	sshll.u32 s5, $0x6;
	v3 =	vld [tilespmem:s16+$0xFFFFFFFA]  }
0x22a: {  	[tilespmem:s1+$0x180] =	vst.add.f32.msk $0xffff, v6;
	s4 =	sadd.s32 $0x0, s10  }
0x22b: {  	s11 =	sand.u32 $0x3, s18;
	s6 =	sadd.s32 $0x10, s6;
	v6 =	vld [tilespmem:s16+$0xFFFFFFEC];
	s15 =	sor.u32 $0x200, s4  }
0x22c: {  	s19 =	sor.u32 $0x200, s6;
	s1 =	sshll.u32 s11, $0x5;
	[tilespmem:s15+$0x9080] =	vst.add.f32.msk $0xffff, v4  }
0x22d: {  	s12 =	sor.u32 $0x300, s26;
	s1 =	sadd.s32 $0x0, s1;
	[tilespmem:s19+$0x9080] =	vst.add.f32.msk $0xffff, v5  }
0x22e: {  	s1 =	sadd.s32 $0x20, s1;
	[tilespmem:s12+$0x9080] =	vst.add.f32.msk $0xffff, v3  }
0x22f: {  	s20 =	sor.u32 $0x200, s1;
	v3 =	vld [tilespmem:s16+$0xFFFFFFCB]  }
0x230: {  	[tilespmem:s20+$0x9080] =	vst.add.f32.msk $0xffff, v6  }
0x231: {  	v4 =	vld [tilespmem:s16+$0xFFFFFFDB]  }
0x232: {  	v5 =	vld [tilespmem:s16+$0xFFFFFFEB]  }
0x233: {  	s21 =	sor.u32 $0x280, s4;
	v6 =	vld [tilespmem:s16+$0xFFFFFFF9]  }
0x234: {  	[tilespmem:s21+$0x9080] =	vst.add.f32.msk $0xffff, v3  }
0x235: {  	s22 =	sor.u32 $0x280, s6;
	v3 =	vld [tilespmem:s16+$0xFFFFFFCA]  }
0x236: {  	s23 =	sor.u32 $0x280, s1;
	[tilespmem:s22+$0x9080] =	vst.add.f32.msk $0xffff, v4  }
0x237: {  	[tilespmem:s23+$0x9080] =	vst.add.f32.msk $0xffff, v5  }
0x238: {  	s2 =	sor.u32 $0x380, s26;
	v4 =	vld [tilespmem:s16+$0xFFFFFFDA]  }
0x239: {  	s24 =	sor.u32 $0x300, s4;
	[tilespmem:s2+$0x9080] =	vst.add.f32.msk $0xffff, v6  }
0x23a: {  	s2 =	rddreg [dreg:$0x12];
	[tilespmem:s24+$0x9080] =	vst.add.f32.msk $0xffff, v3  }
0x23b: {  	v7 =	vld [tilespmem:s16+$0xFFFFFFEA];
	s2 =	sshll.u32 s2, $0x3;
	s5 =	rddreg [dreg:$0x7]  }
0x23c: {  	s2 =	sadd.s32 s5, s2  }
0x23d: {  	[dreg:$0x18] =	wrdreg s2  }
0x23e: {  	s29 =	simm.s32 $0x0;
	s25 =	sor.u32 $0x300, s6;
	v5 =	vld [tilespmem:s16+$0xFFFFFFC9]  }
0x23f: {  	s31 =	simm.s32 $0x2;
	s30 =	sor.u32 $0x380, s6;
	s26 =	sor.u32 $0x300, s1;
	[tilespmem:s25+$0x9080] =	vst.add.f32.msk $0xffff, v4  }
0x240: {  	p1 =	por !p1, !p1;
	s28 =	sor.u32 $0x380, s1;
	s11 =	sor.u32 $0x380, s4;
	[tilespmem:s26+$0x9080] =	vst.add.f32.msk $0xffff, v7  }
0x241: {  	s15 =	smov.u32 s16;
	s19 =	simm.s32 $0x0;
	s20 =	simm.s32 $0x0;
	v3 =	vld [tilespmem:s16+$0xFFFFFFD9]  }
.LBB2_9:
0x242: {  	s2 =	simm.s32 $0x1  }
0x243: {  	s1 =	sand.u32 $0x3, s31;
	v4 =	vld [tilespmem:s15+$0xFFFFFFE9];
	s15 =	sadd.s32 $0x40, s15;
	s2 =	simm.s32 @!p1 $0x0  }
0x244: {  	s29 =	sadd.s32 $0x4, s29;
	s1 =	sshll.u32 s1, $0x5;
	s2 =	sshll.u32 s2, $0x6;
	v6 =	vld [tilespmem:s15+$0x0]  }
0x245: {  	s18 =	sadd.s32 $0x200, s18;
	s19 =	sadd.s32 $0x40, s19;
	p2 =	slt.u32 s29, $0x7C;
	v7 =	vld [tilespmem:s15+$0xFFFFFFD0]  }
0x246: {  	s4 =	sand.u32 $0x3C00, s18;
	s5 =	sadd.s32 $0x10, s19;
	s6 =	sadd.s32 $0x30, s19;
	v8 =	vld [tilespmem:s15+$0xFFFFFFE0]  }
0x247: {  	s7 =	sadd.s32 $0x20, s19;
	s4 =	sadd.s32 $0x9080, s4;
	s6 =	sand.u32 $0x70, s6;
	v9 =	vld [tilespmem:s15+$0xFFFFFFF0]  }
0x248: {  	s5 =	sand.u32 $0x50, s5;
	s7 =	sand.u32 $0x60, s7;
	s8 =	sor.u32 s6, s4;
	[tilespmem:s11+$0x9080] =	vst.add.f32.msk $0xffff, v5  }
0x249: {  	s6 =	sand.u32 $0x40, s19;
	s26 =	sor.u32 s5, s4;
	s25 =	sor.u32 s7, s4;
	[tilespmem:s8+$0x0] =	vst.add.f32.msk $0xffff, v6  }
0x24a: {  	s6 =	sor.u32 s6, s4;
	s4 =	sor.u32 $0x100, s26;
	s5 =	sor.u32 $0x100, s25;
	v5 =	vld [tilespmem:s15+$0xFFFFFFFF]  }
0x24b: {  	s7 =	sadd.s32 s18, s1;
	s9 =	sor.u32 $0x100, s6;
	s11 =	sadd.s32 s2, s18;
	[tilespmem:s6+$0x0] =	vst.add.f32.msk $0xffff, v7  }
0x24c: {  	s7 =	sadd.s32 $0x20, s7;
	s1 =	sor.u32 $0x200, s11;
	s22 =	sor.u32 $0x280, s11;
	[tilespmem:s26+$0x0] =	vst.add.f32.msk $0xffff, v8  }
0x24d: {  	s24 =	sor.u32 $0x280, s7;
	s12 =	sor.u32 $0x300, s7;
	s2 =	sor.u32 $0x200, s7;
	[tilespmem:s25+$0x0] =	vst.add.f32.msk $0xffff, v9  }
0x24e: {  	s21 =	sor.u32 $0x380, s7;
	s23 =	sor.u32 $0x300, s11;
	s11 =	sor.u32 $0x380, s11;
	v6 =	vld [tilespmem:s15+$0xFFFFFFCF]  }
0x24f: {  	[tilespmem:s8+$0x80] =	vst.add.f32.msk $0xffff, v5  }
0x250: {  	v5 =	vld [tilespmem:s15+$0xFFFFFFFE]  }
0x251: {  	v7 =	vld [tilespmem:s15+$0xFFFFFFDF]  }
0x252: {  	v8 =	vld [tilespmem:s15+$0xFFFFFFEF]  }
0x253: {  	[tilespmem:s6+$0x80] =	vst.add.f32.msk $0xffff, v6  }
0x254: {  	s7 =	sor.u32 $0x100, s8;
	v6 =	vld [tilespmem:s15+$0xFFFFFFCE]  }
0x255: {  	[tilespmem:s7+$0x0] =	vst.add.f32.msk $0xffff, v5  }
0x256: {  	v5 =	vld [tilespmem:s15+$0xFFFFFFFD]  }
0x257: {  	[tilespmem:s26+$0x80] =	vst.add.f32.msk $0xffff, v7  }
0x258: {  	[tilespmem:s25+$0x80] =	vst.add.f32.msk $0xffff, v8  }
0x259: {  	v7 =	vld [tilespmem:s15+$0xFFFFFFDE]  }
0x25a: {  	v8 =	vld [tilespmem:s15+$0xFFFFFFEE]  }
0x25b: {  	s20 =	sadd.s32 $0x4, s20;
	[tilespmem:s8+$0x180] =	vst.add.f32.msk $0xffff, v5  }
0x25c: {  	s7 =	sand.u32 $0x7, s20;
	v5 =	vld [tilespmem:s15+$0xFFFFFFFC]  }
0x25d: {  	s7 =	sshll.u32 s7, $0x4;
	[tilespmem:s9+$0x0] =	vst.add.f32.msk $0xffff, v6  }
0x25e: {  	s7 =	sadd.s32 s18, s7;
	[tilespmem:s4+$0x0] =	vst.add.f32.msk $0xffff, v7  }
0x25f: {  	s8 =	sadd.s32 $0x10, s7;
	[tilespmem:s5+$0x0] =	vst.add.f32.msk $0xffff, v8;
	s5 =	sadd.s32 $0x30, s7  }
0x260: {  	s9 =	sor.u32 $0x280, s8;
	s7 =	sor.u32 $0x200, s8;
	v6 =	vld [tilespmem:s15+$0xFFFFFFCD];
	s10 =	sor.u32 $0x200, s5  }
0x261: {  	s4 =	sor.u32 $0x300, s8;
	s8 =	sor.u32 $0x380, s8;
	[tilespmem:s10+$0x9080] =	vst.add.f32.msk $0xffff, v5  }
0x262: {  	v5 =	vld [tilespmem:s15+$0xFFFFFFFB]  }
0x263: {  	v7 =	vld [tilespmem:s15+$0xFFFFFFDD]  }
0x264: {  	v8 =	vld [tilespmem:s15+$0xFFFFFFED]  }
0x265: {  	[tilespmem:s6+$0x180] =	vst.add.f32.msk $0xffff, v6  }
0x266: {  	s6 =	sor.u32 $0x280, s5;
	v6 =	vld [tilespmem:s15+$0xFFFFFFCC]  }
0x267: {  	[tilespmem:s6+$0x9080] =	vst.add.f32.msk $0xffff, v5  }
0x268: {  	v5 =	vld [tilespmem:s15+$0xFFFFFFFA]  }
0x269: {  	[tilespmem:s26+$0x180] =	vst.add.f32.msk $0xffff, v7  }
0x26a: {  	[tilespmem:s25+$0x180] =	vst.add.f32.msk $0xffff, v8  }
0x26b: {  	v7 =	vld [tilespmem:s15+$0xFFFFFFDC]  }
0x26c: {  	s6 =	sor.u32 $0x300, s5;
	v8 =	vld [tilespmem:s15+$0xFFFFFFEC]  }
0x26d: {  	[tilespmem:s6+$0x9080] =	vst.add.f32.msk $0xffff, v5  }
0x26e: {  	v5 =	vld [tilespmem:s15+$0xFFFFFFF9]  }
0x26f: {  	[tilespmem:s1+$0x9080] =	vst.add.f32.msk $0xffff, v6  }
0x270: {  	[tilespmem:s7+$0x9080] =	vst.add.f32.msk $0xffff, v7  }
0x271: {  	[tilespmem:s2+$0x9080] =	vst.add.f32.msk $0xffff, v8  }
0x272: {  	s1 =	sor.u32 $0x380, s5;
	v6 =	vld [tilespmem:s15+$0xFFFFFFCB]  }
0x273: {  	[tilespmem:s1+$0x9080] =	vst.add.f32.msk $0xffff, v5  }
0x274: {  	v5 =	vld [tilespmem:s15+$0xFFFFFFDB]  }
0x275: {  	v7 =	vld [tilespmem:s15+$0xFFFFFFEB]  }
0x276: {  	[tilespmem:s30+$0x9080] =	vst.add.f32.msk $0xffff, v3;
	s30 =	smov.u32 s8  }
0x277: {  	[tilespmem:s22+$0x9080] =	vst.add.f32.msk $0xffff, v6  }
0x278: {  	v3 =	vld [tilespmem:s15+$0xFFFFFFCA]  }
0x279: {  	[tilespmem:s9+$0x9080] =	vst.add.f32.msk $0xffff, v5  }
0x27a: {  	[tilespmem:s24+$0x9080] =	vst.add.f32.msk $0xffff, v7  }
0x27b: {  	v6 =	vld [tilespmem:s15+$0xFFFFFFDA]  }
0x27c: {  	v7 =	vld [tilespmem:s15+$0xFFFFFFEA]  }
0x27d: {  	[tilespmem:s23+$0x9080] =	vst.add.f32.msk $0xffff, v3  }
.Ltmp3:
0x27e: {  	v5 =	vld [tilespmem:s15+$0xFFFFFFC9];
	(pc) =	sbr.rel @p2 .LBB2_9-.Ltmp3, $4  }
0x27f: {  	[tilespmem:s28+$0x9080] =	vst.add.f32.msk $0xffff, v4;
	s28 =	smov.u32 s21  }
0x280: {  	[tilespmem:s4+$0x9080] =	vst.add.f32.msk $0xffff, v6  }
0x281: {  	[tilespmem:s12+$0x9080] =	vst.add.f32.msk $0xffff, v7  }
0x282: {  	s31 =	sadd.s32 $0x2, s31;
	p1 =	por !p1, !p1;
	v3 =	vld [tilespmem:s15+$0xFFFFFFD9]  }
0x283: {  	v4 =	vld [tilespmem:s15+$0xFFFFFFE9]  }
0x284: {  	s1 =	rddreg [dreg:$0x18];
	[tilespmem:s11+$0x9080] =	vst.add.f32.msk $0xffff, v5  }
0x285: {  	s1 =	sshll.u32 s1, $0xB;
	s2 =	rddreg [dreg:$0x4]  }
0x286: {  	s1 =	sadd.s32 s2, s1  }
0x287: {  	s20 =	rddreg [dreg:$0x2];
	s1 =	sshrl.u32 s1, $0x3;
	[tilespmem:s30+$0x9080] =	vst.add.f32.msk $0xffff, v3  }
0x288: {  	s21 =	simm.s32 $0x0;
	s4 =	simm.s32 $0x9080;
	s1 =	sadd.s32 s20, s1;
	[tilespmem:s28+$0x9080] =	vst.add.f32.msk $0xffff, v4  }
0x289: {  	[hbm4b:s1+s21] =	stream.linear.scatter [tilespmem:s4], [sflag:$0x7], $0x4000, $0x38;
	[tilespmem:$0x11080] =	vst v63  }
0x28a: {  	s1 =	simm.s32 @!p0 $0x6  }
0x28b: {  	_ =	swait.ge @!p0 [sflag:s1], $0x4000  }
0x28c: {  	s2 =	rddreg [dreg:$0xb]  }
0x28d: {  	[sflag:s1] =	ssyncset.done @!p0 $0x0;
	s4 =	rddreg [dreg:$0x15]  }
0x28e: {  	s2 =	sadd.s32 @!p0 s4, s2;
	[sflag:s1] =	ssyncadd.s32 @!p0 $0xFFFFC000  }
0x28f: {  	s22 =	simm.s32 $0x4;
	s1 =	sshrl.u32 @!p0 s2, $0x3;
	s2 =	rddreg [dreg:$0x0]  }
0x290: {  	s4 =	simm.s32 @!p0 $0x5080;
	s1 =	sadd.s32 @!p0 s2, s1;
	s2 =	simm.s32 @!p0 $0x0  }
0x291: {  	[tilespmem:s4], [sflag:$0x2] =	stream.linear.gather @!p0 [hbm4b:s1+s2], $0x4000, $0x38;
	[tilespmem:$0x11080] =	vst v63  }
0x292: {  	_ =	swait.ge [sflag:s22], $0x4000  }
0x293: {  	[sflag:s22] =	ssyncset.done $0x0  }
0x294: {  	[sflag:s22] =	ssyncadd.s32 $0xFFFFC000  }
0x295: {  	v3 =	vld [tilespmem:s17+$0x0]  }
0x296: {  	s9 =	simm.s32 $0x0;
	v4 =	vld [tilespmem:s17+$0xFFFFFFD0]  }
0x297: {  	s24 =	simm.s32 $0x30;
	s23 =	sand.u32 $0x3C00, s9;
	v5 =	vld [tilespmem:s17+$0xFFFFFFE0]  }
0x298: {  	s1 =	sadd.s32 $0xD080, s23;
	s2 =	sand.u32 $0x70, s24  }
0x299: {  	s25 =	simm.s32 $0x10;
	s5 =	sand.u32 $0x40, s9;
	s2 =	sor.u32 s2, s1;
	v6 =	vld [tilespmem:s17+$0xFFFFFFF0]  }
0x29a: {  	s4 =	sand.u32 $0x50, s25;
	s5 =	sor.u32 s5, s1;
	[tilespmem:s2+$0x0] =	vst.add.f32.msk $0xffff, v3  }
0x29b: {  	s6 =	simm.s32 $0x20;
	s4 =	sor.u32 s4, s1;
	[tilespmem:s5+$0x0] =	vst.add.f32.msk $0xffff, v4  }
0x29c: {  	s6 =	sand.u32 $0x60, s6;
	[tilespmem:s4+$0x0] =	vst.add.f32.msk $0xffff, v5  }
0x29d: {  	s1 =	sor.u32 s6, s1;
	v3 =	vld [tilespmem:s17+$0xFFFFFFFF]  }
0x29e: {  	[tilespmem:s1+$0x0] =	vst.add.f32.msk $0xffff, v6  }
0x29f: {  	v4 =	vld [tilespmem:s17+$0xFFFFFFCF]  }
0x2a0: {  	v5 =	vld [tilespmem:s17+$0xFFFFFFDF]  }
0x2a1: {  	v6 =	vld [tilespmem:s17+$0xFFFFFFEF]  }
0x2a2: {  	[tilespmem:s2+$0x80] =	vst.add.f32.msk $0xffff, v3  }
0x2a3: {  	v3 =	vld [tilespmem:s17+$0xFFFFFFFE]  }
0x2a4: {  	[tilespmem:s5+$0x80] =	vst.add.f32.msk $0xffff, v4  }
0x2a5: {  	[tilespmem:s4+$0x80] =	vst.add.f32.msk $0xffff, v5  }
0x2a6: {  	v4 =	vld [tilespmem:s17+$0xFFFFFFCE]  }
0x2a7: {  	s26 =	sor.u32 $0x100, s2;
	v5 =	vld [tilespmem:s17+$0xFFFFFFDE]  }
0x2a8: {  	[tilespmem:s26+$0x0] =	vst.add.f32.msk $0xffff, v3  }
0x2a9: {  	v3 =	vld [tilespmem:s17+$0xFFFFFFFD]  }
0x2aa: {  	[tilespmem:s1+$0x80] =	vst.add.f32.msk $0xffff, v6  }
0x2ab: {  	s30 =	sor.u32 $0x100, s5;
	v6 =	vld [tilespmem:s17+$0xFFFFFFEE]  }
0x2ac: {  	s7 =	sor.u32 $0x100, s4;
	[tilespmem:s30+$0x0] =	vst.add.f32.msk $0xffff, v4  }
0x2ad: {  	[tilespmem:s7+$0x0] =	vst.add.f32.msk $0xffff, v5  }
0x2ae: {  	[tilespmem:s2+$0x180] =	vst.add.f32.msk $0xffff, v3  }
0x2af: {  	s31 =	sand.u32 $0x7, s9;
	s8 =	sor.u32 $0x100, s1;
	v3 =	vld [tilespmem:s17+$0xFFFFFFFC]  }
0x2b0: {  	s6 =	sshll.u32 s31, $0x4;
	[tilespmem:s8+$0x0] =	vst.add.f32.msk $0xffff, v6  }
0x2b1: {  	s6 =	sadd.s32 $0x0, s6;
	v4 =	vld [tilespmem:s17+$0xFFFFFFCD]  }
0x2b2: {  	s10 =	sadd.s32 $0x30, s6;
	v5 =	vld [tilespmem:s17+$0xFFFFFFDD]  }
0x2b3: {  	s11 =	sor.u32 $0x200, s10;
	v6 =	vld [tilespmem:s17+$0xFFFFFFED]  }
0x2b4: {  	[tilespmem:s11+$0xD080] =	vst.add.f32.msk $0xffff, v3  }
0x2b5: {  	v3 =	vld [tilespmem:s17+$0xFFFFFFFB]  }
0x2b6: {  	[tilespmem:s5+$0x180] =	vst.add.f32.msk $0xffff, v4  }
0x2b7: {  	[tilespmem:s4+$0x180] =	vst.add.f32.msk $0xffff, v5  }
0x2b8: {  	v4 =	vld [tilespmem:s17+$0xFFFFFFCC]  }
0x2b9: {  	p0 =	por $0x0, $0x0;
	s12 =	sor.u32 $0x280, s10;
	s5 =	simm.s32 $0x1;
	v5 =	vld [tilespmem:s17+$0xFFFFFFDC]  }
0x2ba: {  	s5 =	simm.s32 @!p0 $0x0;
	[tilespmem:s12+$0xD080] =	vst.add.f32.msk $0xffff, v3  }
0x2bb: {  	s15 =	sshll.u32 s5, $0x6;
	v3 =	vld [tilespmem:s17+$0xFFFFFFFA]  }
0x2bc: {  	[tilespmem:s1+$0x180] =	vst.add.f32.msk $0xffff, v6;
	s4 =	sadd.s32 $0x0, s15  }
0x2bd: {  	s18 =	sand.u32 $0x3, s9;
	s6 =	sadd.s32 $0x10, s6;
	v6 =	vld [tilespmem:s17+$0xFFFFFFEC];
	s20 =	sor.u32 $0x200, s4  }
0x2be: {  	s21 =	sor.u32 $0x200, s6;
	s1 =	sshll.u32 s18, $0x5;
	[tilespmem:s20+$0xD080] =	vst.add.f32.msk $0xffff, v4  }
0x2bf: {  	s19 =	sor.u32 $0x300, s10;
	s1 =	sadd.s32 $0x0, s1;
	[tilespmem:s21+$0xD080] =	vst.add.f32.msk $0xffff, v5  }
0x2c0: {  	s1 =	sadd.s32 $0x20, s1;
	[tilespmem:s19+$0xD080] =	vst.add.f32.msk $0xffff, v3  }
0x2c1: {  	s22 =	sor.u32 $0x200, s1;
	v3 =	vld [tilespmem:s17+$0xFFFFFFCB]  }
0x2c2: {  	[tilespmem:s22+$0xD080] =	vst.add.f32.msk $0xffff, v6  }
0x2c3: {  	v4 =	vld [tilespmem:s17+$0xFFFFFFDB]  }
0x2c4: {  	v5 =	vld [tilespmem:s17+$0xFFFFFFEB]  }
0x2c5: {  	s23 =	sor.u32 $0x280, s4;
	v6 =	vld [tilespmem:s17+$0xFFFFFFF9]  }
0x2c6: {  	[tilespmem:s23+$0xD080] =	vst.add.f32.msk $0xffff, v3  }
0x2c7: {  	s24 =	sor.u32 $0x280, s6;
	v3 =	vld [tilespmem:s17+$0xFFFFFFCA]  }
0x2c8: {  	s25 =	sor.u32 $0x280, s1;
	[tilespmem:s24+$0xD080] =	vst.add.f32.msk $0xffff, v4  }
0x2c9: {  	[tilespmem:s25+$0xD080] =	vst.add.f32.msk $0xffff, v5  }
0x2ca: {  	s2 =	sor.u32 $0x380, s10;
	v4 =	vld [tilespmem:s17+$0xFFFFFFDA]  }
0x2cb: {  	s26 =	sor.u32 $0x300, s4;
	[tilespmem:s2+$0xD080] =	vst.add.f32.msk $0xffff, v6  }
0x2cc: {  	s2 =	rddreg [dreg:$0x13];
	[tilespmem:s26+$0xD080] =	vst.add.f32.msk $0xffff, v3  }
0x2cd: {  	v7 =	vld [tilespmem:s17+$0xFFFFFFEA];
	s2 =	sshll.u32 s2, $0x3;
	s5 =	rddreg [dreg:$0x7]  }
0x2ce: {  	s2 =	sadd.s32 s5, s2  }
0x2cf: {  	[dreg:$0x19] =	wrdreg s2  }
0x2d0: {  	s29 =	simm.s32 $0x2;
	s30 =	sor.u32 $0x300, s6;
	v5 =	vld [tilespmem:s17+$0xFFFFFFC9]  }
0x2d1: {  	s28 =	sor.u32 $0x380, s6;
	s18 =	simm.s32 $0x0;
	s31 =	sor.u32 $0x300, s1;
	[tilespmem:s30+$0xD080] =	vst.add.f32.msk $0xffff, v4  }
0x2d2: {  	p0 =	por !p0, !p0;
	s10 =	sor.u32 $0x380, s1;
	s15 =	smov.u32 s17;
	[tilespmem:s31+$0xD080] =	vst.add.f32.msk $0xffff, v7  }
0x2d3: {  	s11 =	sor.u32 $0x380, s4;
	s20 =	simm.s32 $0x0;
	s19 =	simm.s32 $0x0;
	v3 =	vld [tilespmem:s17+$0xFFFFFFD9]  }
.LBB2_11:
0x2d4: {  	s2 =	simm.s32 $0x1  }
0x2d5: {  	s1 =	sand.u32 $0x3, s29;
	v4 =	vld [tilespmem:s15+$0xFFFFFFE9];
	s15 =	sadd.s32 $0x40, s15;
	s2 =	simm.s32 @!p0 $0x0  }
0x2d6: {  	s18 =	sadd.s32 $0x4, s18;
	s1 =	sshll.u32 s1, $0x5;
	s2 =	sshll.u32 s2, $0x6;
	v6 =	vld [tilespmem:s15+$0x0]  }
0x2d7: {  	s9 =	sadd.s32 $0x200, s9;
	s19 =	sadd.s32 $0x40, s19;
	p1 =	slt.u32 s18, $0x7C;
	v7 =	vld [tilespmem:s15+$0xFFFFFFD0]  }
0x2d8: {  	s4 =	sand.u32 $0x3C00, s9;
	s5 =	sadd.s32 $0x10, s19;
	s6 =	sadd.s32 $0x30, s19;
	v8 =	vld [tilespmem:s15+$0xFFFFFFE0]  }
0x2d9: {  	s8 =	sadd.s32 $0x20, s19;
	s4 =	sadd.s32 $0xD080, s4;
	s6 =	sand.u32 $0x70, s6;
	v9 =	vld [tilespmem:s15+$0xFFFFFFF0]  }
0x2da: {  	s5 =	sand.u32 $0x50, s5;
	s8 =	sand.u32 $0x60, s8;
	s30 =	sor.u32 s6, s4;
	[tilespmem:s11+$0xD080] =	vst.add.f32.msk $0xffff, v5  }
0x2db: {  	s6 =	sand.u32 $0x40, s19;
	s26 =	sor.u32 s5, s4;
	s25 =	sor.u32 s8, s4;
	[tilespmem:s30+$0x0] =	vst.add.f32.msk $0xffff, v6  }
0x2dc: {  	s6 =	sor.u32 s6, s4;
	s4 =	sor.u32 $0x100, s26;
	s5 =	sor.u32 $0x100, s25;
	v5 =	vld [tilespmem:s15+$0xFFFFFFFF]  }
0x2dd: {  	s8 =	sadd.s32 s9, s1;
	s31 =	sor.u32 $0x100, s6;
	s11 =	sadd.s32 s2, s9;
	[tilespmem:s6+$0x0] =	vst.add.f32.msk $0xffff, v7  }
0x2de: {  	s8 =	sadd.s32 $0x20, s8;
	s1 =	sor.u32 $0x200, s11;
	s22 =	sor.u32 $0x280, s11;
	[tilespmem:s26+$0x0] =	vst.add.f32.msk $0xffff, v8  }
0x2df: {  	s24 =	sor.u32 $0x280, s8;
	s12 =	sor.u32 $0x300, s8;
	s2 =	sor.u32 $0x200, s8;
	[tilespmem:s25+$0x0] =	vst.add.f32.msk $0xffff, v9  }
0x2e0: {  	s21 =	sor.u32 $0x380, s8;
	s23 =	sor.u32 $0x300, s11;
	s11 =	sor.u32 $0x380, s11;
	v6 =	vld [tilespmem:s15+$0xFFFFFFCF]  }
0x2e1: {  	[tilespmem:s30+$0x80] =	vst.add.f32.msk $0xffff, v5  }
0x2e2: {  	v5 =	vld [tilespmem:s15+$0xFFFFFFFE]  }
0x2e3: {  	v7 =	vld [tilespmem:s15+$0xFFFFFFDF]  }
0x2e4: {  	v8 =	vld [tilespmem:s15+$0xFFFFFFEF]  }
0x2e5: {  	[tilespmem:s6+$0x80] =	vst.add.f32.msk $0xffff, v6  }
0x2e6: {  	s8 =	sor.u32 $0x100, s30;
	v6 =	vld [tilespmem:s15+$0xFFFFFFCE]  }
0x2e7: {  	[tilespmem:s8+$0x0] =	vst.add.f32.msk $0xffff, v5  }
0x2e8: {  	v5 =	vld [tilespmem:s15+$0xFFFFFFFD]  }
0x2e9: {  	[tilespmem:s26+$0x80] =	vst.add.f32.msk $0xffff, v7  }
0x2ea: {  	[tilespmem:s25+$0x80] =	vst.add.f32.msk $0xffff, v8  }
0x2eb: {  	v7 =	vld [tilespmem:s15+$0xFFFFFFDE]  }
0x2ec: {  	v8 =	vld [tilespmem:s15+$0xFFFFFFEE]  }
0x2ed: {  	s20 =	sadd.s32 $0x4, s20;
	[tilespmem:s30+$0x180] =	vst.add.f32.msk $0xffff, v5  }
0x2ee: {  	s8 =	sand.u32 $0x7, s20;
	v5 =	vld [tilespmem:s15+$0xFFFFFFFC]  }
0x2ef: {  	s8 =	sshll.u32 s8, $0x4;
	[tilespmem:s31+$0x0] =	vst.add.f32.msk $0xffff, v6  }
0x2f0: {  	s8 =	sadd.s32 s9, s8;
	[tilespmem:s4+$0x0] =	vst.add.f32.msk $0xffff, v7  }
0x2f1: {  	s30 =	sadd.s32 $0x10, s8;
	[tilespmem:s5+$0x0] =	vst.add.f32.msk $0xffff, v8;
	s5 =	sadd.s32 $0x30, s8  }
0x2f2: {  	s31 =	sor.u32 $0x280, s30;
	s8 =	sor.u32 $0x200, s30;
	v6 =	vld [tilespmem:s15+$0xFFFFFFCD];
	s7 =	sor.u32 $0x200, s5  }
0x2f3: {  	s4 =	sor.u32 $0x300, s30;
	s30 =	sor.u32 $0x380, s30;
	[tilespmem:s7+$0xD080] =	vst.add.f32.msk $0xffff, v5  }
0x2f4: {  	v5 =	vld [tilespmem:s15+$0xFFFFFFFB]  }
0x2f5: {  	v7 =	vld [tilespmem:s15+$0xFFFFFFDD]  }
0x2f6: {  	v8 =	vld [tilespmem:s15+$0xFFFFFFED]  }
0x2f7: {  	[tilespmem:s6+$0x180] =	vst.add.f32.msk $0xffff, v6  }
0x2f8: {  	s6 =	sor.u32 $0x280, s5;
	v6 =	vld [tilespmem:s15+$0xFFFFFFCC]  }
0x2f9: {  	[tilespmem:s6+$0xD080] =	vst.add.f32.msk $0xffff, v5  }
0x2fa: {  	v5 =	vld [tilespmem:s15+$0xFFFFFFFA]  }
0x2fb: {  	[tilespmem:s26+$0x180] =	vst.add.f32.msk $0xffff, v7  }
0x2fc: {  	[tilespmem:s25+$0x180] =	vst.add.f32.msk $0xffff, v8  }
0x2fd: {  	v7 =	vld [tilespmem:s15+$0xFFFFFFDC]  }
0x2fe: {  	s6 =	sor.u32 $0x300, s5;
	v8 =	vld [tilespmem:s15+$0xFFFFFFEC]  }
0x2ff: {  	[tilespmem:s6+$0xD080] =	vst.add.f32.msk $0xffff, v5  }
0x300: {  	v5 =	vld [tilespmem:s15+$0xFFFFFFF9]  }
0x301: {  	[tilespmem:s1+$0xD080] =	vst.add.f32.msk $0xffff, v6  }
0x302: {  	[tilespmem:s8+$0xD080] =	vst.add.f32.msk $0xffff, v7  }
0x303: {  	[tilespmem:s2+$0xD080] =	vst.add.f32.msk $0xffff, v8  }
0x304: {  	s1 =	sor.u32 $0x380, s5;
	v6 =	vld [tilespmem:s15+$0xFFFFFFCB]  }
0x305: {  	[tilespmem:s1+$0xD080] =	vst.add.f32.msk $0xffff, v5  }
0x306: {  	v5 =	vld [tilespmem:s15+$0xFFFFFFDB]  }
0x307: {  	v7 =	vld [tilespmem:s15+$0xFFFFFFEB]  }
0x308: {  	[tilespmem:s28+$0xD080] =	vst.add.f32.msk $0xffff, v3;
	s28 =	smov.u32 s30  }
0x309: {  	[tilespmem:s22+$0xD080] =	vst.add.f32.msk $0xffff, v6  }
0x30a: {  	v3 =	vld [tilespmem:s15+$0xFFFFFFCA]  }
0x30b: {  	[tilespmem:s31+$0xD080] =	vst.add.f32.msk $0xffff, v5  }
0x30c: {  	[tilespmem:s24+$0xD080] =	vst.add.f32.msk $0xffff, v7  }
0x30d: {  	v6 =	vld [tilespmem:s15+$0xFFFFFFDA]  }
0x30e: {  	v7 =	vld [tilespmem:s15+$0xFFFFFFEA]  }
0x30f: {  	[tilespmem:s23+$0xD080] =	vst.add.f32.msk $0xffff, v3  }
.Ltmp4:
0x310: {  	v5 =	vld [tilespmem:s15+$0xFFFFFFC9];
	(pc) =	sbr.rel @p1 .LBB2_11-.Ltmp4, $4  }
0x311: {  	[tilespmem:s10+$0xD080] =	vst.add.f32.msk $0xffff, v4;
	s10 =	smov.u32 s21  }
0x312: {  	[tilespmem:s4+$0xD080] =	vst.add.f32.msk $0xffff, v6  }
0x313: {  	[tilespmem:s12+$0xD080] =	vst.add.f32.msk $0xffff, v7  }
0x314: {  	s29 =	sadd.s32 $0x2, s29;
	p0 =	por !p0, !p0;
	v3 =	vld [tilespmem:s15+$0xFFFFFFD9]  }
0x315: {  	v4 =	vld [tilespmem:s15+$0xFFFFFFE9];
	s1 =	rddreg [dreg:$0x19];
	s13 =	sadd.s32 $0x1, s13  }
0x316: {  	[tilespmem:s11+$0xD080] =	vst.add.f32.msk $0xffff, v5;
	s30 =	rddreg [dreg:$0x2];
	p0 =	sne.s32 s13, $0x20  }
.Ltmp5:
0x317: {  	s1 =	sshll.u32 s1, $0xB;
	s2 =	rddreg [dreg:$0x4];
	(pc) =	sbr.rel @p0 .LBB2_4-.Ltmp5, $4  }
0x318: {  	s31 =	simm.s32 $0x0;
	s4 =	simm.s32 $0xD080;
	s1 =	sadd.s32 s2, s1  }
0x319: {  	s14 =	sadd.s32 $0xFFFFFFE0, s14;
	s0 =	sadd.s32 $0xFFFFFFE0, s0;
	s1 =	sshrl.u32 s1, $0x3;
	[tilespmem:s28+$0xD080] =	vst.add.f32.msk $0xffff, v3  }
0x31a: {  	s16 =	sadd.s32 $0xFFFFFFE0, s16;
	s17 =	sadd.s32 $0xFFFFFFE0, s17;
	s1 =	sadd.s32 s30, s1;
	[tilespmem:s10+$0xD080] =	vst.add.f32.msk $0xffff, v4  }
0x31b: {  	[hbm4b:s1+s31] =	stream.linear.scatter [tilespmem:s4], [sflag:$0x8], $0x4000, $0x38;
	[tilespmem:$0x11080] =	vst v63  }
0x31c: {  	s0 =	simm.s32 $0x5  }
0x31d: {  	_ =	swait.ge [sflag:s0], $0x4000  }
0x31e: {  	[sflag:s0] =	ssyncset.done $0x0  }
0x31f: {  	s29 =	simm.s32 $0x6;
	[sflag:s0] =	ssyncadd.s32 $0xFFFFC000  }
0x320: {  	_ =	swait.ge [sflag:s29], $0x4000  }
0x321: {  	[sflag:s29] =	ssyncset.done $0x0  }
0x322: {  	s30 =	simm.s32 $0x7;
	[sflag:s29] =	ssyncadd.s32 $0xFFFFC000  }
0x323: {  	_ =	swait.ge [sflag:s30], $0x4000  }
0x324: {  	[sflag:s30] =	ssyncset.done $0x0  }
0x325: {  	s1 =	simm.s32 $0x8;
	[sflag:s30] =	ssyncadd.s32 $0xFFFFC000  }
0x326: {  	_ =	swait.ge [sflag:s1], $0x4000  }
0x327: {  	s2 =	rddreg [dreg:$0x11]  }
0x328: {  	s31 =	rddreg [dreg:$0xc];
	s2 =	sadd.s32 $0x1, s2  }
0x329: {  	p0 =	sne.s32 s2, s31  }
.Ltmp6:
0x32a: {  	_ = 	snop;
	(pc) =	sbr.rel @p0 .LBB2_1-.Ltmp6, $3  }
0x32b: {  	_ =	sdelay $0x1  }
0x32c: {  	[sflag:s1] =	ssyncset.done $0x0  }
0x32d: {  	[sflag:s1] =	ssyncadd.s32 $0xFFFFC000  }
0x32e: {  	_ =	sfence.sel $0x180000  }
0x32f: {  	[bflag:$0x0] =	sbarrier.arrive $0xFFFF  }
0x330: {  	_ =	strace $0x90000047  }
0x331: {  	s0 =	stileid.u32;
	[bflag:$0x2] =	sbarrier.arrive $0xFFFF  }
0x332: {  	p0 =	sne.s32 s0, $0x0;
	s0 =	rddreg [dreg:$0x3]  }
0x333: {  	s0 =	sadd.s32 @!p0 $0x100000, s0  }
0x334: {  	[sflag:s0] =	ssyncadd.tile.s32 @!p0 $0x1;
	_ =	shalt  }
.Lfunc_end2:
_tile_overlayer_lowered:
.L_overlay_start_2:
0x335: {  	(tag) =	ssettag $0x2  }
0x336: {  	s0 =	rddreg [dreg:$0x0];
	s2 =	stileid.u32  }
0x337: {  	s1 =	rddreg [dreg:$0x1];
	p0 =	sne.s32 s2, $0x0  }
0x338: {  	s3 =	rddreg [dreg:$0x2];
	[bflag:$0x3] =	sbarrier.arrive $0xFFFF;
	s2 =	simm.s32 @!p0 $0x1C09  }
0x339: {  	[timem:s3], [sflag:s2] =	dma.local @!p0 [hbm:s0], s1  }
0x33a: {  	s0 =	simm.s32 @!p0 $0x9  }
0x33b: {  	_ =	swait.ge @!p0 [sflag:s0], s1  }
0x33c: {  	s1 =	ssub.s32 @!p0 $0x0, s1;
	[sflag:s0] =	ssyncset.done @!p0 $0x0  }
0x33d: {  	[sflag:s0] =	ssyncadd.s32 @!p0 s1  }
0x33e: {  	[bflag:$0x3] =	sbarrier.arrive $0xFFFF  }
0x33f: {  	_ =	shalt  }

</sc_bundles>
